<compile_context>
chip_gen: v7x
topology: tpu7x:2x2x1
jax: 0.10.2.dev20260603
libtpu: 0.0.44.dev20260713+nightly
codegen_flags: <defaults>
</compile_context>

<pallas_src>
import functools

import numpy as np
import jax
import jax.numpy as jnp
from jax import lax
from jax.experimental import pallas as pl
from jax.experimental.pallas import tpu as pltpu
from jax.experimental.pallas import tpu_sc as plsc

_N = 10000
_E = 160000
_NW = 32
_EPT = 5120
_EPAD = _NW * _EPT
_CH = 128
_NCHUNK = _EPT // _CH
_NBLK = _CH // 16
_ISTEP = 11.0 / 2.0
_CST = float(1.14136 * np.exp(2.0) * np.sqrt(10.0))
_IS10 = float(1.0 / np.sqrt(10.0))
_SQ2 = float(np.sqrt(2.0))
_KN = float(1.0 / (16.0 * np.sqrt(128.0)))


def _bf16r(v):
    b = lax.bitcast_convert_type(v, jnp.int32)
    b = b + jnp.int32(0x7FFF) + ((b >> 16) & 1)
    return lax.bitcast_convert_type(b & jnp.int32(-65536), jnp.float32)


def _soft_exp(a):
    a = jnp.maximum(a, -87.0)
    n = (a * 1.4426950408889634 - 0.5).astype(jnp.int32)
    nf = n.astype(jnp.float32)
    g = a - nf * 0.6931471824645996
    g = g - nf * -1.904654323148236e-09
    p = 1.0 + g * (1.0 + g * (0.5 + g * (0.16666666 + g * (0.041666668
        + g * 0.008333334))))
    scale = lax.bitcast_convert_type((n + 127) << 23, jnp.float32)
    return p * scale


def _tc_matmul_body(x_ref, w_ref, o_ref):
    x = x_ref[...]
    w = w_ref[...]
    xh = x.astype(jnp.bfloat16).astype(jnp.float32)
    xl = x - xh
    wh = w.astype(jnp.bfloat16).astype(jnp.float32)
    wl = w - wh
    hi = jax.lax.Precision.HIGHEST
    o_ref[...] = (jnp.dot(xh, wh, precision=hi,
                          preferred_element_type=jnp.float32)
                  + (jnp.dot(xh, wl, precision=hi,
                             preferred_element_type=jnp.float32)
                     + (jnp.dot(xl, wh, precision=hi,
                                preferred_element_type=jnp.float32)
                        + jnp.dot(xl, wl, precision=hi,
                                  preferred_element_type=jnp.float32))))


def _tc_y(x, w2st):
    return pl.pallas_call(
        _tc_matmul_body,
        grid=(5,),
        in_specs=[pl.BlockSpec((_N // 5, 128), lambda i: (i, 0)),
                  pl.BlockSpec((128, 16), lambda i: (0, 0))],
        out_specs=pl.BlockSpec((_N // 5, 16), lambda i: (i, 0)),
        out_shape=jax.ShapeDtypeStruct((_N, 16), jnp.float32),
    )(x, w2st)


def _sc_edge_sum(posflat, src, dst, y, w1flat):
    mesh = plsc.VectorSubcoreMesh(core_axis_name="c", subcore_axis_name="s")

    @functools.partial(
        pl.kernel,
        mesh=mesh,
        out_type=jax.ShapeDtypeStruct((_NW, 16), jnp.float32),
        compiler_params=pltpu.CompilerParams(
            needs_layout_passes=False, use_tc_tiling_on_sc=False),
        scratch_types=[
            pltpu.VMEM((3 * _N,), jnp.float32),
            pltpu.VMEM((_EPT,), jnp.int32),
            pltpu.VMEM((_EPT,), jnp.int32),
            pltpu.VMEM((160,), jnp.float32),
            pltpu.VMEM((_CH, 16), jnp.float32),
            pltpu.VMEM((_CH, 16), jnp.float32),
            pltpu.VMEM((16,), jnp.float32),
            pltpu.SemaphoreType.DMA,
            pltpu.SemaphoreType.DMA,
            pltpu.SemaphoreType.DMA,
        ],
    )
    def k(pos_hbm, src_hbm, dst_hbm, y_hbm, w1_hbm, out_hbm,
          pos_v, src_v, dst_v, w1_v, ybuf0_v, ybuf1_v, res_v,
          sem0, sem1, semt):
        cid = lax.axis_index("c")
        sid = lax.axis_index("s")
        wid = cid * 16 + sid
        base = wid * _EPT
        pltpu.async_copy(src_hbm.at[pl.ds(base, _EPT)], src_v, semt)
        pltpu.async_copy(dst_hbm.at[pl.ds(base, _EPT)], dst_v, semt)
        pltpu.async_copy(pos_hbm, pos_v, semt)
        pltpu.async_copy(w1_hbm, w1_v, semt)
        pltpu.make_async_copy(src_hbm.at[pl.ds(base, _EPT)], src_v,
                              semt).wait()

        def issue(c, buf, sem):
            pltpu.async_copy(
                y_hbm.at[src_v.at[pl.ds(c * _CH, _CH)]], buf, sem)

        def drain(buf, sem):
            pltpu.make_async_copy(y_hbm.at[pl.ds(0, _CH)], buf, sem).wait()

        issue(0, ybuf0_v, sem0)
        pltpu.make_async_copy(dst_hbm.at[pl.ds(base, _EPT)], dst_v,
                              semt).wait()
        pltpu.make_async_copy(pos_hbm, pos_v, semt).wait()
        pltpu.make_async_copy(w1_hbm, w1_v, semt).wait()

        def compute_chunk(c, ybuf_v, tot):
            def blk(b, carry):
                tot, comp = carry
                del carry
                off = c * _CH + b * 16
                s = src_v[pl.ds(off, 16)] * 3
                d = dst_v[pl.ds(off, 16)] * 3
                dx = plsc.load_gather(pos_v, [d]) - plsc.load_gather(pos_v, [s])
                dy = (plsc.load_gather(pos_v, [d + 1])
                      - plsc.load_gather(pos_v, [s + 1]))
                dz = (plsc.load_gather(pos_v, [d + 2])
                      - plsc.load_gather(pos_v, [s + 2]))
                r2 = dx * dx + dy * dy + dz * dz
                yb = lax.bitcast_convert_type(
                    jnp.int32(0x5F3759DF)
                    - (lax.bitcast_convert_type(r2, jnp.int32) >> 1),
                    jnp.float32)
                h2 = 0.5 * r2
                yb = yb * (1.5 - h2 * yb * yb)
                yb = yb * (1.5 - h2 * yb * yb)
                yb = yb * (1.5 - h2 * yb * yb)
                u = (r2 * yb) * _ISTEP
                f = u.astype(jnp.int32)
                fr = u - f.astype(jnp.float32)
                ta = 1.0 - fr * fr
                tb = fr * (2.0 - fr)
                ea = jnp.where((f >= 1) & (f <= 10), _soft_exp(-2.0 / ta), 0.0)
                eb = jnp.where((f <= 9) & (tb > 0.0), _soft_exp(-2.0 / tb), 0.0)
                ea = _bf16r(ea * _CST)
                eb = _bf16r(eb * _CST)
                ia = jnp.clip(f - 1, 0, 9) * 16
                ib = jnp.clip(f, 0, 9) * 16
                rows = lax.iota(jnp.int32, 16) + b * 16
                bacc = jnp.zeros((16,), jnp.float32)
                for j in range(16):
                    w1a = plsc.load_gather(w1_v, [ia + j])
                    w1b = plsc.load_gather(w1_v, [ib + j])
                    yj = plsc.load_gather(
                        ybuf_v, [rows, jnp.full((16,), j, jnp.int32)])
                    h = jnp.maximum((ea * w1a + eb * w1b) * _IS10, 0.0)
                    h = _bf16r(h * _SQ2)
                    bacc = bacc + h * yj
                yk = bacc - comp
                t = tot + yk
                comp = (t - tot) - yk
                return t, comp

            return lax.fori_loop(0, _NBLK, blk, tot)

        def pair(p, tot):
            c0 = 2 * p
            issue(c0 + 1, ybuf1_v, sem1)
            drain(ybuf0_v, sem0)
            tot = compute_chunk(c0, ybuf0_v, tot)
            issue(jnp.minimum(c0 + 2, _NCHUNK - 1), ybuf0_v, sem0)
            drain(ybuf1_v, sem1)
            return compute_chunk(c0 + 1, ybuf1_v, tot)

        tot, _ = lax.fori_loop(
            0, _NCHUNK // 2, pair,
            (jnp.zeros((16,), jnp.float32), jnp.zeros((16,), jnp.float32)))
        drain(ybuf0_v, sem0)
        res_v[...] = tot
        pltpu.sync_copy(res_v, out_hbm.at[wid])

    return k(posflat, src, dst, y, w1flat)


def kernel(pos, x, edge_index, W1, W2):
    posflat = pos.reshape(-1)
    w2b = W2.astype(jnp.bfloat16).astype(jnp.float32)
    w2s = w2b.reshape(16, 128, 4).sum(-1)
    y = _tc_y(x, w2s.T)
    padn = _EPAD - _E
    src = jnp.concatenate([edge_index[0],
                           jnp.zeros((padn,), jnp.int32)])
    dst = jnp.concatenate([edge_index[1],
                           jnp.zeros((padn,), jnp.int32)])
    w1flat = W1.astype(jnp.bfloat16).astype(jnp.float32).reshape(-1)
    out = _sc_edge_sum(posflat, src, dst, y, w1flat)
    return jnp.stack([out.sum() * _KN])

# --- scband reference (transcript-rebuilt; emitter-appended) ---
"""Pipeline reference for scband-tsbarrier-model-12051678233119 (READ-ONLY COPY).

The authoritative reference and input builder live on the scoring server;
editing this copy changes nothing except your own understanding.
"""

import jax, jax.numpy as jnp
import numpy as np

N = 10000
E = 160000
D_IN = 128
D_OUT = 4
NUM_BASIS = 10
HIDDEN = 16
MAX_RADIUS = 2.0
NUM_NEIGHBORS = 16
WEIGHT_NUMEL = D_IN * 1 * D_OUT  # FullyConnectedTensorProduct(128x0e, 1x0e -> 4x0e)


def _sus(x):
    # e3nn soft unit step: exp(-1/x) for x>0 else 0
    return jnp.where(x > 0.0, jnp.exp(-1.0 / jnp.where(x > 0.0, x, 1.0)), 0.0)


def _soft_one_hot_smooth_finite(x):
    # e3nn soft_one_hot_linspace(basis='smooth_finite', cutoff=True)
    values = jnp.linspace(0.0, MAX_RADIUS, NUM_BASIS + 2)[1:-1]
    step = values[1] - values[0]
    diff = (x[:, None] - values[None, :]) / step
    return 1.14136 * np.exp(2.0) * _sus(diff + 1.0) * _sus(1.0 - diff)


def setup_inputs(seed: int = 0) -> dict:
    key = jax.random.key(seed)
    k1, k2, k3, k4, k5 = jax.random.split(key, 5)
    pos = jax.random.uniform(k1, (N, 3), dtype=jnp.float32)
    x = jax.random.normal(k2, (N, D_IN), dtype=jnp.float32)
    edge_index = jax.random.randint(k3, (2, E), 0, N, dtype=jnp.int32)
    # e3nn FullyConnectedNet([num_basis, 16, weight_numel]) parameters (no biases, normal init)
    W1 = jax.random.normal(k4, (NUM_BASIS, HIDDEN), dtype=jnp.float32)
    W2 = jax.random.normal(k5, (HIDDEN, WEIGHT_NUMEL), dtype=jnp.float32)
    return {"pos": pos, "x": x, "edge_index": edge_index, "W1": W1, "W2": W2}


def reference(pos, x, edge_index, W1, W2):
    edge_src = edge_index[0]
    edge_dst = edge_index[1]
    edge_vec = pos[edge_dst] - pos[edge_src]
    # spherical_harmonics('1x0e', normalize=True, normalization='component') -> constant 1 per edge
    sh = jnp.ones((edge_vec.shape[0], 1), dtype=pos.dtype)
    r = jnp.linalg.norm(edge_vec, axis=1)
    emb = _soft_one_hot_smooth_finite(r) * (NUM_BASIS ** 0.5)
    # FullyConnectedNet: x = normalize2mom(relu)(x @ W / sqrt(fan_in)); last layer linear
    h = jnp.maximum(emb @ W1 / np.sqrt(NUM_BASIS), 0.0) * np.sqrt(2.0)
    w = (h @ W2) / np.sqrt(HIDDEN)  # [E, weight_numel]
    w = w.reshape(-1, D_IN, D_OUT)
    # FullyConnectedTensorProduct (scalar x scalar -> scalar, shared_weights=False)
    # path normalization: 1/sqrt(mul_in1 * mul_in2) = 1/sqrt(128)
    x_src = jnp.take(x, edge_src, axis=0)
    out_edges = jnp.einsum('ei,eio->eo', x_src, w) * sh / np.sqrt(D_IN)
    node_out = jax.ops.segment_sum(out_edges, edge_dst, num_segments=N) / np.sqrt(NUM_NEIGHBORS)
    # dataset of a single graph -> output_vector has one entry: sum of scattered output
    return jnp.stack([node_out.sum()])

if __name__ == "__main__":
    import jax
    _d = setup_inputs()
    print(jax.jit(kernel)(*tuple(_d.values())))

</pallas_src>

<mosaic_0001>
#map = affine_map<(d0, d1) -> (0)>
#map1 = affine_map<(d0, d1) -> (0, 0)>
module attributes {stable_mosaic.version = 14 : i64} {
  func.func @k(%arg0: i32, %arg1: i32, %arg2: memref<30000xf32, #tpu.memory_space<hbm>>, %arg3: memref<163840xi32, #tpu.memory_space<hbm>>, %arg4: memref<163840xi32, #tpu.memory_space<hbm>>, %arg5: memref<10000x16xf32, #tpu.memory_space<hbm>>, %arg6: memref<160xf32, #tpu.memory_space<hbm>>, %arg7: memref<32x16xf32, #tpu.memory_space<hbm>>, %arg8: memref<30000xf32, #tpu.memory_space<vmem>>, %arg9: memref<5120xi32, #tpu.memory_space<vmem>>, %arg10: memref<5120xi32, #tpu.memory_space<vmem>>, %arg11: memref<160xf32, #tpu.memory_space<vmem>>, %arg12: memref<128x16xf32, #tpu.memory_space<vmem>>, %arg13: memref<128x16xf32, #tpu.memory_space<vmem>>, %arg14: memref<16xf32, #tpu.memory_space<vmem>>, %arg15: memref<!tpu.dma_semaphore, #tpu.memory_space<semaphore_mem>>, %arg16: memref<!tpu.dma_semaphore, #tpu.memory_space<semaphore_mem>>, %arg17: memref<!tpu.dma_semaphore, #tpu.memory_space<semaphore_mem>>) attributes {dimension_semantics = [#tpu.dimension_semantics<core_parallel>, #tpu.dimension_semantics<subcore_parallel>], iteration_bounds = array<i64: 2, 16>, scalar_prefetch = 0 : i64, scratch_operands = 10 : i64, tpu.core_type = #tpu.core_type<sc_vector_subcore>, window_params = [{transform_indices = #map}, {transform_indices = #map}, {transform_indices = #map}, {transform_indices = #map1}, {transform_indices = #map}, {transform_indices = #map1}]} {
    %mul3A = arith.constant 16 : i32
    %mul3A_0 = arith.muli %arg0, %mul3A : i32
    %add3A = arith.addi %mul3A_0, %arg1 : i32
    %mul3A_1 = arith.constant 5120 : i32
    %mul3A_2 = arith.muli %add3A, %mul3A_1 : i32
    %dma_start3A = tpu.memref_slice %arg3[%mul3A_2] : memref<163840xi32, #tpu.memory_space<hbm>> -> memref<5120xi32, #tpu.memory_space<hbm>>
    %dma_start3A_3 = tpu.memref_slice %arg3[%mul3A_2] : memref<163840xi32, #tpu.memory_space<hbm>> -> memref<5120xi32, #tpu.memory_space<hbm>>
    tpu.enqueue_dma source(%dma_start3A_3 : memref<5120xi32, #tpu.memory_space<hbm>>) target(%arg9 : memref<5120xi32, #tpu.memory_space<vmem>>) target_semaphore(%arg17 : memref<!tpu.dma_semaphore, #tpu.memory_space<semaphore_mem>>)
    %dma_start3A_4 = tpu.memref_slice %arg4[%mul3A_2] : memref<163840xi32, #tpu.memory_space<hbm>> -> memref<5120xi32, #tpu.memory_space<hbm>>
    %dma_start3A_5 = tpu.memref_slice %arg4[%mul3A_2] : memref<163840xi32, #tpu.memory_space<hbm>> -> memref<5120xi32, #tpu.memory_space<hbm>>
    tpu.enqueue_dma source(%dma_start3A_5 : memref<5120xi32, #tpu.memory_space<hbm>>) target(%arg10 : memref<5120xi32, #tpu.memory_space<vmem>>) target_semaphore(%arg17 : memref<!tpu.dma_semaphore, #tpu.memory_space<semaphore_mem>>)
    tpu.enqueue_dma source(%arg2 : memref<30000xf32, #tpu.memory_space<hbm>>) target(%arg8 : memref<30000xf32, #tpu.memory_space<vmem>>) target_semaphore(%arg17 : memref<!tpu.dma_semaphore, #tpu.memory_space<semaphore_mem>>)
    tpu.enqueue_dma source(%arg6 : memref<160xf32, #tpu.memory_space<hbm>>) target(%arg11 : memref<160xf32, #tpu.memory_space<vmem>>) target_semaphore(%arg17 : memref<!tpu.dma_semaphore, #tpu.memory_space<semaphore_mem>>)
    %dma_wait3A = tpu.memref_slice %arg3[%mul3A_2] : memref<163840xi32, #tpu.memory_space<hbm>> -> memref<5120xi32, #tpu.memory_space<hbm>>
    %dma_wait3A_6 = tpu.memref_slice %arg3[%mul3A_2] : memref<163840xi32, #tpu.memory_space<hbm>> -> memref<5120xi32, #tpu.memory_space<hbm>>
    tpu.wait_dma2 semaphore(%arg17 : memref<!tpu.dma_semaphore, #tpu.memory_space<semaphore_mem>>) src(%dma_wait3A_6 : memref<5120xi32, #tpu.memory_space<hbm>>) dst(%arg9 : memref<5120xi32, #tpu.memory_space<vmem>>)
    %dma_start3A_7 = arith.constant 0 : i32
    %dma_start3A_8 = tpu.memref_slice %arg9[%dma_start3A_7] : memref<5120xi32, #tpu.memory_space<vmem>> -> memref<128xi32, #tpu.memory_space<vmem>>
    %dma_start3A_9 = arith.constant 0 : i32
    %dma_start3A_10 = arith.constant 0 : i32
    %dma_start3A_11 = tpu.memref_slice %arg5[%dma_start3A_9, %dma_start3A_10] : memref<10000x16xf32, #tpu.memory_space<hbm>> -> memref<10000x16xf32, #tpu.memory_space<hbm>>
    tpu.enqueue_indirect_dma source(%dma_start3A_11 : memref<10000x16xf32, #tpu.memory_space<hbm>>) target(%arg12 : memref<128x16xf32, #tpu.memory_space<vmem>>) offsets(%dma_start3A_8 : memref<128xi32, #tpu.memory_space<vmem>>) semaphore(%arg15 : memref<!tpu.dma_semaphore, #tpu.memory_space<semaphore_mem>>)
    %dma_wait3A_12 = tpu.memref_slice %arg4[%mul3A_2] : memref<163840xi32, #tpu.memory_space<hbm>> -> memref<5120xi32, #tpu.memory_space<hbm>>
    %dma_wait3A_13 = tpu.memref_slice %arg4[%mul3A_2] : memref<163840xi32, #tpu.memory_space<hbm>> -> memref<5120xi32, #tpu.memory_space<hbm>>
    tpu.wait_dma2 semaphore(%arg17 : memref<!tpu.dma_semaphore, #tpu.memory_space<semaphore_mem>>) src(%dma_wait3A_13 : memref<5120xi32, #tpu.memory_space<hbm>>) dst(%arg10 : memref<5120xi32, #tpu.memory_space<vmem>>)
    tpu.wait_dma2 semaphore(%arg17 : memref<!tpu.dma_semaphore, #tpu.memory_space<semaphore_mem>>) src(%arg2 : memref<30000xf32, #tpu.memory_space<hbm>>) dst(%arg8 : memref<30000xf32, #tpu.memory_space<vmem>>)
    tpu.wait_dma2 semaphore(%arg17 : memref<!tpu.dma_semaphore, #tpu.memory_space<semaphore_mem>>) src(%arg6 : memref<160xf32, #tpu.memory_space<hbm>>) dst(%arg11 : memref<160xf32, #tpu.memory_space<vmem>>)
    %broadcast_in_dim3A = arith.constant 0.000000e+00 : f32
    %broadcast_in_dim3A_14 = vector.broadcast %broadcast_in_dim3A : f32 to vector<16xf32>
    %broadcast_in_dim3A_15 = arith.constant 0.000000e+00 : f32
    %broadcast_in_dim3A_16 = vector.broadcast %broadcast_in_dim3A_15 : f32 to vector<16xf32>
    %scan3A = arith.constant 0 : i32
    %scan3A_17 = arith.constant 20 : i32
    %scan3A_18 = arith.addi %scan3A, %scan3A_17 : i32
    %scan3A_19 = arith.constant 1 : i32
    %scan3A_20:2 = scf.for %scan3A_29 = %scan3A to %scan3A_18 step %scan3A_19 iter_args(%scan3A_30 = %broadcast_in_dim3A_14, %scan3A_31 = %broadcast_in_dim3A_16) -> (vector<16xf32>, vector<16xf32>)  : i32 {
      %mul3A_32 = arith.constant 2 : i32
      %mul3A_33 = arith.muli %mul3A_32, %scan3A_29 : i32
      %add3A_34 = arith.constant 1 : i32
      %add3A_35 = arith.addi %mul3A_33, %add3A_34 : i32
      %mul3A_36 = arith.constant 128 : i32
      %mul3A_37 = arith.muli %add3A_35, %mul3A_36 : i32
      %dma_start3A_38 = tpu.memref_slice %arg9[%mul3A_37] : memref<5120xi32, #tpu.memory_space<vmem>> -> memref<128xi32, #tpu.memory_space<vmem>>
      %dma_start3A_39 = arith.constant 0 : i32
      %dma_start3A_40 = arith.constant 0 : i32
      %dma_start3A_41 = tpu.memref_slice %arg5[%dma_start3A_39, %dma_start3A_40] : memref<10000x16xf32, #tpu.memory_space<hbm>> -> memref<10000x16xf32, #tpu.memory_space<hbm>>
      tpu.enqueue_indirect_dma source(%dma_start3A_41 : memref<10000x16xf32, #tpu.memory_space<hbm>>) target(%arg13 : memref<128x16xf32, #tpu.memory_space<vmem>>) offsets(%dma_start3A_38 : memref<128xi32, #tpu.memory_space<vmem>>) semaphore(%arg16 : memref<!tpu.dma_semaphore, #tpu.memory_space<semaphore_mem>>)
      %dma_wait3A_42 = arith.constant 0 : i32
      %dma_wait3A_43 = arith.constant 0 : i32
      %dma_wait3A_44 = tpu.memref_slice %arg5[%dma_wait3A_42, %dma_wait3A_43] : memref<10000x16xf32, #tpu.memory_space<hbm>> -> memref<128x16xf32, #tpu.memory_space<hbm>>
      %dma_wait3A_45 = arith.constant 0 : i32
      %dma_wait3A_46 = arith.constant 0 : i32
      %dma_wait3A_47 = tpu.memref_slice %arg5[%dma_wait3A_45, %dma_wait3A_46] : memref<10000x16xf32, #tpu.memory_space<hbm>> -> memref<128x16xf32, #tpu.memory_space<hbm>>
      tpu.wait_dma2 semaphore(%arg15 : memref<!tpu.dma_semaphore, #tpu.memory_space<semaphore_mem>>) src(%dma_wait3A_47 : memref<128x16xf32, #tpu.memory_space<hbm>>) dst(%arg12 : memref<128x16xf32, #tpu.memory_space<vmem>>)
      %scan3A_48 = arith.constant 0 : i32
      %scan3A_49 = arith.constant 8 : i32
      %scan3A_50 = arith.addi %scan3A_48, %scan3A_49 : i32
      %scan3A_51 = arith.constant 1 : i32
      %scan3A_52:2 = scf.for %scan3A_77 = %scan3A_48 to %scan3A_50 step %scan3A_51 iter_args(%scan3A_78 = %scan3A_30, %scan3A_79 = %scan3A_31) -> (vector<16xf32>, vector<16xf32>)  : i32 {
        %mul3A_80 = arith.constant 128 : i32
        %mul3A_81 = arith.muli %mul3A_33, %mul3A_80 : i32
        %mul3A_82 = arith.constant 16 : i32
        %mul3A_83 = arith.muli %scan3A_77, %mul3A_82 : i32
        %add3A_84 = arith.addi %mul3A_81, %mul3A_83 : i32
        %get3A = arith.index_cast %add3A_84 : i32 to index
        %get3A_85 = tpu.vector_load %arg9[%get3A] {strides = array<i32>} : memref<5120xi32, #tpu.memory_space<vmem>>, vector<16xi32>,
        %mul3A_86 = arith.constant 3 : i32
        %mul3A_87 = vector.broadcast %mul3A_86 : i32 to vector<16xi32>
        %mul3A_88 = arith.muli %get3A_85, %mul3A_87 : vector<16xi32>
        %get3A_89 = arith.index_cast %add3A_84 : i32 to index
        %get3A_90 = tpu.vector_load %arg10[%get3A_89] {strides = array<i32>} : memref<5120xi32, #tpu.memory_space<vmem>>, vector<16xi32>,
        %mul3A_91 = arith.constant 3 : i32
        %mul3A_92 = vector.broadcast %mul3A_91 : i32 to vector<16xi32>
        %mul3A_93 = arith.muli %get3A_90, %mul3A_92 : vector<16xi32>
        %gather3A = tpu.vector_load_idx %arg8[%mul3A_93] : memref<30000xf32, #tpu.memory_space<vmem>>[vector<16xi32>], vector<16xf32>,
        %gather3A_94 = tpu.vector_load_idx %arg8[%mul3A_88] : memref<30000xf32, #tpu.memory_space<vmem>>[vector<16xi32>], vector<16xf32>,
        %sub3A = arith.subf %gather3A, %gather3A_94 : vector<16xf32>
        %add3A_95 = arith.constant 1 : i32
        %add3A_96 = vector.broadcast %add3A_95 : i32 to vector<16xi32>
        %add3A_97 = arith.addi %mul3A_93, %add3A_96 : vector<16xi32>
        %gather3A_98 = tpu.vector_load_idx %arg8[%add3A_97] : memref<30000xf32, #tpu.memory_space<vmem>>[vector<16xi32>], vector<16xf32>,
        %add3A_99 = arith.constant 1 : i32
        %add3A_100 = vector.broadcast %add3A_99 : i32 to vector<16xi32>
        %add3A_101 = arith.addi %mul3A_88, %add3A_100 : vector<16xi32>
        %gather3A_102 = tpu.vector_load_idx %arg8[%add3A_101] : memref<30000xf32, #tpu.memory_space<vmem>>[vector<16xi32>], vector<16xf32>,
        %sub3A_103 = arith.subf %gather3A_98, %gather3A_102 : vector<16xf32>
        %add3A_104 = arith.constant 2 : i32
        %add3A_105 = vector.broadcast %add3A_104 : i32 to vector<16xi32>
        %add3A_106 = arith.addi %mul3A_93, %add3A_105 : vector<16xi32>
        %gather3A_107 = tpu.vector_load_idx %arg8[%add3A_106] : memref<30000xf32, #tpu.memory_space<vmem>>[vector<16xi32>], vector<16xf32>,
        %add3A_108 = arith.constant 2 : i32
        %add3A_109 = vector.broadcast %add3A_108 : i32 to vector<16xi32>
        %add3A_110 = arith.addi %mul3A_88, %add3A_109 : vector<16xi32>
        %gather3A_111 = tpu.vector_load_idx %arg8[%add3A_110] : memref<30000xf32, #tpu.memory_space<vmem>>[vector<16xi32>], vector<16xf32>,
        %sub3A_112 = arith.subf %gather3A_107, %gather3A_111 : vector<16xf32>
        %mul3A_113 = arith.mulf %sub3A, %sub3A : vector<16xf32>
        %mul3A_114 = arith.mulf %sub3A_103, %sub3A_103 : vector<16xf32>
        %add3A_115 = arith.addf %mul3A_113, %mul3A_114 : vector<16xf32>
        %mul3A_116 = arith.mulf %sub3A_112, %sub3A_112 : vector<16xf32>
        %add3A_117 = arith.addf %add3A_115, %mul3A_116 : vector<16xf32>
        %bitcast_convert_type3A = tpu.bitcast %add3A_117 : vector<16xf32> -> vector<16xi32>
        %shift_right_arithmetic3A = arith.constant 1 : i32
        %shift_right_arithmetic3A_118 = vector.broadcast %shift_right_arithmetic3A : i32 to vector<16xi32>
        %shift_right_arithmetic3A_119 = arith.shrsi %bitcast_convert_type3A, %shift_right_arithmetic3A_118 : vector<16xi32>
        %sub3A_120 = arith.constant 1597463007 : i32
        %sub3A_121 = vector.broadcast %sub3A_120 : i32 to vector<16xi32>
        %sub3A_122 = arith.subi %sub3A_121, %shift_right_arithmetic3A_119 : vector<16xi32>
        %bitcast_convert_type3A_123 = tpu.bitcast %sub3A_122 : vector<16xi32> -> vector<16xf32>
        %mul3A_124 = arith.constant 5.000000e-01 : f32
        %mul3A_125 = vector.broadcast %mul3A_124 : f32 to vector<16xf32>
        %mul3A_126 = arith.mulf %mul3A_125, %add3A_117 : vector<16xf32>
        %mul3A_127 = arith.mulf %mul3A_126, %bitcast_convert_type3A_123 : vector<16xf32>
        %mul3A_128 = arith.mulf %mul3A_127, %bitcast_convert_type3A_123 : vector<16xf32>
        %sub3A_129 = arith.constant 1.500000e+00 : f32
        %sub3A_130 = vector.broadcast %sub3A_129 : f32 to vector<16xf32>
        %sub3A_131 = arith.subf %sub3A_130, %mul3A_128 : vector<16xf32>
        %mul3A_132 = arith.mulf %bitcast_convert_type3A_123, %sub3A_131 : vector<16xf32>
        %mul3A_133 = arith.mulf %mul3A_126, %mul3A_132 : vector<16xf32>
        %mul3A_134 = arith.mulf %mul3A_133, %mul3A_132 : vector<16xf32>
        %sub3A_135 = arith.constant 1.500000e+00 : f32
        %sub3A_136 = vector.broadcast %sub3A_135 : f32 to vector<16xf32>
        %sub3A_137 = arith.subf %sub3A_136, %mul3A_134 : vector<16xf32>
        %mul3A_138 = arith.mulf %mul3A_132, %sub3A_137 : vector<16xf32>
        %mul3A_139 = arith.mulf %mul3A_126, %mul3A_138 : vector<16xf32>
        %mul3A_140 = arith.mulf %mul3A_139, %mul3A_138 : vector<16xf32>
        %sub3A_141 = arith.constant 1.500000e+00 : f32
        %sub3A_142 = vector.broadcast %sub3A_141 : f32 to vector<16xf32>
        %sub3A_143 = arith.subf %sub3A_142, %mul3A_140 : vector<16xf32>
        %mul3A_144 = arith.mulf %mul3A_138, %sub3A_143 : vector<16xf32>
        %mul3A_145 = arith.mulf %add3A_117, %mul3A_144 : vector<16xf32>
        %mul3A_146 = arith.constant 5.500000e+00 : f32
        %mul3A_147 = vector.broadcast %mul3A_146 : f32 to vector<16xf32>
        %mul3A_148 = arith.mulf %mul3A_145, %mul3A_147 : vector<16xf32>
        %convert_element_type3A = arith.fptosi %mul3A_148 : vector<16xf32> to vector<16xi32>
        %convert_element_type3A_149 = arith.sitofp %convert_element_type3A : vector<16xi32> to vector<16xf32>
        %sub3A_150 = arith.subf %mul3A_148, %convert_element_type3A_149 : vector<16xf32>
        %mul3A_151 = arith.mulf %sub3A_150, %sub3A_150 : vector<16xf32>
        %sub3A_152 = arith.constant 1.000000e+00 : f32
        %sub3A_153 = vector.broadcast %sub3A_152 : f32 to vector<16xf32>
        %sub3A_154 = arith.subf %sub3A_153, %mul3A_151 : vector<16xf32>
        %sub3A_155 = arith.constant 2.000000e+00 : f32
        %sub3A_156 = vector.broadcast %sub3A_155 : f32 to vector<16xf32>
        %sub3A_157 = arith.subf %sub3A_156, %sub3A_150 : vector<16xf32>
        %mul3A_158 = arith.mulf %sub3A_150, %sub3A_157 : vector<16xf32>
        %ge3A = arith.constant 1 : i32
        %ge3A_159 = vector.broadcast %ge3A : i32 to vector<16xi32>
        %ge3A_160 = arith.cmpi sge, %convert_element_type3A, %ge3A_159 : vector<16xi32>
        %le3A = arith.constant 10 : i32
        %le3A_161 = vector.broadcast %le3A : i32 to vector<16xi32>
        %le3A_162 = arith.cmpi sle, %convert_element_type3A, %le3A_161 : vector<16xi32>
        %and3A = arith.andi %ge3A_160, %le3A_162 : vector<16xi1>
        %div3A = arith.constant -2.000000e+00 : f32
        %div3A_163 = vector.broadcast %div3A : f32 to vector<16xf32>
        %div3A_164 = arith.divf %div3A_163, %sub3A_154 : vector<16xf32>
        %max3A = arith.constant -8.700000e+01 : f32
        %max3A_165 = vector.broadcast %max3A : f32 to vector<16xf32>
        %max3A_166 = arith.maximumf %div3A_164, %max3A_165 : vector<16xf32>
        %mul3A_167 = arith.constant 1.44269502 : f32
        %mul3A_168 = vector.broadcast %mul3A_167 : f32 to vector<16xf32>
        %mul3A_169 = arith.mulf %max3A_166, %mul3A_168 : vector<16xf32>
        %sub3A_170 = arith.constant 5.000000e-01 : f32
        %sub3A_171 = vector.broadcast %sub3A_170 : f32 to vector<16xf32>
        %sub3A_172 = arith.subf %mul3A_169, %sub3A_171 : vector<16xf32>
        %convert_element_type3A_173 = arith.fptosi %sub3A_172 : vector<16xf32> to vector<16xi32>
        %convert_element_type3A_174 = arith.sitofp %convert_element_type3A_173 : vector<16xi32> to vector<16xf32>
        %mul3A_175 = arith.constant 0.693147182 : f32
        %mul3A_176 = vector.broadcast %mul3A_175 : f32 to vector<16xf32>
        %mul3A_177 = arith.mulf %convert_element_type3A_174, %mul3A_176 : vector<16xf32>
        %sub3A_178 = arith.subf %max3A_166, %mul3A_177 : vector<16xf32>
        %mul3A_179 = arith.constant -1.90465421E-9 : f32
        %mul3A_180 = vector.broadcast %mul3A_179 : f32 to vector<16xf32>
        %mul3A_181 = arith.mulf %convert_element_type3A_174, %mul3A_180 : vector<16xf32>
        %sub3A_182 = arith.subf %sub3A_178, %mul3A_181 : vector<16xf32>
        %mul3A_183 = arith.constant 0.00833333377 : f32
        %mul3A_184 = vector.broadcast %mul3A_183 : f32 to vector<16xf32>
        %mul3A_185 = arith.mulf %sub3A_182, %mul3A_184 : vector<16xf32>
        %add3A_186 = arith.constant 0.0416666679 : f32
        %add3A_187 = vector.broadcast %add3A_186 : f32 to vector<16xf32>
        %add3A_188 = arith.addf %add3A_187, %mul3A_185 : vector<16xf32>
        %mul3A_189 = arith.mulf %sub3A_182, %add3A_188 : vector<16xf32>
        %add3A_190 = arith.constant 0.166666657 : f32
        %add3A_191 = vector.broadcast %add3A_190 : f32 to vector<16xf32>
        %add3A_192 = arith.addf %add3A_191, %mul3A_189 : vector<16xf32>
        %mul3A_193 = arith.mulf %sub3A_182, %add3A_192 : vector<16xf32>
        %add3A_194 = arith.constant 5.000000e-01 : f32
        %add3A_195 = vector.broadcast %add3A_194 : f32 to vector<16xf32>
        %add3A_196 = arith.addf %add3A_195, %mul3A_193 : vector<16xf32>
        %mul3A_197 = arith.mulf %sub3A_182, %add3A_196 : vector<16xf32>
        %add3A_198 = arith.constant 1.000000e+00 : f32
        %add3A_199 = vector.broadcast %add3A_198 : f32 to vector<16xf32>
        %add3A_200 = arith.addf %add3A_199, %mul3A_197 : vector<16xf32>
        %mul3A_201 = arith.mulf %sub3A_182, %add3A_200 : vector<16xf32>
        %add3A_202 = arith.constant 1.000000e+00 : f32
        %add3A_203 = vector.broadcast %add3A_202 : f32 to vector<16xf32>
        %add3A_204 = arith.addf %add3A_203, %mul3A_201 : vector<16xf32>
        %add3A_205 = arith.constant 127 : i32
        %add3A_206 = vector.broadcast %add3A_205 : i32 to vector<16xi32>
        %add3A_207 = arith.addi %convert_element_type3A_173, %add3A_206 : vector<16xi32>
        %shift_left3A = arith.constant 23 : i32
        %shift_left3A_208 = vector.broadcast %shift_left3A : i32 to vector<16xi32>
        %shift_left3A_209 = arith.shli %add3A_207, %shift_left3A_208 : vector<16xi32>
        %bitcast_convert_type3A_210 = tpu.bitcast %shift_left3A_209 : vector<16xi32> -> vector<16xf32>
        %mul3A_211 = arith.mulf %add3A_204, %bitcast_convert_type3A_210 : vector<16xf32>
        %jit3A = arith.constant 0.000000e+00 : f32
        %broadcast_in_dim3A_212 = vector.broadcast %jit3A : f32 to vector<16xf32>
        %select_n3A = arith.select %and3A, %mul3A_211, %broadcast_in_dim3A_212 : vector<16xi1>, vector<16xf32>
        %le3A_213 = arith.constant 9 : i32
        %le3A_214 = vector.broadcast %le3A_213 : i32 to vector<16xi32>
        %le3A_215 = arith.cmpi sle, %convert_element_type3A, %le3A_214 : vector<16xi32>
        %gt3A = arith.constant 0.000000e+00 : f32
        %gt3A_216 = vector.broadcast %gt3A : f32 to vector<16xf32>
        %gt3A_217 = arith.cmpf ogt, %mul3A_158, %gt3A_216 : vector<16xf32>
        %and3A_218 = arith.andi %le3A_215, %gt3A_217 : vector<16xi1>
        %div3A_219 = arith.constant -2.000000e+00 : f32
        %div3A_220 = vector.broadcast %div3A_219 : f32 to vector<16xf32>
        %div3A_221 = arith.divf %div3A_220, %mul3A_158 : vector<16xf32>
        %max3A_222 = arith.constant -8.700000e+01 : f32
        %max3A_223 = vector.broadcast %max3A_222 : f32 to vector<16xf32>
        %max3A_224 = arith.maximumf %div3A_221, %max3A_223 : vector<16xf32>
        %mul3A_225 = arith.constant 1.44269502 : f32
        %mul3A_226 = vector.broadcast %mul3A_225 : f32 to vector<16xf32>
        %mul3A_227 = arith.mulf %max3A_224, %mul3A_226 : vector<16xf32>
        %sub3A_228 = arith.constant 5.000000e-01 : f32
        %sub3A_229 = vector.broadcast %sub3A_228 : f32 to vector<16xf32>
        %sub3A_230 = arith.subf %mul3A_227, %sub3A_229 : vector<16xf32>
        %convert_element_type3A_231 = arith.fptosi %sub3A_230 : vector<16xf32> to vector<16xi32>
        %convert_element_type3A_232 = arith.sitofp %convert_element_type3A_231 : vector<16xi32> to vector<16xf32>
        %mul3A_233 = arith.constant 0.693147182 : f32
        %mul3A_234 = vector.broadcast %mul3A_233 : f32 to vector<16xf32>
        %mul3A_235 = arith.mulf %convert_element_type3A_232, %mul3A_234 : vector<16xf32>
        %sub3A_236 = arith.subf %max3A_224, %mul3A_235 : vector<16xf32>
        %mul3A_237 = arith.constant -1.90465421E-9 : f32
        %mul3A_238 = vector.broadcast %mul3A_237 : f32 to vector<16xf32>
        %mul3A_239 = arith.mulf %convert_element_type3A_232, %mul3A_238 : vector<16xf32>
        %sub3A_240 = arith.subf %sub3A_236, %mul3A_239 : vector<16xf32>
        %mul3A_241 = arith.constant 0.00833333377 : f32
        %mul3A_242 = vector.broadcast %mul3A_241 : f32 to vector<16xf32>
        %mul3A_243 = arith.mulf %sub3A_240, %mul3A_242 : vector<16xf32>
        %add3A_244 = arith.constant 0.0416666679 : f32
        %add3A_245 = vector.broadcast %add3A_244 : f32 to vector<16xf32>
        %add3A_246 = arith.addf %add3A_245, %mul3A_243 : vector<16xf32>
        %mul3A_247 = arith.mulf %sub3A_240, %add3A_246 : vector<16xf32>
        %add3A_248 = arith.constant 0.166666657 : f32
        %add3A_249 = vector.broadcast %add3A_248 : f32 to vector<16xf32>
        %add3A_250 = arith.addf %add3A_249, %mul3A_247 : vector<16xf32>
        %mul3A_251 = arith.mulf %sub3A_240, %add3A_250 : vector<16xf32>
        %add3A_252 = arith.constant 5.000000e-01 : f32
        %add3A_253 = vector.broadcast %add3A_252 : f32 to vector<16xf32>
        %add3A_254 = arith.addf %add3A_253, %mul3A_251 : vector<16xf32>
        %mul3A_255 = arith.mulf %sub3A_240, %add3A_254 : vector<16xf32>
        %add3A_256 = arith.constant 1.000000e+00 : f32
        %add3A_257 = vector.broadcast %add3A_256 : f32 to vector<16xf32>
        %add3A_258 = arith.addf %add3A_257, %mul3A_255 : vector<16xf32>
        %mul3A_259 = arith.mulf %sub3A_240, %add3A_258 : vector<16xf32>
        %add3A_260 = arith.constant 1.000000e+00 : f32
        %add3A_261 = vector.broadcast %add3A_260 : f32 to vector<16xf32>
        %add3A_262 = arith.addf %add3A_261, %mul3A_259 : vector<16xf32>
        %add3A_263 = arith.constant 127 : i32
        %add3A_264 = vector.broadcast %add3A_263 : i32 to vector<16xi32>
        %add3A_265 = arith.addi %convert_element_type3A_231, %add3A_264 : vector<16xi32>
        %shift_left3A_266 = arith.constant 23 : i32
        %shift_left3A_267 = vector.broadcast %shift_left3A_266 : i32 to vector<16xi32>
        %shift_left3A_268 = arith.shli %add3A_265, %shift_left3A_267 : vector<16xi32>
        %bitcast_convert_type3A_269 = tpu.bitcast %shift_left3A_268 : vector<16xi32> -> vector<16xf32>
        %mul3A_270 = arith.mulf %add3A_262, %bitcast_convert_type3A_269 : vector<16xf32>
        %jit3A_271 = arith.constant 0.000000e+00 : f32
        %broadcast_in_dim3A_272 = vector.broadcast %jit3A_271 : f32 to vector<16xf32>
        %select_n3A_273 = arith.select %and3A_218, %mul3A_270, %broadcast_in_dim3A_272 : vector<16xi1>, vector<16xf32>
        %mul3A_274 = arith.constant 2.666930e+01 : f32
        %mul3A_275 = vector.broadcast %mul3A_274 : f32 to vector<16xf32>
        %mul3A_276 = arith.mulf %select_n3A, %mul3A_275 : vector<16xf32>
        %bitcast_convert_type3A_277 = tpu.bitcast %mul3A_276 : vector<16xf32> -> vector<16xi32>
        %add3A_278 = arith.constant 32767 : i32
        %add3A_279 = vector.broadcast %add3A_278 : i32 to vector<16xi32>
        %add3A_280 = arith.addi %bitcast_convert_type3A_277, %add3A_279 : vector<16xi32>
        %shift_right_arithmetic3A_281 = arith.constant 16 : i32
        %shift_right_arithmetic3A_282 = vector.broadcast %shift_right_arithmetic3A_281 : i32 to vector<16xi32>
        %shift_right_arithmetic3A_283 = arith.shrsi %bitcast_convert_type3A_277, %shift_right_arithmetic3A_282 : vector<16xi32>
        %and3A_284 = arith.constant 1 : i32
        %and3A_285 = vector.broadcast %and3A_284 : i32 to vector<16xi32>
        %and3A_286 = arith.andi %shift_right_arithmetic3A_283, %and3A_285 : vector<16xi32>
        %add3A_287 = arith.addi %add3A_280, %and3A_286 : vector<16xi32>
        %and3A_288 = arith.constant -65536 : i32
        %and3A_289 = vector.broadcast %and3A_288 : i32 to vector<16xi32>
        %and3A_290 = arith.andi %add3A_287, %and3A_289 : vector<16xi32>
        %bitcast_convert_type3A_291 = tpu.bitcast %and3A_290 : vector<16xi32> -> vector<16xf32>
        %mul3A_292 = arith.constant 2.666930e+01 : f32
        %mul3A_293 = vector.broadcast %mul3A_292 : f32 to vector<16xf32>
        %mul3A_294 = arith.mulf %select_n3A_273, %mul3A_293 : vector<16xf32>
        %bitcast_convert_type3A_295 = tpu.bitcast %mul3A_294 : vector<16xf32> -> vector<16xi32>
        %add3A_296 = arith.constant 32767 : i32
        %add3A_297 = vector.broadcast %add3A_296 : i32 to vector<16xi32>
        %add3A_298 = arith.addi %bitcast_convert_type3A_295, %add3A_297 : vector<16xi32>
        %shift_right_arithmetic3A_299 = arith.constant 16 : i32
        %shift_right_arithmetic3A_300 = vector.broadcast %shift_right_arithmetic3A_299 : i32 to vector<16xi32>
        %shift_right_arithmetic3A_301 = arith.shrsi %bitcast_convert_type3A_295, %shift_right_arithmetic3A_300 : vector<16xi32>
        %and3A_302 = arith.constant 1 : i32
        %and3A_303 = vector.broadcast %and3A_302 : i32 to vector<16xi32>
        %and3A_304 = arith.andi %shift_right_arithmetic3A_301, %and3A_303 : vector<16xi32>
        %add3A_305 = arith.addi %add3A_298, %and3A_304 : vector<16xi32>
        %and3A_306 = arith.constant -65536 : i32
        %and3A_307 = vector.broadcast %and3A_306 : i32 to vector<16xi32>
        %and3A_308 = arith.andi %add3A_305, %and3A_307 : vector<16xi32>
        %bitcast_convert_type3A_309 = tpu.bitcast %and3A_308 : vector<16xi32> -> vector<16xf32>
        %sub3A_310 = arith.constant 1 : i32
        %sub3A_311 = vector.broadcast %sub3A_310 : i32 to vector<16xi32>
        %sub3A_312 = arith.subi %convert_element_type3A, %sub3A_311 : vector<16xi32>
        %jit3A_313 = arith.constant 0 : i32
        %jit3A_314 = arith.constant 9 : i32
        %max3A_315 = vector.broadcast %jit3A_313 : i32 to vector<16xi32>
        %max3A_316 = arith.maxsi %max3A_315, %sub3A_312 : vector<16xi32>
        %min3A_317 = vector.broadcast %jit3A_314 : i32 to vector<16xi32>
        %min3A_318 = arith.minsi %min3A_317, %max3A_316 : vector<16xi32>
        %mul3A_319 = arith.constant 16 : i32
        %mul3A_320 = vector.broadcast %mul3A_319 : i32 to vector<16xi32>
        %mul3A_321 = arith.muli %min3A_318, %mul3A_320 : vector<16xi32>
        %jit3A_322 = arith.constant 0 : i32
        %jit3A_323 = arith.constant 9 : i32
        %max3A_324 = vector.broadcast %jit3A_322 : i32 to vector<16xi32>
        %max3A_325 = arith.maxsi %max3A_324, %convert_element_type3A : vector<16xi32>
        %min3A_326 = vector.broadcast %jit3A_323 : i32 to vector<16xi32>
        %min3A_327 = arith.minsi %min3A_326, %max3A_325 : vector<16xi32>
        %mul3A_328 = arith.constant 16 : i32
        %mul3A_329 = vector.broadcast %mul3A_328 : i32 to vector<16xi32>
        %mul3A_330 = arith.muli %min3A_327, %mul3A_329 : vector<16xi32>
        %iota3A = tpu.iota {dimensions = array<i32: 0>} : vector<16xi32>
        %mul3A_331 = arith.constant 16 : i32
        %mul3A_332 = arith.muli %scan3A_77, %mul3A_331 : i32
        %add3A_333 = vector.broadcast %mul3A_332 : i32 to vector<16xi32>
        %add3A_334 = arith.addi %iota3A, %add3A_333 : vector<16xi32>
        %broadcast_in_dim3A_335 = arith.constant 0.000000e+00 : f32
        %broadcast_in_dim3A_336 = vector.broadcast %broadcast_in_dim3A_335 : f32 to vector<16xf32>
        %add3A_337 = arith.constant 0 : i32
        %add3A_338 = vector.broadcast %add3A_337 : i32 to vector<16xi32>
        %add3A_339 = arith.addi %mul3A_321, %add3A_338 : vector<16xi32>
        %gather3A_340 = tpu.vector_load_idx %arg11[%add3A_339] : memref<160xf32, #tpu.memory_space<vmem>>[vector<16xi32>], vector<16xf32>,
        %add3A_341 = arith.constant 0 : i32
        %add3A_342 = vector.broadcast %add3A_341 : i32 to vector<16xi32>
        %add3A_343 = arith.addi %mul3A_330, %add3A_342 : vector<16xi32>
        %gather3A_344 = tpu.vector_load_idx %arg11[%add3A_343] : memref<160xf32, #tpu.memory_space<vmem>>[vector<16xi32>], vector<16xf32>,
        %broadcast_in_dim3A_345 = arith.constant 0 : i32
        %broadcast_in_dim3A_346 = vector.broadcast %broadcast_in_dim3A_345 : i32 to vector<16xi32>
        %gather3A_347 = tpu.vector_load_idx %arg12[%add3A_334, %broadcast_in_dim3A_346] : memref<128x16xf32, #tpu.memory_space<vmem>>[vector<16xi32>, vector<16xi32>], vector<16xf32>,
        %mul3A_348 = arith.mulf %bitcast_convert_type3A_291, %gather3A_340 : vector<16xf32>
        %mul3A_349 = arith.mulf %bitcast_convert_type3A_309, %gather3A_344 : vector<16xf32>
        %add3A_350 = arith.addf %mul3A_348, %mul3A_349 : vector<16xf32>
        %mul3A_351 = arith.constant 0.316227764 : f32
        %mul3A_352 = vector.broadcast %mul3A_351 : f32 to vector<16xf32>
        %mul3A_353 = arith.mulf %add3A_350, %mul3A_352 : vector<16xf32>
        %max3A_354 = arith.constant 0.000000e+00 : f32
        %max3A_355 = vector.broadcast %max3A_354 : f32 to vector<16xf32>
        %max3A_356 = arith.maximumf %mul3A_353, %max3A_355 : vector<16xf32>
        %mul3A_357 = arith.constant 1.41421354 : f32
        %mul3A_358 = vector.broadcast %mul3A_357 : f32 to vector<16xf32>
        %mul3A_359 = arith.mulf %max3A_356, %mul3A_358 : vector<16xf32>
        %bitcast_convert_type3A_360 = tpu.bitcast %mul3A_359 : vector<16xf32> -> vector<16xi32>
        %add3A_361 = arith.constant 32767 : i32
        %add3A_362 = vector.broadcast %add3A_361 : i32 to vector<16xi32>
        %add3A_363 = arith.addi %bitcast_convert_type3A_360, %add3A_362 : vector<16xi32>
        %shift_right_arithmetic3A_364 = arith.constant 16 : i32
        %shift_right_arithmetic3A_365 = vector.broadcast %shift_right_arithmetic3A_364 : i32 to vector<16xi32>
        %shift_right_arithmetic3A_366 = arith.shrsi %bitcast_convert_type3A_360, %shift_right_arithmetic3A_365 : vector<16xi32>
        %and3A_367 = arith.constant 1 : i32
        %and3A_368 = vector.broadcast %and3A_367 : i32 to vector<16xi32>
        %and3A_369 = arith.andi %shift_right_arithmetic3A_366, %and3A_368 : vector<16xi32>
        %add3A_370 = arith.addi %add3A_363, %and3A_369 : vector<16xi32>
        %and3A_371 = arith.constant -65536 : i32
        %and3A_372 = vector.broadcast %and3A_371 : i32 to vector<16xi32>
        %and3A_373 = arith.andi %add3A_370, %and3A_372 : vector<16xi32>
        %bitcast_convert_type3A_374 = tpu.bitcast %and3A_373 : vector<16xi32> -> vector<16xf32>
        %mul3A_375 = arith.mulf %bitcast_convert_type3A_374, %gather3A_347 : vector<16xf32>
        %add3A_376 = arith.addf %broadcast_in_dim3A_336, %mul3A_375 : vector<16xf32>
        %add3A_377 = arith.constant 1 : i32
        %add3A_378 = vector.broadcast %add3A_377 : i32 to vector<16xi32>
        %add3A_379 = arith.addi %mul3A_321, %add3A_378 : vector<16xi32>
        %gather3A_380 = tpu.vector_load_idx %arg11[%add3A_379] : memref<160xf32, #tpu.memory_space<vmem>>[vector<16xi32>], vector<16xf32>,
        %add3A_381 = arith.constant 1 : i32
        %add3A_382 = vector.broadcast %add3A_381 : i32 to vector<16xi32>
        %add3A_383 = arith.addi %mul3A_330, %add3A_382 : vector<16xi32>
        %gather3A_384 = tpu.vector_load_idx %arg11[%add3A_383] : memref<160xf32, #tpu.memory_space<vmem>>[vector<16xi32>], vector<16xf32>,
        %broadcast_in_dim3A_385 = arith.constant 1 : i32
        %broadcast_in_dim3A_386 = vector.broadcast %broadcast_in_dim3A_385 : i32 to vector<16xi32>
        %gather3A_387 = tpu.vector_load_idx %arg12[%add3A_334, %broadcast_in_dim3A_386] : memref<128x16xf32, #tpu.memory_space<vmem>>[vector<16xi32>, vector<16xi32>], vector<16xf32>,
        %mul3A_388 = arith.mulf %bitcast_convert_type3A_291, %gather3A_380 : vector<16xf32>
        %mul3A_389 = arith.mulf %bitcast_convert_type3A_309, %gather3A_384 : vector<16xf32>
        %add3A_390 = arith.addf %mul3A_388, %mul3A_389 : vector<16xf32>
        %mul3A_391 = arith.constant 0.316227764 : f32
        %mul3A_392 = vector.broadcast %mul3A_391 : f32 to vector<16xf32>
        %mul3A_393 = arith.mulf %add3A_390, %mul3A_392 : vector<16xf32>
        %max3A_394 = arith.constant 0.000000e+00 : f32
        %max3A_395 = vector.broadcast %max3A_394 : f32 to vector<16xf32>
        %max3A_396 = arith.maximumf %mul3A_393, %max3A_395 : vector<16xf32>
        %mul3A_397 = arith.constant 1.41421354 : f32
        %mul3A_398 = vector.broadcast %mul3A_397 : f32 to vector<16xf32>
        %mul3A_399 = arith.mulf %max3A_396, %mul3A_398 : vector<16xf32>
        %bitcast_convert_type3A_400 = tpu.bitcast %mul3A_399 : vector<16xf32> -> vector<16xi32>
        %add3A_401 = arith.constant 32767 : i32
        %add3A_402 = vector.broadcast %add3A_401 : i32 to vector<16xi32>
        %add3A_403 = arith.addi %bitcast_convert_type3A_400, %add3A_402 : vector<16xi32>
        %shift_right_arithmetic3A_404 = arith.constant 16 : i32
        %shift_right_arithmetic3A_405 = vector.broadcast %shift_right_arithmetic3A_404 : i32 to vector<16xi32>
        %shift_right_arithmetic3A_406 = arith.shrsi %bitcast_convert_type3A_400, %shift_right_arithmetic3A_405 : vector<16xi32>
        %and3A_407 = arith.constant 1 : i32
        %and3A_408 = vector.broadcast %and3A_407 : i32 to vector<16xi32>
        %and3A_409 = arith.andi %shift_right_arithmetic3A_406, %and3A_408 : vector<16xi32>
        %add3A_410 = arith.addi %add3A_403, %and3A_409 : vector<16xi32>
        %and3A_411 = arith.constant -65536 : i32
        %and3A_412 = vector.broadcast %and3A_411 : i32 to vector<16xi32>
        %and3A_413 = arith.andi %add3A_410, %and3A_412 : vector<16xi32>
        %bitcast_convert_type3A_414 = tpu.bitcast %and3A_413 : vector<16xi32> -> vector<16xf32>
        %mul3A_415 = arith.mulf %bitcast_convert_type3A_414, %gather3A_387 : vector<16xf32>
        %add3A_416 = arith.addf %add3A_376, %mul3A_415 : vector<16xf32>
        %add3A_417 = arith.constant 2 : i32
        %add3A_418 = vector.broadcast %add3A_417 : i32 to vector<16xi32>
        %add3A_419 = arith.addi %mul3A_321, %add3A_418 : vector<16xi32>
        %gather3A_420 = tpu.vector_load_idx %arg11[%add3A_419] : memref<160xf32, #tpu.memory_space<vmem>>[vector<16xi32>], vector<16xf32>,
        %add3A_421 = arith.constant 2 : i32
        %add3A_422 = vector.broadcast %add3A_421 : i32 to vector<16xi32>
        %add3A_423 = arith.addi %mul3A_330, %add3A_422 : vector<16xi32>
        %gather3A_424 = tpu.vector_load_idx %arg11[%add3A_423] : memref<160xf32, #tpu.memory_space<vmem>>[vector<16xi32>], vector<16xf32>,
        %broadcast_in_dim3A_425 = arith.constant 2 : i32
        %broadcast_in_dim3A_426 = vector.broadcast %broadcast_in_dim3A_425 : i32 to vector<16xi32>
        %gather3A_427 = tpu.vector_load_idx %arg12[%add3A_334, %broadcast_in_dim3A_426] : memref<128x16xf32, #tpu.memory_space<vmem>>[vector<16xi32>, vector<16xi32>], vector<16xf32>,
        %mul3A_428 = arith.mulf %bitcast_convert_type3A_291, %gather3A_420 : vector<16xf32>
        %mul3A_429 = arith.mulf %bitcast_convert_type3A_309, %gather3A_424 : vector<16xf32>
        %add3A_430 = arith.addf %mul3A_428, %mul3A_429 : vector<16xf32>
        %mul3A_431 = arith.constant 0.316227764 : f32
        %mul3A_432 = vector.broadcast %mul3A_431 : f32 to vector<16xf32>
        %mul3A_433 = arith.mulf %add3A_430, %mul3A_432 : vector<16xf32>
        %max3A_434 = arith.constant 0.000000e+00 : f32
        %max3A_435 = vector.broadcast %max3A_434 : f32 to vector<16xf32>
        %max3A_436 = arith.maximumf %mul3A_433, %max3A_435 : vector<16xf32>
        %mul3A_437 = arith.constant 1.41421354 : f32
        %mul3A_438 = vector.broadcast %mul3A_437 : f32 to vector<16xf32>
        %mul3A_439 = arith.mulf %max3A_436, %mul3A_438 : vector<16xf32>
        %bitcast_convert_type3A_440 = tpu.bitcast %mul3A_439 : vector<16xf32> -> vector<16xi32>
        %add3A_441 = arith.constant 32767 : i32
        %add3A_442 = vector.broadcast %add3A_441 : i32 to vector<16xi32>
        %add3A_443 = arith.addi %bitcast_convert_type3A_440, %add3A_442 : vector<16xi32>
        %shift_right_arithmetic3A_444 = arith.constant 16 : i32
        %shift_right_arithmetic3A_445 = vector.broadcast %shift_right_arithmetic3A_444 : i32 to vector<16xi32>
        %shift_right_arithmetic3A_446 = arith.shrsi %bitcast_convert_type3A_440, %shift_right_arithmetic3A_445 : vector<16xi32>
        %and3A_447 = arith.constant 1 : i32
        %and3A_448 = vector.broadcast %and3A_447 : i32 to vector<16xi32>
        %and3A_449 = arith.andi %shift_right_arithmetic3A_446, %and3A_448 : vector<16xi32>
        %add3A_450 = arith.addi %add3A_443, %and3A_449 : vector<16xi32>
        %and3A_451 = arith.constant -65536 : i32
        %and3A_452 = vector.broadcast %and3A_451 : i32 to vector<16xi32>
        %and3A_453 = arith.andi %add3A_450, %and3A_452 : vector<16xi32>
        %bitcast_convert_type3A_454 = tpu.bitcast %and3A_453 : vector<16xi32> -> vector<16xf32>
        %mul3A_455 = arith.mulf %bitcast_convert_type3A_454, %gather3A_427 : vector<16xf32>
        %add3A_456 = arith.addf %add3A_416, %mul3A_455 : vector<16xf32>
        %add3A_457 = arith.constant 3 : i32
        %add3A_458 = vector.broadcast %add3A_457 : i32 to vector<16xi32>
        %add3A_459 = arith.addi %mul3A_321, %add3A_458 : vector<16xi32>
        %gather3A_460 = tpu.vector_load_idx %arg11[%add3A_459] : memref<160xf32, #tpu.memory_space<vmem>>[vector<16xi32>], vector<16xf32>,
        %add3A_461 = arith.constant 3 : i32
        %add3A_462 = vector.broadcast %add3A_461 : i32 to vector<16xi32>
        %add3A_463 = arith.addi %mul3A_330, %add3A_462 : vector<16xi32>
        %gather3A_464 = tpu.vector_load_idx %arg11[%add3A_463] : memref<160xf32, #tpu.memory_space<vmem>>[vector<16xi32>], vector<16xf32>,
        %broadcast_in_dim3A_465 = arith.constant 3 : i32
        %broadcast_in_dim3A_466 = vector.broadcast %broadcast_in_dim3A_465 : i32 to vector<16xi32>
        %gather3A_467 = tpu.vector_load_idx %arg12[%add3A_334, %broadcast_in_dim3A_466] : memref<128x16xf32, #tpu.memory_space<vmem>>[vector<16xi32>, vector<16xi32>], vector<16xf32>,
        %mul3A_468 = arith.mulf %bitcast_convert_type3A_291, %gather3A_460 : vector<16xf32>
        %mul3A_469 = arith.mulf %bitcast_convert_type3A_309, %gather3A_464 : vector<16xf32>
        %add3A_470 = arith.addf %mul3A_468, %mul3A_469 : vector<16xf32>
        %mul3A_471 = arith.constant 0.316227764 : f32
        %mul3A_472 = vector.broadcast %mul3A_471 : f32 to vector<16xf32>
        %mul3A_473 = arith.mulf %add3A_470, %mul3A_472 : vector<16xf32>
        %max3A_474 = arith.constant 0.000000e+00 : f32
        %max3A_475 = vector.broadcast %max3A_474 : f32 to vector<16xf32>
        %max3A_476 = arith.maximumf %mul3A_473, %max3A_475 : vector<16xf32>
        %mul3A_477 = arith.constant 1.41421354 : f32
        %mul3A_478 = vector.broadcast %mul3A_477 : f32 to vector<16xf32>
        %mul3A_479 = arith.mulf %max3A_476, %mul3A_478 : vector<16xf32>
        %bitcast_convert_type3A_480 = tpu.bitcast %mul3A_479 : vector<16xf32> -> vector<16xi32>
        %add3A_481 = arith.constant 32767 : i32
        %add3A_482 = vector.broadcast %add3A_481 : i32 to vector<16xi32>
        %add3A_483 = arith.addi %bitcast_convert_type3A_480, %add3A_482 : vector<16xi32>
        %shift_right_arithmetic3A_484 = arith.constant 16 : i32
        %shift_right_arithmetic3A_485 = vector.broadcast %shift_right_arithmetic3A_484 : i32 to vector<16xi32>
        %shift_right_arithmetic3A_486 = arith.shrsi %bitcast_convert_type3A_480, %shift_right_arithmetic3A_485 : vector<16xi32>
        %and3A_487 = arith.constant 1 : i32
        %and3A_488 = vector.broadcast %and3A_487 : i32 to vector<16xi32>
        %and3A_489 = arith.andi %shift_right_arithmetic3A_486, %and3A_488 : vector<16xi32>
        %add3A_490 = arith.addi %add3A_483, %and3A_489 : vector<16xi32>
        %and3A_491 = arith.constant -65536 : i32
        %and3A_492 = vector.broadcast %and3A_491 : i32 to vector<16xi32>
        %and3A_493 = arith.andi %add3A_490, %and3A_492 : vector<16xi32>
        %bitcast_convert_type3A_494 = tpu.bitcast %and3A_493 : vector<16xi32> -> vector<16xf32>
        %mul3A_495 = arith.mulf %bitcast_convert_type3A_494, %gather3A_467 : vector<16xf32>
        %add3A_496 = arith.addf %add3A_456, %mul3A_495 : vector<16xf32>
        %add3A_497 = arith.constant 4 : i32
        %add3A_498 = vector.broadcast %add3A_497 : i32 to vector<16xi32>
        %add3A_499 = arith.addi %mul3A_321, %add3A_498 : vector<16xi32>
        %gather3A_500 = tpu.vector_load_idx %arg11[%add3A_499] : memref<160xf32, #tpu.memory_space<vmem>>[vector<16xi32>], vector<16xf32>,
        %add3A_501 = arith.constant 4 : i32
        %add3A_502 = vector.broadcast %add3A_501 : i32 to vector<16xi32>
        %add3A_503 = arith.addi %mul3A_330, %add3A_502 : vector<16xi32>
        %gather3A_504 = tpu.vector_load_idx %arg11[%add3A_503] : memref<160xf32, #tpu.memory_space<vmem>>[vector<16xi32>], vector<16xf32>,
        %broadcast_in_dim3A_505 = arith.constant 4 : i32
        %broadcast_in_dim3A_506 = vector.broadcast %broadcast_in_dim3A_505 : i32 to vector<16xi32>
        %gather3A_507 = tpu.vector_load_idx %arg12[%add3A_334, %broadcast_in_dim3A_506] : memref<128x16xf32, #tpu.memory_space<vmem>>[vector<16xi32>, vector<16xi32>], vector<16xf32>,
        %mul3A_508 = arith.mulf %bitcast_convert_type3A_291, %gather3A_500 : vector<16xf32>
        %mul3A_509 = arith.mulf %bitcast_convert_type3A_309, %gather3A_504 : vector<16xf32>
        %add3A_510 = arith.addf %mul3A_508, %mul3A_509 : vector<16xf32>
        %mul3A_511 = arith.constant 0.316227764 : f32
        %mul3A_512 = vector.broadcast %mul3A_511 : f32 to vector<16xf32>
        %mul3A_513 = arith.mulf %add3A_510, %mul3A_512 : vector<16xf32>
        %max3A_514 = arith.constant 0.000000e+00 : f32
        %max3A_515 = vector.broadcast %max3A_514 : f32 to vector<16xf32>
        %max3A_516 = arith.maximumf %mul3A_513, %max3A_515 : vector<16xf32>
        %mul3A_517 = arith.constant 1.41421354 : f32
        %mul3A_518 = vector.broadcast %mul3A_517 : f32 to vector<16xf32>
        %mul3A_519 = arith.mulf %max3A_516, %mul3A_518 : vector<16xf32>
        %bitcast_convert_type3A_520 = tpu.bitcast %mul3A_519 : vector<16xf32> -> vector<16xi32>
        %add3A_521 = arith.constant 32767 : i32
        %add3A_522 = vector.broadcast %add3A_521 : i32 to vector<16xi32>
        %add3A_523 = arith.addi %bitcast_convert_type3A_520, %add3A_522 : vector<16xi32>
        %shift_right_arithmetic3A_524 = arith.constant 16 : i32
        %shift_right_arithmetic3A_525 = vector.broadcast %shift_right_arithmetic3A_524 : i32 to vector<16xi32>
        %shift_right_arithmetic3A_526 = arith.shrsi %bitcast_convert_type3A_520, %shift_right_arithmetic3A_525 : vector<16xi32>
        %and3A_527 = arith.constant 1 : i32
        %and3A_528 = vector.broadcast %and3A_527 : i32 to vector<16xi32>
        %and3A_529 = arith.andi %shift_right_arithmetic3A_526, %and3A_528 : vector<16xi32>
        %add3A_530 = arith.addi %add3A_523, %and3A_529 : vector<16xi32>
        %and3A_531 = arith.constant -65536 : i32
        %and3A_532 = vector.broadcast %and3A_531 : i32 to vector<16xi32>
        %and3A_533 = arith.andi %add3A_530, %and3A_532 : vector<16xi32>
        %bitcast_convert_type3A_534 = tpu.bitcast %and3A_533 : vector<16xi32> -> vector<16xf32>
        %mul3A_535 = arith.mulf %bitcast_convert_type3A_534, %gather3A_507 : vector<16xf32>
        %add3A_536 = arith.addf %add3A_496, %mul3A_535 : vector<16xf32>
        %add3A_537 = arith.constant 5 : i32
        %add3A_538 = vector.broadcast %add3A_537 : i32 to vector<16xi32>
        %add3A_539 = arith.addi %mul3A_321, %add3A_538 : vector<16xi32>
        %gather3A_540 = tpu.vector_load_idx %arg11[%add3A_539] : memref<160xf32, #tpu.memory_space<vmem>>[vector<16xi32>], vector<16xf32>,
        %add3A_541 = arith.constant 5 : i32
        %add3A_542 = vector.broadcast %add3A_541 : i32 to vector<16xi32>
        %add3A_543 = arith.addi %mul3A_330, %add3A_542 : vector<16xi32>
        %gather3A_544 = tpu.vector_load_idx %arg11[%add3A_543] : memref<160xf32, #tpu.memory_space<vmem>>[vector<16xi32>], vector<16xf32>,
        %broadcast_in_dim3A_545 = arith.constant 5 : i32
        %broadcast_in_dim3A_546 = vector.broadcast %broadcast_in_dim3A_545 : i32 to vector<16xi32>
        %gather3A_547 = tpu.vector_load_idx %arg12[%add3A_334, %broadcast_in_dim3A_546] : memref<128x16xf32, #tpu.memory_space<vmem>>[vector<16xi32>, vector<16xi32>], vector<16xf32>,
        %mul3A_548 = arith.mulf %bitcast_convert_type3A_291, %gather3A_540 : vector<16xf32>
        %mul3A_549 = arith.mulf %bitcast_convert_type3A_309, %gather3A_544 : vector<16xf32>
        %add3A_550 = arith.addf %mul3A_548, %mul3A_549 : vector<16xf32>
        %mul3A_551 = arith.constant 0.316227764 : f32
        %mul3A_552 = vector.broadcast %mul3A_551 : f32 to vector<16xf32>
        %mul3A_553 = arith.mulf %add3A_550, %mul3A_552 : vector<16xf32>
        %max3A_554 = arith.constant 0.000000e+00 : f32
        %max3A_555 = vector.broadcast %max3A_554 : f32 to vector<16xf32>
        %max3A_556 = arith.maximumf %mul3A_553, %max3A_555 : vector<16xf32>
        %mul3A_557 = arith.constant 1.41421354 : f32
        %mul3A_558 = vector.broadcast %mul3A_557 : f32 to vector<16xf32>
        %mul3A_559 = arith.mulf %max3A_556, %mul3A_558 : vector<16xf32>
        %bitcast_convert_type3A_560 = tpu.bitcast %mul3A_559 : vector<16xf32> -> vector<16xi32>
        %add3A_561 = arith.constant 32767 : i32
        %add3A_562 = vector.broadcast %add3A_561 : i32 to vector<16xi32>
        %add3A_563 = arith.addi %bitcast_convert_type3A_560, %add3A_562 : vector<16xi32>
        %shift_right_arithmetic3A_564 = arith.constant 16 : i32
        %shift_right_arithmetic3A_565 = vector.broadcast %shift_right_arithmetic3A_564 : i32 to vector<16xi32>
        %shift_right_arithmetic3A_566 = arith.shrsi %bitcast_convert_type3A_560, %shift_right_arithmetic3A_565 : vector<16xi32>
        %and3A_567 = arith.constant 1 : i32
        %and3A_568 = vector.broadcast %and3A_567 : i32 to vector<16xi32>
        %and3A_569 = arith.andi %shift_right_arithmetic3A_566, %and3A_568 : vector<16xi32>
        %add3A_570 = arith.addi %add3A_563, %and3A_569 : vector<16xi32>
        %and3A_571 = arith.constant -65536 : i32
        %and3A_572 = vector.broadcast %and3A_571 : i32 to vector<16xi32>
        %and3A_573 = arith.andi %add3A_570, %and3A_572 : vector<16xi32>
        %bitcast_convert_type3A_574 = tpu.bitcast %and3A_573 : vector<16xi32> -> vector<16xf32>
        %mul3A_575 = arith.mulf %bitcast_convert_type3A_574, %gather3A_547 : vector<16xf32>
        %add3A_576 = arith.addf %add3A_536, %mul3A_575 : vector<16xf32>
        %add3A_577 = arith.constant 6 : i32
        %add3A_578 = vector.broadcast %add3A_577 : i32 to vector<16xi32>
        %add3A_579 = arith.addi %mul3A_321, %add3A_578 : vector<16xi32>
        %gather3A_580 = tpu.vector_load_idx %arg11[%add3A_579] : memref<160xf32, #tpu.memory_space<vmem>>[vector<16xi32>], vector<16xf32>,
        %add3A_581 = arith.constant 6 : i32
        %add3A_582 = vector.broadcast %add3A_581 : i32 to vector<16xi32>
        %add3A_583 = arith.addi %mul3A_330, %add3A_582 : vector<16xi32>
        %gather3A_584 = tpu.vector_load_idx %arg11[%add3A_583] : memref<160xf32, #tpu.memory_space<vmem>>[vector<16xi32>], vector<16xf32>,
        %broadcast_in_dim3A_585 = arith.constant 6 : i32
        %broadcast_in_dim3A_586 = vector.broadcast %broadcast_in_dim3A_585 : i32 to vector<16xi32>
        %gather3A_587 = tpu.vector_load_idx %arg12[%add3A_334, %broadcast_in_dim3A_586] : memref<128x16xf32, #tpu.memory_space<vmem>>[vector<16xi32>, vector<16xi32>], vector<16xf32>,
        %mul3A_588 = arith.mulf %bitcast_convert_type3A_291, %gather3A_580 : vector<16xf32>
        %mul3A_589 = arith.mulf %bitcast_convert_type3A_309, %gather3A_584 : vector<16xf32>
        %add3A_590 = arith.addf %mul3A_588, %mul3A_589 : vector<16xf32>
        %mul3A_591 = arith.constant 0.316227764 : f32
        %mul3A_592 = vector.broadcast %mul3A_591 : f32 to vector<16xf32>
        %mul3A_593 = arith.mulf %add3A_590, %mul3A_592 : vector<16xf32>
        %max3A_594 = arith.constant 0.000000e+00 : f32
        %max3A_595 = vector.broadcast %max3A_594 : f32 to vector<16xf32>
        %max3A_596 = arith.maximumf %mul3A_593, %max3A_595 : vector<16xf32>
        %mul3A_597 = arith.constant 1.41421354 : f32
        %mul3A_598 = vector.broadcast %mul3A_597 : f32 to vector<16xf32>
        %mul3A_599 = arith.mulf %max3A_596, %mul3A_598 : vector<16xf32>
        %bitcast_convert_type3A_600 = tpu.bitcast %mul3A_599 : vector<16xf32> -> vector<16xi32>
        %add3A_601 = arith.constant 32767 : i32
        %add3A_602 = vector.broadcast %add3A_601 : i32 to vector<16xi32>
        %add3A_603 = arith.addi %bitcast_convert_type3A_600, %add3A_602 : vector<16xi32>
        %shift_right_arithmetic3A_604 = arith.constant 16 : i32
        %shift_right_arithmetic3A_605 = vector.broadcast %shift_right_arithmetic3A_604 : i32 to vector<16xi32>
        %shift_right_arithmetic3A_606 = arith.shrsi %bitcast_convert_type3A_600, %shift_right_arithmetic3A_605 : vector<16xi32>
        %and3A_607 = arith.constant 1 : i32
        %and3A_608 = vector.broadcast %and3A_607 : i32 to vector<16xi32>
        %and3A_609 = arith.andi %shift_right_arithmetic3A_606, %and3A_608 : vector<16xi32>
        %add3A_610 = arith.addi %add3A_603, %and3A_609 : vector<16xi32>
        %and3A_611 = arith.constant -65536 : i32
        %and3A_612 = vector.broadcast %and3A_611 : i32 to vector<16xi32>
        %and3A_613 = arith.andi %add3A_610, %and3A_612 : vector<16xi32>
        %bitcast_convert_type3A_614 = tpu.bitcast %and3A_613 : vector<16xi32> -> vector<16xf32>
        %mul3A_615 = arith.mulf %bitcast_convert_type3A_614, %gather3A_587 : vector<16xf32>
        %add3A_616 = arith.addf %add3A_576, %mul3A_615 : vector<16xf32>
        %add3A_617 = arith.constant 7 : i32
        %add3A_618 = vector.broadcast %add3A_617 : i32 to vector<16xi32>
        %add3A_619 = arith.addi %mul3A_321, %add3A_618 : vector<16xi32>
        %gather3A_620 = tpu.vector_load_idx %arg11[%add3A_619] : memref<160xf32, #tpu.memory_space<vmem>>[vector<16xi32>], vector<16xf32>,
        %add3A_621 = arith.constant 7 : i32
        %add3A_622 = vector.broadcast %add3A_621 : i32 to vector<16xi32>
        %add3A_623 = arith.addi %mul3A_330, %add3A_622 : vector<16xi32>
        %gather3A_624 = tpu.vector_load_idx %arg11[%add3A_623] : memref<160xf32, #tpu.memory_space<vmem>>[vector<16xi32>], vector<16xf32>,
        %broadcast_in_dim3A_625 = arith.constant 7 : i32
        %broadcast_in_dim3A_626 = vector.broadcast %broadcast_in_dim3A_625 : i32 to vector<16xi32>
        %gather3A_627 = tpu.vector_load_idx %arg12[%add3A_334, %broadcast_in_dim3A_626] : memref<128x16xf32, #tpu.memory_space<vmem>>[vector<16xi32>, vector<16xi32>], vector<16xf32>,
        %mul3A_628 = arith.mulf %bitcast_convert_type3A_291, %gather3A_620 : vector<16xf32>
        %mul3A_629 = arith.mulf %bitcast_convert_type3A_309, %gather3A_624 : vector<16xf32>
        %add3A_630 = arith.addf %mul3A_628, %mul3A_629 : vector<16xf32>
        %mul3A_631 = arith.constant 0.316227764 : f32
        %mul3A_632 = vector.broadcast %mul3A_631 : f32 to vector<16xf32>
        %mul3A_633 = arith.mulf %add3A_630, %mul3A_632 : vector<16xf32>
        %max3A_634 = arith.constant 0.000000e+00 : f32
        %max3A_635 = vector.broadcast %max3A_634 : f32 to vector<16xf32>
        %max3A_636 = arith.maximumf %mul3A_633, %max3A_635 : vector<16xf32>
        %mul3A_637 = arith.constant 1.41421354 : f32
        %mul3A_638 = vector.broadcast %mul3A_637 : f32 to vector<16xf32>
        %mul3A_639 = arith.mulf %max3A_636, %mul3A_638 : vector<16xf32>
        %bitcast_convert_type3A_640 = tpu.bitcast %mul3A_639 : vector<16xf32> -> vector<16xi32>
        %add3A_641 = arith.constant 32767 : i32
        %add3A_642 = vector.broadcast %add3A_641 : i32 to vector<16xi32>
        %add3A_643 = arith.addi %bitcast_convert_type3A_640, %add3A_642 : vector<16xi32>
        %shift_right_arithmetic3A_644 = arith.constant 16 : i32
        %shift_right_arithmetic3A_645 = vector.broadcast %shift_right_arithmetic3A_644 : i32 to vector<16xi32>
        %shift_right_arithmetic3A_646 = arith.shrsi %bitcast_convert_type3A_640, %shift_right_arithmetic3A_645 : vector<16xi32>
        %and3A_647 = arith.constant 1 : i32
        %and3A_648 = vector.broadcast %and3A_647 : i32 to vector<16xi32>
        %and3A_649 = arith.andi %shift_right_arithmetic3A_646, %and3A_648 : vector<16xi32>
        %add3A_650 = arith.addi %add3A_643, %and3A_649 : vector<16xi32>
        %and3A_651 = arith.constant -65536 : i32
        %and3A_652 = vector.broadcast %and3A_651 : i32 to vector<16xi32>
        %and3A_653 = arith.andi %add3A_650, %and3A_652 : vector<16xi32>
        %bitcast_convert_type3A_654 = tpu.bitcast %and3A_653 : vector<16xi32> -> vector<16xf32>
        %mul3A_655 = arith.mulf %bitcast_convert_type3A_654, %gather3A_627 : vector<16xf32>
        %add3A_656 = arith.addf %add3A_616, %mul3A_655 : vector<16xf32>
        %add3A_657 = arith.constant 8 : i32
        %add3A_658 = vector.broadcast %add3A_657 : i32 to vector<16xi32>
        %add3A_659 = arith.addi %mul3A_321, %add3A_658 : vector<16xi32>
        %gather3A_660 = tpu.vector_load_idx %arg11[%add3A_659] : memref<160xf32, #tpu.memory_space<vmem>>[vector<16xi32>], vector<16xf32>,
        %add3A_661 = arith.constant 8 : i32
        %add3A_662 = vector.broadcast %add3A_661 : i32 to vector<16xi32>
        %add3A_663 = arith.addi %mul3A_330, %add3A_662 : vector<16xi32>
        %gather3A_664 = tpu.vector_load_idx %arg11[%add3A_663] : memref<160xf32, #tpu.memory_space<vmem>>[vector<16xi32>], vector<16xf32>,
        %broadcast_in_dim3A_665 = arith.constant 8 : i32
        %broadcast_in_dim3A_666 = vector.broadcast %broadcast_in_dim3A_665 : i32 to vector<16xi32>
        %gather3A_667 = tpu.vector_load_idx %arg12[%add3A_334, %broadcast_in_dim3A_666] : memref<128x16xf32, #tpu.memory_space<vmem>>[vector<16xi32>, vector<16xi32>], vector<16xf32>,
        %mul3A_668 = arith.mulf %bitcast_convert_type3A_291, %gather3A_660 : vector<16xf32>
        %mul3A_669 = arith.mulf %bitcast_convert_type3A_309, %gather3A_664 : vector<16xf32>
        %add3A_670 = arith.addf %mul3A_668, %mul3A_669 : vector<16xf32>
        %mul3A_671 = arith.constant 0.316227764 : f32
        %mul3A_672 = vector.broadcast %mul3A_671 : f32 to vector<16xf32>
        %mul3A_673 = arith.mulf %add3A_670, %mul3A_672 : vector<16xf32>
        %max3A_674 = arith.constant 0.000000e+00 : f32
        %max3A_675 = vector.broadcast %max3A_674 : f32 to vector<16xf32>
        %max3A_676 = arith.maximumf %mul3A_673, %max3A_675 : vector<16xf32>
        %mul3A_677 = arith.constant 1.41421354 : f32
        %mul3A_678 = vector.broadcast %mul3A_677 : f32 to vector<16xf32>
        %mul3A_679 = arith.mulf %max3A_676, %mul3A_678 : vector<16xf32>
        %bitcast_convert_type3A_680 = tpu.bitcast %mul3A_679 : vector<16xf32> -> vector<16xi32>
        %add3A_681 = arith.constant 32767 : i32
        %add3A_682 = vector.broadcast %add3A_681 : i32 to vector<16xi32>
        %add3A_683 = arith.addi %bitcast_convert_type3A_680, %add3A_682 : vector<16xi32>
        %shift_right_arithmetic3A_684 = arith.constant 16 : i32
        %shift_right_arithmetic3A_685 = vector.broadcast %shift_right_arithmetic3A_684 : i32 to vector<16xi32>
        %shift_right_arithmetic3A_686 = arith.shrsi %bitcast_convert_type3A_680, %shift_right_arithmetic3A_685 : vector<16xi32>
        %and3A_687 = arith.constant 1 : i32
        %and3A_688 = vector.broadcast %and3A_687 : i32 to vector<16xi32>
        %and3A_689 = arith.andi %shift_right_arithmetic3A_686, %and3A_688 : vector<16xi32>
        %add3A_690 = arith.addi %add3A_683, %and3A_689 : vector<16xi32>
        %and3A_691 = arith.constant -65536 : i32
        %and3A_692 = vector.broadcast %and3A_691 : i32 to vector<16xi32>
        %and3A_693 = arith.andi %add3A_690, %and3A_692 : vector<16xi32>
        %bitcast_convert_type3A_694 = tpu.bitcast %and3A_693 : vector<16xi32> -> vector<16xf32>
        %mul3A_695 = arith.mulf %bitcast_convert_type3A_694, %gather3A_667 : vector<16xf32>
        %add3A_696 = arith.addf %add3A_656, %mul3A_695 : vector<16xf32>
        %add3A_697 = arith.constant 9 : i32
        %add3A_698 = vector.broadcast %add3A_697 : i32 to vector<16xi32>
        %add3A_699 = arith.addi %mul3A_321, %add3A_698 : vector<16xi32>
        %gather3A_700 = tpu.vector_load_idx %arg11[%add3A_699] : memref<160xf32, #tpu.memory_space<vmem>>[vector<16xi32>], vector<16xf32>,
        %add3A_701 = arith.constant 9 : i32
        %add3A_702 = vector.broadcast %add3A_701 : i32 to vector<16xi32>
        %add3A_703 = arith.addi %mul3A_330, %add3A_702 : vector<16xi32>
        %gather3A_704 = tpu.vector_load_idx %arg11[%add3A_703] : memref<160xf32, #tpu.memory_space<vmem>>[vector<16xi32>], vector<16xf32>,
        %broadcast_in_dim3A_705 = arith.constant 9 : i32
        %broadcast_in_dim3A_706 = vector.broadcast %broadcast_in_dim3A_705 : i32 to vector<16xi32>
        %gather3A_707 = tpu.vector_load_idx %arg12[%add3A_334, %broadcast_in_dim3A_706] : memref<128x16xf32, #tpu.memory_space<vmem>>[vector<16xi32>, vector<16xi32>], vector<16xf32>,
        %mul3A_708 = arith.mulf %bitcast_convert_type3A_291, %gather3A_700 : vector<16xf32>
        %mul3A_709 = arith.mulf %bitcast_convert_type3A_309, %gather3A_704 : vector<16xf32>
        %add3A_710 = arith.addf %mul3A_708, %mul3A_709 : vector<16xf32>
        %mul3A_711 = arith.constant 0.316227764 : f32
        %mul3A_712 = vector.broadcast %mul3A_711 : f32 to vector<16xf32>
        %mul3A_713 = arith.mulf %add3A_710, %mul3A_712 : vector<16xf32>
        %max3A_714 = arith.constant 0.000000e+00 : f32
        %max3A_715 = vector.broadcast %max3A_714 : f32 to vector<16xf32>
        %max3A_716 = arith.maximumf %mul3A_713, %max3A_715 : vector<16xf32>
        %mul3A_717 = arith.constant 1.41421354 : f32
        %mul3A_718 = vector.broadcast %mul3A_717 : f32 to vector<16xf32>
        %mul3A_719 = arith.mulf %max3A_716, %mul3A_718 : vector<16xf32>
        %bitcast_convert_type3A_720 = tpu.bitcast %mul3A_719 : vector<16xf32> -> vector<16xi32>
        %add3A_721 = arith.constant 32767 : i32
        %add3A_722 = vector.broadcast %add3A_721 : i32 to vector<16xi32>
        %add3A_723 = arith.addi %bitcast_convert_type3A_720, %add3A_722 : vector<16xi32>
        %shift_right_arithmetic3A_724 = arith.constant 16 : i32
        %shift_right_arithmetic3A_725 = vector.broadcast %shift_right_arithmetic3A_724 : i32 to vector<16xi32>
        %shift_right_arithmetic3A_726 = arith.shrsi %bitcast_convert_type3A_720, %shift_right_arithmetic3A_725 : vector<16xi32>
        %and3A_727 = arith.constant 1 : i32
        %and3A_728 = vector.broadcast %and3A_727 : i32 to vector<16xi32>
        %and3A_729 = arith.andi %shift_right_arithmetic3A_726, %and3A_728 : vector<16xi32>
        %add3A_730 = arith.addi %add3A_723, %and3A_729 : vector<16xi32>
        %and3A_731 = arith.constant -65536 : i32
        %and3A_732 = vector.broadcast %and3A_731 : i32 to vector<16xi32>
        %and3A_733 = arith.andi %add3A_730, %and3A_732 : vector<16xi32>
        %bitcast_convert_type3A_734 = tpu.bitcast %and3A_733 : vector<16xi32> -> vector<16xf32>
        %mul3A_735 = arith.mulf %bitcast_convert_type3A_734, %gather3A_707 : vector<16xf32>
        %add3A_736 = arith.addf %add3A_696, %mul3A_735 : vector<16xf32>
        %add3A_737 = arith.constant 10 : i32
        %add3A_738 = vector.broadcast %add3A_737 : i32 to vector<16xi32>
        %add3A_739 = arith.addi %mul3A_321, %add3A_738 : vector<16xi32>
        %gather3A_740 = tpu.vector_load_idx %arg11[%add3A_739] : memref<160xf32, #tpu.memory_space<vmem>>[vector<16xi32>], vector<16xf32>,
        %add3A_741 = arith.constant 10 : i32
        %add3A_742 = vector.broadcast %add3A_741 : i32 to vector<16xi32>
        %add3A_743 = arith.addi %mul3A_330, %add3A_742 : vector<16xi32>
        %gather3A_744 = tpu.vector_load_idx %arg11[%add3A_743] : memref<160xf32, #tpu.memory_space<vmem>>[vector<16xi32>], vector<16xf32>,
        %broadcast_in_dim3A_745 = arith.constant 10 : i32
        %broadcast_in_dim3A_746 = vector.broadcast %broadcast_in_dim3A_745 : i32 to vector<16xi32>
        %gather3A_747 = tpu.vector_load_idx %arg12[%add3A_334, %broadcast_in_dim3A_746] : memref<128x16xf32, #tpu.memory_space<vmem>>[vector<16xi32>, vector<16xi32>], vector<16xf32>,
        %mul3A_748 = arith.mulf %bitcast_convert_type3A_291, %gather3A_740 : vector<16xf32>
        %mul3A_749 = arith.mulf %bitcast_convert_type3A_309, %gather3A_744 : vector<16xf32>
        %add3A_750 = arith.addf %mul3A_748, %mul3A_749 : vector<16xf32>
        %mul3A_751 = arith.constant 0.316227764 : f32
        %mul3A_752 = vector.broadcast %mul3A_751 : f32 to vector<16xf32>
        %mul3A_753 = arith.mulf %add3A_750, %mul3A_752 : vector<16xf32>
        %max3A_754 = arith.constant 0.000000e+00 : f32
        %max3A_755 = vector.broadcast %max3A_754 : f32 to vector<16xf32>
        %max3A_756 = arith.maximumf %mul3A_753, %max3A_755 : vector<16xf32>
        %mul3A_757 = arith.constant 1.41421354 : f32
        %mul3A_758 = vector.broadcast %mul3A_757 : f32 to vector<16xf32>
        %mul3A_759 = arith.mulf %max3A_756, %mul3A_758 : vector<16xf32>
        %bitcast_convert_type3A_760 = tpu.bitcast %mul3A_759 : vector<16xf32> -> vector<16xi32>
        %add3A_761 = arith.constant 32767 : i32
        %add3A_762 = vector.broadcast %add3A_761 : i32 to vector<16xi32>
        %add3A_763 = arith.addi %bitcast_convert_type3A_760, %add3A_762 : vector<16xi32>
        %shift_right_arithmetic3A_764 = arith.constant 16 : i32
        %shift_right_arithmetic3A_765 = vector.broadcast %shift_right_arithmetic3A_764 : i32 to vector<16xi32>
        %shift_right_arithmetic3A_766 = arith.shrsi %bitcast_convert_type3A_760, %shift_right_arithmetic3A_765 : vector<16xi32>
        %and3A_767 = arith.constant 1 : i32
        %and3A_768 = vector.broadcast %and3A_767 : i32 to vector<16xi32>
        %and3A_769 = arith.andi %shift_right_arithmetic3A_766, %and3A_768 : vector<16xi32>
        %add3A_770 = arith.addi %add3A_763, %and3A_769 : vector<16xi32>
        %and3A_771 = arith.constant -65536 : i32
        %and3A_772 = vector.broadcast %and3A_771 : i32 to vector<16xi32>
        %and3A_773 = arith.andi %add3A_770, %and3A_772 : vector<16xi32>
        %bitcast_convert_type3A_774 = tpu.bitcast %and3A_773 : vector<16xi32> -> vector<16xf32>
        %mul3A_775 = arith.mulf %bitcast_convert_type3A_774, %gather3A_747 : vector<16xf32>
        %add3A_776 = arith.addf %add3A_736, %mul3A_775 : vector<16xf32>
        %add3A_777 = arith.constant 11 : i32
        %add3A_778 = vector.broadcast %add3A_777 : i32 to vector<16xi32>
        %add3A_779 = arith.addi %mul3A_321, %add3A_778 : vector<16xi32>
        %gather3A_780 = tpu.vector_load_idx %arg11[%add3A_779] : memref<160xf32, #tpu.memory_space<vmem>>[vector<16xi32>], vector<16xf32>,
        %add3A_781 = arith.constant 11 : i32
        %add3A_782 = vector.broadcast %add3A_781 : i32 to vector<16xi32>
        %add3A_783 = arith.addi %mul3A_330, %add3A_782 : vector<16xi32>
        %gather3A_784 = tpu.vector_load_idx %arg11[%add3A_783] : memref<160xf32, #tpu.memory_space<vmem>>[vector<16xi32>], vector<16xf32>,
        %broadcast_in_dim3A_785 = arith.constant 11 : i32
        %broadcast_in_dim3A_786 = vector.broadcast %broadcast_in_dim3A_785 : i32 to vector<16xi32>
        %gather3A_787 = tpu.vector_load_idx %arg12[%add3A_334, %broadcast_in_dim3A_786] : memref<128x16xf32, #tpu.memory_space<vmem>>[vector<16xi32>, vector<16xi32>], vector<16xf32>,
        %mul3A_788 = arith.mulf %bitcast_convert_type3A_291, %gather3A_780 : vector<16xf32>
        %mul3A_789 = arith.mulf %bitcast_convert_type3A_309, %gather3A_784 : vector<16xf32>
        %add3A_790 = arith.addf %mul3A_788, %mul3A_789 : vector<16xf32>
        %mul3A_791 = arith.constant 0.316227764 : f32
        %mul3A_792 = vector.broadcast %mul3A_791 : f32 to vector<16xf32>
        %mul3A_793 = arith.mulf %add3A_790, %mul3A_792 : vector<16xf32>
        %max3A_794 = arith.constant 0.000000e+00 : f32
        %max3A_795 = vector.broadcast %max3A_794 : f32 to vector<16xf32>
        %max3A_796 = arith.maximumf %mul3A_793, %max3A_795 : vector<16xf32>
        %mul3A_797 = arith.constant 1.41421354 : f32
        %mul3A_798 = vector.broadcast %mul3A_797 : f32 to vector<16xf32>
        %mul3A_799 = arith.mulf %max3A_796, %mul3A_798 : vector<16xf32>
        %bitcast_convert_type3A_800 = tpu.bitcast %mul3A_799 : vector<16xf32> -> vector<16xi32>
        %add3A_801 = arith.constant 32767 : i32
        %add3A_802 = vector.broadcast %add3A_801 : i32 to vector<16xi32>
        %add3A_803 = arith.addi %bitcast_convert_type3A_800, %add3A_802 : vector<16xi32>
        %shift_right_arithmetic3A_804 = arith.constant 16 : i32
        %shift_right_arithmetic3A_805 = vector.broadcast %shift_right_arithmetic3A_804 : i32 to vector<16xi32>
        %shift_right_arithmetic3A_806 = arith.shrsi %bitcast_convert_type3A_800, %shift_right_arithmetic3A_805 : vector<16xi32>
        %and3A_807 = arith.constant 1 : i32
        %and3A_808 = vector.broadcast %and3A_807 : i32 to vector<16xi32>
        %and3A_809 = arith.andi %shift_right_arithmetic3A_806, %and3A_808 : vector<16xi32>
        %add3A_810 = arith.addi %add3A_803, %and3A_809 : vector<16xi32>
        %and3A_811 = arith.constant -65536 : i32
        %and3A_812 = vector.broadcast %and3A_811 : i32 to vector<16xi32>
        %and3A_813 = arith.andi %add3A_810, %and3A_812 : vector<16xi32>
        %bitcast_convert_type3A_814 = tpu.bitcast %and3A_813 : vector<16xi32> -> vector<16xf32>
        %mul3A_815 = arith.mulf %bitcast_convert_type3A_814, %gather3A_787 : vector<16xf32>
        %add3A_816 = arith.addf %add3A_776, %mul3A_815 : vector<16xf32>
        %add3A_817 = arith.constant 12 : i32
        %add3A_818 = vector.broadcast %add3A_817 : i32 to vector<16xi32>
        %add3A_819 = arith.addi %mul3A_321, %add3A_818 : vector<16xi32>
        %gather3A_820 = tpu.vector_load_idx %arg11[%add3A_819] : memref<160xf32, #tpu.memory_space<vmem>>[vector<16xi32>], vector<16xf32>,
        %add3A_821 = arith.constant 12 : i32
        %add3A_822 = vector.broadcast %add3A_821 : i32 to vector<16xi32>
        %add3A_823 = arith.addi %mul3A_330, %add3A_822 : vector<16xi32>
        %gather3A_824 = tpu.vector_load_idx %arg11[%add3A_823] : memref<160xf32, #tpu.memory_space<vmem>>[vector<16xi32>], vector<16xf32>,
        %broadcast_in_dim3A_825 = arith.constant 12 : i32
        %broadcast_in_dim3A_826 = vector.broadcast %broadcast_in_dim3A_825 : i32 to vector<16xi32>
        %gather3A_827 = tpu.vector_load_idx %arg12[%add3A_334, %broadcast_in_dim3A_826] : memref<128x16xf32, #tpu.memory_space<vmem>>[vector<16xi32>, vector<16xi32>], vector<16xf32>,
        %mul3A_828 = arith.mulf %bitcast_convert_type3A_291, %gather3A_820 : vector<16xf32>
        %mul3A_829 = arith.mulf %bitcast_convert_type3A_309, %gather3A_824 : vector<16xf32>
        %add3A_830 = arith.addf %mul3A_828, %mul3A_829 : vector<16xf32>
        %mul3A_831 = arith.constant 0.316227764 : f32
        %mul3A_832 = vector.broadcast %mul3A_831 : f32 to vector<16xf32>
        %mul3A_833 = arith.mulf %add3A_830, %mul3A_832 : vector<16xf32>
        %max3A_834 = arith.constant 0.000000e+00 : f32
        %max3A_835 = vector.broadcast %max3A_834 : f32 to vector<16xf32>
        %max3A_836 = arith.maximumf %mul3A_833, %max3A_835 : vector<16xf32>
        %mul3A_837 = arith.constant 1.41421354 : f32
        %mul3A_838 = vector.broadcast %mul3A_837 : f32 to vector<16xf32>
        %mul3A_839 = arith.mulf %max3A_836, %mul3A_838 : vector<16xf32>
        %bitcast_convert_type3A_840 = tpu.bitcast %mul3A_839 : vector<16xf32> -> vector<16xi32>
        %add3A_841 = arith.constant 32767 : i32
        %add3A_842 = vector.broadcast %add3A_841 : i32 to vector<16xi32>
        %add3A_843 = arith.addi %bitcast_convert_type3A_840, %add3A_842 : vector<16xi32>
        %shift_right_arithmetic3A_844 = arith.constant 16 : i32
        %shift_right_arithmetic3A_845 = vector.broadcast %shift_right_arithmetic3A_844 : i32 to vector<16xi32>
        %shift_right_arithmetic3A_846 = arith.shrsi %bitcast_convert_type3A_840, %shift_right_arithmetic3A_845 : vector<16xi32>
        %and3A_847 = arith.constant 1 : i32
        %and3A_848 = vector.broadcast %and3A_847 : i32 to vector<16xi32>
        %and3A_849 = arith.andi %shift_right_arithmetic3A_846, %and3A_848 : vector<16xi32>
        %add3A_850 = arith.addi %add3A_843, %and3A_849 : vector<16xi32>
        %and3A_851 = arith.constant -65536 : i32
        %and3A_852 = vector.broadcast %and3A_851 : i32 to vector<16xi32>
        %and3A_853 = arith.andi %add3A_850, %and3A_852 : vector<16xi32>
        %bitcast_convert_type3A_854 = tpu.bitcast %and3A_853 : vector<16xi32> -> vector<16xf32>
        %mul3A_855 = arith.mulf %bitcast_convert_type3A_854, %gather3A_827 : vector<16xf32>
        %add3A_856 = arith.addf %add3A_816, %mul3A_855 : vector<16xf32>
        %add3A_857 = arith.constant 13 : i32
        %add3A_858 = vector.broadcast %add3A_857 : i32 to vector<16xi32>
        %add3A_859 = arith.addi %mul3A_321, %add3A_858 : vector<16xi32>
        %gather3A_860 = tpu.vector_load_idx %arg11[%add3A_859] : memref<160xf32, #tpu.memory_space<vmem>>[vector<16xi32>], vector<16xf32>,
        %add3A_861 = arith.constant 13 : i32
        %add3A_862 = vector.broadcast %add3A_861 : i32 to vector<16xi32>
        %add3A_863 = arith.addi %mul3A_330, %add3A_862 : vector<16xi32>
        %gather3A_864 = tpu.vector_load_idx %arg11[%add3A_863] : memref<160xf32, #tpu.memory_space<vmem>>[vector<16xi32>], vector<16xf32>,
        %broadcast_in_dim3A_865 = arith.constant 13 : i32
        %broadcast_in_dim3A_866 = vector.broadcast %broadcast_in_dim3A_865 : i32 to vector<16xi32>
        %gather3A_867 = tpu.vector_load_idx %arg12[%add3A_334, %broadcast_in_dim3A_866] : memref<128x16xf32, #tpu.memory_space<vmem>>[vector<16xi32>, vector<16xi32>], vector<16xf32>,
        %mul3A_868 = arith.mulf %bitcast_convert_type3A_291, %gather3A_860 : vector<16xf32>
        %mul3A_869 = arith.mulf %bitcast_convert_type3A_309, %gather3A_864 : vector<16xf32>
        %add3A_870 = arith.addf %mul3A_868, %mul3A_869 : vector<16xf32>
        %mul3A_871 = arith.constant 0.316227764 : f32
        %mul3A_872 = vector.broadcast %mul3A_871 : f32 to vector<16xf32>
        %mul3A_873 = arith.mulf %add3A_870, %mul3A_872 : vector<16xf32>
        %max3A_874 = arith.constant 0.000000e+00 : f32
        %max3A_875 = vector.broadcast %max3A_874 : f32 to vector<16xf32>
        %max3A_876 = arith.maximumf %mul3A_873, %max3A_875 : vector<16xf32>
        %mul3A_877 = arith.constant 1.41421354 : f32
        %mul3A_878 = vector.broadcast %mul3A_877 : f32 to vector<16xf32>
        %mul3A_879 = arith.mulf %max3A_876, %mul3A_878 : vector<16xf32>
        %bitcast_convert_type3A_880 = tpu.bitcast %mul3A_879 : vector<16xf32> -> vector<16xi32>
        %add3A_881 = arith.constant 32767 : i32
        %add3A_882 = vector.broadcast %add3A_881 : i32 to vector<16xi32>
        %add3A_883 = arith.addi %bitcast_convert_type3A_880, %add3A_882 : vector<16xi32>
        %shift_right_arithmetic3A_884 = arith.constant 16 : i32
        %shift_right_arithmetic3A_885 = vector.broadcast %shift_right_arithmetic3A_884 : i32 to vector<16xi32>
        %shift_right_arithmetic3A_886 = arith.shrsi %bitcast_convert_type3A_880, %shift_right_arithmetic3A_885 : vector<16xi32>
        %and3A_887 = arith.constant 1 : i32
        %and3A_888 = vector.broadcast %and3A_887 : i32 to vector<16xi32>
        %and3A_889 = arith.andi %shift_right_arithmetic3A_886, %and3A_888 : vector<16xi32>
        %add3A_890 = arith.addi %add3A_883, %and3A_889 : vector<16xi32>
        %and3A_891 = arith.constant -65536 : i32
        %and3A_892 = vector.broadcast %and3A_891 : i32 to vector<16xi32>
        %and3A_893 = arith.andi %add3A_890, %and3A_892 : vector<16xi32>
        %bitcast_convert_type3A_894 = tpu.bitcast %and3A_893 : vector<16xi32> -> vector<16xf32>
        %mul3A_895 = arith.mulf %bitcast_convert_type3A_894, %gather3A_867 : vector<16xf32>
        %add3A_896 = arith.addf %add3A_856, %mul3A_895 : vector<16xf32>
        %add3A_897 = arith.constant 14 : i32
        %add3A_898 = vector.broadcast %add3A_897 : i32 to vector<16xi32>
        %add3A_899 = arith.addi %mul3A_321, %add3A_898 : vector<16xi32>
        %gather3A_900 = tpu.vector_load_idx %arg11[%add3A_899] : memref<160xf32, #tpu.memory_space<vmem>>[vector<16xi32>], vector<16xf32>,
        %add3A_901 = arith.constant 14 : i32
        %add3A_902 = vector.broadcast %add3A_901 : i32 to vector<16xi32>
        %add3A_903 = arith.addi %mul3A_330, %add3A_902 : vector<16xi32>
        %gather3A_904 = tpu.vector_load_idx %arg11[%add3A_903] : memref<160xf32, #tpu.memory_space<vmem>>[vector<16xi32>], vector<16xf32>,
        %broadcast_in_dim3A_905 = arith.constant 14 : i32
        %broadcast_in_dim3A_906 = vector.broadcast %broadcast_in_dim3A_905 : i32 to vector<16xi32>
        %gather3A_907 = tpu.vector_load_idx %arg12[%add3A_334, %broadcast_in_dim3A_906] : memref<128x16xf32, #tpu.memory_space<vmem>>[vector<16xi32>, vector<16xi32>], vector<16xf32>,
        %mul3A_908 = arith.mulf %bitcast_convert_type3A_291, %gather3A_900 : vector<16xf32>
        %mul3A_909 = arith.mulf %bitcast_convert_type3A_309, %gather3A_904 : vector<16xf32>
        %add3A_910 = arith.addf %mul3A_908, %mul3A_909 : vector<16xf32>
        %mul3A_911 = arith.constant 0.316227764 : f32
        %mul3A_912 = vector.broadcast %mul3A_911 : f32 to vector<16xf32>
        %mul3A_913 = arith.mulf %add3A_910, %mul3A_912 : vector<16xf32>
        %max3A_914 = arith.constant 0.000000e+00 : f32
        %max3A_915 = vector.broadcast %max3A_914 : f32 to vector<16xf32>
        %max3A_916 = arith.maximumf %mul3A_913, %max3A_915 : vector<16xf32>
        %mul3A_917 = arith.constant 1.41421354 : f32
        %mul3A_918 = vector.broadcast %mul3A_917 : f32 to vector<16xf32>
        %mul3A_919 = arith.mulf %max3A_916, %mul3A_918 : vector<16xf32>
        %bitcast_convert_type3A_920 = tpu.bitcast %mul3A_919 : vector<16xf32> -> vector<16xi32>
        %add3A_921 = arith.constant 32767 : i32
        %add3A_922 = vector.broadcast %add3A_921 : i32 to vector<16xi32>
        %add3A_923 = arith.addi %bitcast_convert_type3A_920, %add3A_922 : vector<16xi32>
        %shift_right_arithmetic3A_924 = arith.constant 16 : i32
        %shift_right_arithmetic3A_925 = vector.broadcast %shift_right_arithmetic3A_924 : i32 to vector<16xi32>
        %shift_right_arithmetic3A_926 = arith.shrsi %bitcast_convert_type3A_920, %shift_right_arithmetic3A_925 : vector<16xi32>
        %and3A_927 = arith.constant 1 : i32
        %and3A_928 = vector.broadcast %and3A_927 : i32 to vector<16xi32>
        %and3A_929 = arith.andi %shift_right_arithmetic3A_926, %and3A_928 : vector<16xi32>
        %add3A_930 = arith.addi %add3A_923, %and3A_929 : vector<16xi32>
        %and3A_931 = arith.constant -65536 : i32
        %and3A_932 = vector.broadcast %and3A_931 : i32 to vector<16xi32>
        %and3A_933 = arith.andi %add3A_930, %and3A_932 : vector<16xi32>
        %bitcast_convert_type3A_934 = tpu.bitcast %and3A_933 : vector<16xi32> -> vector<16xf32>
        %mul3A_935 = arith.mulf %bitcast_convert_type3A_934, %gather3A_907 : vector<16xf32>
        %add3A_936 = arith.addf %add3A_896, %mul3A_935 : vector<16xf32>
        %add3A_937 = arith.constant 15 : i32
        %add3A_938 = vector.broadcast %add3A_937 : i32 to vector<16xi32>
        %add3A_939 = arith.addi %mul3A_321, %add3A_938 : vector<16xi32>
        %gather3A_940 = tpu.vector_load_idx %arg11[%add3A_939] : memref<160xf32, #tpu.memory_space<vmem>>[vector<16xi32>], vector<16xf32>,
        %add3A_941 = arith.constant 15 : i32
        %add3A_942 = vector.broadcast %add3A_941 : i32 to vector<16xi32>
        %add3A_943 = arith.addi %mul3A_330, %add3A_942 : vector<16xi32>
        %gather3A_944 = tpu.vector_load_idx %arg11[%add3A_943] : memref<160xf32, #tpu.memory_space<vmem>>[vector<16xi32>], vector<16xf32>,
        %broadcast_in_dim3A_945 = arith.constant 15 : i32
        %broadcast_in_dim3A_946 = vector.broadcast %broadcast_in_dim3A_945 : i32 to vector<16xi32>
        %gather3A_947 = tpu.vector_load_idx %arg12[%add3A_334, %broadcast_in_dim3A_946] : memref<128x16xf32, #tpu.memory_space<vmem>>[vector<16xi32>, vector<16xi32>], vector<16xf32>,
        %mul3A_948 = arith.mulf %bitcast_convert_type3A_291, %gather3A_940 : vector<16xf32>
        %mul3A_949 = arith.mulf %bitcast_convert_type3A_309, %gather3A_944 : vector<16xf32>
        %add3A_950 = arith.addf %mul3A_948, %mul3A_949 : vector<16xf32>
        %mul3A_951 = arith.constant 0.316227764 : f32
        %mul3A_952 = vector.broadcast %mul3A_951 : f32 to vector<16xf32>
        %mul3A_953 = arith.mulf %add3A_950, %mul3A_952 : vector<16xf32>
        %max3A_954 = arith.constant 0.000000e+00 : f32
        %max3A_955 = vector.broadcast %max3A_954 : f32 to vector<16xf32>
        %max3A_956 = arith.maximumf %mul3A_953, %max3A_955 : vector<16xf32>
        %mul3A_957 = arith.constant 1.41421354 : f32
        %mul3A_958 = vector.broadcast %mul3A_957 : f32 to vector<16xf32>
        %mul3A_959 = arith.mulf %max3A_956, %mul3A_958 : vector<16xf32>
        %bitcast_convert_type3A_960 = tpu.bitcast %mul3A_959 : vector<16xf32> -> vector<16xi32>
        %add3A_961 = arith.constant 32767 : i32
        %add3A_962 = vector.broadcast %add3A_961 : i32 to vector<16xi32>
        %add3A_963 = arith.addi %bitcast_convert_type3A_960, %add3A_962 : vector<16xi32>
        %shift_right_arithmetic3A_964 = arith.constant 16 : i32
        %shift_right_arithmetic3A_965 = vector.broadcast %shift_right_arithmetic3A_964 : i32 to vector<16xi32>
        %shift_right_arithmetic3A_966 = arith.shrsi %bitcast_convert_type3A_960, %shift_right_arithmetic3A_965 : vector<16xi32>
        %and3A_967 = arith.constant 1 : i32
        %and3A_968 = vector.broadcast %and3A_967 : i32 to vector<16xi32>
        %and3A_969 = arith.andi %shift_right_arithmetic3A_966, %and3A_968 : vector<16xi32>
        %add3A_970 = arith.addi %add3A_963, %and3A_969 : vector<16xi32>
        %and3A_971 = arith.constant -65536 : i32
        %and3A_972 = vector.broadcast %and3A_971 : i32 to vector<16xi32>
        %and3A_973 = arith.andi %add3A_970, %and3A_972 : vector<16xi32>
        %bitcast_convert_type3A_974 = tpu.bitcast %and3A_973 : vector<16xi32> -> vector<16xf32>
        %mul3A_975 = arith.mulf %bitcast_convert_type3A_974, %gather3A_947 : vector<16xf32>
        %add3A_976 = arith.addf %add3A_936, %mul3A_975 : vector<16xf32>
        %sub3A_977 = arith.subf %add3A_976, %scan3A_79 : vector<16xf32>
        %add3A_978 = arith.addf %scan3A_78, %sub3A_977 : vector<16xf32>
        %sub3A_979 = arith.subf %add3A_978, %scan3A_78 : vector<16xf32>
        %sub3A_980 = arith.subf %sub3A_979, %sub3A_977 : vector<16xf32>
        scf.yield %add3A_978, %sub3A_980 : vector<16xf32>, vector<16xf32>
      }
      %scan3A_53 = arith.constant 8 : i32
      %add3A_54 = arith.constant 2 : i32
      %add3A_55 = arith.addi %mul3A_33, %add3A_54 : i32
      %min3A = arith.constant 39 : i32
      %min3A_56 = arith.minsi %add3A_55, %min3A : i32
      %mul3A_57 = arith.constant 128 : i32
      %mul3A_58 = arith.muli %min3A_56, %mul3A_57 : i32
      %dma_start3A_59 = tpu.memref_slice %arg9[%mul3A_58] : memref<5120xi32, #tpu.memory_space<vmem>> -> memref<128xi32, #tpu.memory_space<vmem>>
      %dma_start3A_60 = arith.constant 0 : i32
      %dma_start3A_61 = arith.constant 0 : i32
      %dma_start3A_62 = tpu.memref_slice %arg5[%dma_start3A_60, %dma_start3A_61] : memref<10000x16xf32, #tpu.memory_space<hbm>> -> memref<10000x16xf32, #tpu.memory_space<hbm>>
      tpu.enqueue_indirect_dma source(%dma_start3A_62 : memref<10000x16xf32, #tpu.memory_space<hbm>>) target(%arg12 : memref<128x16xf32, #tpu.memory_space<vmem>>) offsets(%dma_start3A_59 : memref<128xi32, #tpu.memory_space<vmem>>) semaphore(%arg15 : memref<!tpu.dma_semaphore, #tpu.memory_space<semaphore_mem>>)
      %dma_wait3A_63 = arith.constant 0 : i32
      %dma_wait3A_64 = arith.constant 0 : i32
      %dma_wait3A_65 = tpu.memref_slice %arg5[%dma_wait3A_63, %dma_wait3A_64] : memref<10000x16xf32, #tpu.memory_space<hbm>> -> memref<128x16xf32, #tpu.memory_space<hbm>>
      %dma_wait3A_66 = arith.constant 0 : i32
      %dma_wait3A_67 = arith.constant 0 : i32
      %dma_wait3A_68 = tpu.memref_slice %arg5[%dma_wait3A_66, %dma_wait3A_67] : memref<10000x16xf32, #tpu.memory_space<hbm>> -> memref<128x16xf32, #tpu.memory_space<hbm>>
      tpu.wait_dma2 semaphore(%arg16 : memref<!tpu.dma_semaphore, #tpu.memory_space<semaphore_mem>>) src(%dma_wait3A_68 : memref<128x16xf32, #tpu.memory_space<hbm>>) dst(%arg13 : memref<128x16xf32, #tpu.memory_space<vmem>>)
      %add3A_69 = arith.constant 1 : i32
      %add3A_70 = arith.addi %mul3A_33, %add3A_69 : i32
      %scan3A_71 = arith.constant 0 : i32
      %scan3A_72 = arith.constant 8 : i32
      %scan3A_73 = arith.addi %scan3A_71, %scan3A_72 : i32
      %scan3A_74 = arith.constant 1 : i32
      %scan3A_75:2 = scf.for %scan3A_77 = %scan3A_71 to %scan3A_73 step %scan3A_74 iter_args(%scan3A_78 = %scan3A_52#0, %scan3A_79 = %scan3A_52#1) -> (vector<16xf32>, vector<16xf32>)  : i32 {
        %mul3A_80 = arith.constant 128 : i32
        %mul3A_81 = arith.muli %add3A_70, %mul3A_80 : i32
        %mul3A_82 = arith.constant 16 : i32
        %mul3A_83 = arith.muli %scan3A_77, %mul3A_82 : i32
        %add3A_84 = arith.addi %mul3A_81, %mul3A_83 : i32
        %get3A = arith.index_cast %add3A_84 : i32 to index
        %get3A_85 = tpu.vector_load %arg9[%get3A] {strides = array<i32>} : memref<5120xi32, #tpu.memory_space<vmem>>, vector<16xi32>,
        %mul3A_86 = arith.constant 3 : i32
        %mul3A_87 = vector.broadcast %mul3A_86 : i32 to vector<16xi32>
        %mul3A_88 = arith.muli %get3A_85, %mul3A_87 : vector<16xi32>
        %get3A_89 = arith.index_cast %add3A_84 : i32 to index
        %get3A_90 = tpu.vector_load %arg10[%get3A_89] {strides = array<i32>} : memref<5120xi32, #tpu.memory_space<vmem>>, vector<16xi32>,
        %mul3A_91 = arith.constant 3 : i32
        %mul3A_92 = vector.broadcast %mul3A_91 : i32 to vector<16xi32>
        %mul3A_93 = arith.muli %get3A_90, %mul3A_92 : vector<16xi32>
        %gather3A = tpu.vector_load_idx %arg8[%mul3A_93] : memref<30000xf32, #tpu.memory_space<vmem>>[vector<16xi32>], vector<16xf32>,
        %gather3A_94 = tpu.vector_load_idx %arg8[%mul3A_88] : memref<30000xf32, #tpu.memory_space<vmem>>[vector<16xi32>], vector<16xf32>,
        %sub3A = arith.subf %gather3A, %gather3A_94 : vector<16xf32>
        %add3A_95 = arith.constant 1 : i32
        %add3A_96 = vector.broadcast %add3A_95 : i32 to vector<16xi32>
        %add3A_97 = arith.addi %mul3A_93, %add3A_96 : vector<16xi32>
        %gather3A_98 = tpu.vector_load_idx %arg8[%add3A_97] : memref<30000xf32, #tpu.memory_space<vmem>>[vector<16xi32>], vector<16xf32>,
        %add3A_99 = arith.constant 1 : i32
        %add3A_100 = vector.broadcast %add3A_99 : i32 to vector<16xi32>
        %add3A_101 = arith.addi %mul3A_88, %add3A_100 : vector<16xi32>
        %gather3A_102 = tpu.vector_load_idx %arg8[%add3A_101] : memref<30000xf32, #tpu.memory_space<vmem>>[vector<16xi32>], vector<16xf32>,
        %sub3A_103 = arith.subf %gather3A_98, %gather3A_102 : vector<16xf32>
        %add3A_104 = arith.constant 2 : i32
        %add3A_105 = vector.broadcast %add3A_104 : i32 to vector<16xi32>
        %add3A_106 = arith.addi %mul3A_93, %add3A_105 : vector<16xi32>
        %gather3A_107 = tpu.vector_load_idx %arg8[%add3A_106] : memref<30000xf32, #tpu.memory_space<vmem>>[vector<16xi32>], vector<16xf32>,
        %add3A_108 = arith.constant 2 : i32
        %add3A_109 = vector.broadcast %add3A_108 : i32 to vector<16xi32>
        %add3A_110 = arith.addi %mul3A_88, %add3A_109 : vector<16xi32>
        %gather3A_111 = tpu.vector_load_idx %arg8[%add3A_110] : memref<30000xf32, #tpu.memory_space<vmem>>[vector<16xi32>], vector<16xf32>,
        %sub3A_112 = arith.subf %gather3A_107, %gather3A_111 : vector<16xf32>
        %mul3A_113 = arith.mulf %sub3A, %sub3A : vector<16xf32>
        %mul3A_114 = arith.mulf %sub3A_103, %sub3A_103 : vector<16xf32>
        %add3A_115 = arith.addf %mul3A_113, %mul3A_114 : vector<16xf32>
        %mul3A_116 = arith.mulf %sub3A_112, %sub3A_112 : vector<16xf32>
        %add3A_117 = arith.addf %add3A_115, %mul3A_116 : vector<16xf32>
        %bitcast_convert_type3A = tpu.bitcast %add3A_117 : vector<16xf32> -> vector<16xi32>
        %shift_right_arithmetic3A = arith.constant 1 : i32
        %shift_right_arithmetic3A_118 = vector.broadcast %shift_right_arithmetic3A : i32 to vector<16xi32>
        %shift_right_arithmetic3A_119 = arith.shrsi %bitcast_convert_type3A, %shift_right_arithmetic3A_118 : vector<16xi32>
        %sub3A_120 = arith.constant 1597463007 : i32
        %sub3A_121 = vector.broadcast %sub3A_120 : i32 to vector<16xi32>
        %sub3A_122 = arith.subi %sub3A_121, %shift_right_arithmetic3A_119 : vector<16xi32>
        %bitcast_convert_type3A_123 = tpu.bitcast %sub3A_122 : vector<16xi32> -> vector<16xf32>
        %mul3A_124 = arith.constant 5.000000e-01 : f32
        %mul3A_125 = vector.broadcast %mul3A_124 : f32 to vector<16xf32>
        %mul3A_126 = arith.mulf %mul3A_125, %add3A_117 : vector<16xf32>
        %mul3A_127 = arith.mulf %mul3A_126, %bitcast_convert_type3A_123 : vector<16xf32>
        %mul3A_128 = arith.mulf %mul3A_127, %bitcast_convert_type3A_123 : vector<16xf32>
        %sub3A_129 = arith.constant 1.500000e+00 : f32
        %sub3A_130 = vector.broadcast %sub3A_129 : f32 to vector<16xf32>
        %sub3A_131 = arith.subf %sub3A_130, %mul3A_128 : vector<16xf32>
        %mul3A_132 = arith.mulf %bitcast_convert_type3A_123, %sub3A_131 : vector<16xf32>
        %mul3A_133 = arith.mulf %mul3A_126, %mul3A_132 : vector<16xf32>
        %mul3A_134 = arith.mulf %mul3A_133, %mul3A_132 : vector<16xf32>
        %sub3A_135 = arith.constant 1.500000e+00 : f32
        %sub3A_136 = vector.broadcast %sub3A_135 : f32 to vector<16xf32>
        %sub3A_137 = arith.subf %sub3A_136, %mul3A_134 : vector<16xf32>
        %mul3A_138 = arith.mulf %mul3A_132, %sub3A_137 : vector<16xf32>
        %mul3A_139 = arith.mulf %mul3A_126, %mul3A_138 : vector<16xf32>
        %mul3A_140 = arith.mulf %mul3A_139, %mul3A_138 : vector<16xf32>
        %sub3A_141 = arith.constant 1.500000e+00 : f32
        %sub3A_142 = vector.broadcast %sub3A_141 : f32 to vector<16xf32>
        %sub3A_143 = arith.subf %sub3A_142, %mul3A_140 : vector<16xf32>
        %mul3A_144 = arith.mulf %mul3A_138, %sub3A_143 : vector<16xf32>
        %mul3A_145 = arith.mulf %add3A_117, %mul3A_144 : vector<16xf32>
        %mul3A_146 = arith.constant 5.500000e+00 : f32
        %mul3A_147 = vector.broadcast %mul3A_146 : f32 to vector<16xf32>
        %mul3A_148 = arith.mulf %mul3A_145, %mul3A_147 : vector<16xf32>
        %convert_element_type3A = arith.fptosi %mul3A_148 : vector<16xf32> to vector<16xi32>
        %convert_element_type3A_149 = arith.sitofp %convert_element_type3A : vector<16xi32> to vector<16xf32>
        %sub3A_150 = arith.subf %mul3A_148, %convert_element_type3A_149 : vector<16xf32>
        %mul3A_151 = arith.mulf %sub3A_150, %sub3A_150 : vector<16xf32>
        %sub3A_152 = arith.constant 1.000000e+00 : f32
        %sub3A_153 = vector.broadcast %sub3A_152 : f32 to vector<16xf32>
        %sub3A_154 = arith.subf %sub3A_153, %mul3A_151 : vector<16xf32>
        %sub3A_155 = arith.constant 2.000000e+00 : f32
        %sub3A_156 = vector.broadcast %sub3A_155 : f32 to vector<16xf32>
        %sub3A_157 = arith.subf %sub3A_156, %sub3A_150 : vector<16xf32>
        %mul3A_158 = arith.mulf %sub3A_150, %sub3A_157 : vector<16xf32>
        %ge3A = arith.constant 1 : i32
        %ge3A_159 = vector.broadcast %ge3A : i32 to vector<16xi32>
        %ge3A_160 = arith.cmpi sge, %convert_element_type3A, %ge3A_159 : vector<16xi32>
        %le3A = arith.constant 10 : i32
        %le3A_161 = vector.broadcast %le3A : i32 to vector<16xi32>
        %le3A_162 = arith.cmpi sle, %convert_element_type3A, %le3A_161 : vector<16xi32>
        %and3A = arith.andi %ge3A_160, %le3A_162 : vector<16xi1>
        %div3A = arith.constant -2.000000e+00 : f32
        %div3A_163 = vector.broadcast %div3A : f32 to vector<16xf32>
        %div3A_164 = arith.divf %div3A_163, %sub3A_154 : vector<16xf32>
        %max3A = arith.constant -8.700000e+01 : f32
        %max3A_165 = vector.broadcast %max3A : f32 to vector<16xf32>
        %max3A_166 = arith.maximumf %div3A_164, %max3A_165 : vector<16xf32>
        %mul3A_167 = arith.constant 1.44269502 : f32
        %mul3A_168 = vector.broadcast %mul3A_167 : f32 to vector<16xf32>
        %mul3A_169 = arith.mulf %max3A_166, %mul3A_168 : vector<16xf32>
        %sub3A_170 = arith.constant 5.000000e-01 : f32
        %sub3A_171 = vector.broadcast %sub3A_170 : f32 to vector<16xf32>
        %sub3A_172 = arith.subf %mul3A_169, %sub3A_171 : vector<16xf32>
        %convert_element_type3A_173 = arith.fptosi %sub3A_172 : vector<16xf32> to vector<16xi32>
        %convert_element_type3A_174 = arith.sitofp %convert_element_type3A_173 : vector<16xi32> to vector<16xf32>
        %mul3A_175 = arith.constant 0.693147182 : f32
        %mul3A_176 = vector.broadcast %mul3A_175 : f32 to vector<16xf32>
        %mul3A_177 = arith.mulf %convert_element_type3A_174, %mul3A_176 : vector<16xf32>
        %sub3A_178 = arith.subf %max3A_166, %mul3A_177 : vector<16xf32>
        %mul3A_179 = arith.constant -1.90465421E-9 : f32
        %mul3A_180 = vector.broadcast %mul3A_179 : f32 to vector<16xf32>
        %mul3A_181 = arith.mulf %convert_element_type3A_174, %mul3A_180 : vector<16xf32>
        %sub3A_182 = arith.subf %sub3A_178, %mul3A_181 : vector<16xf32>
        %mul3A_183 = arith.constant 0.00833333377 : f32
        %mul3A_184 = vector.broadcast %mul3A_183 : f32 to vector<16xf32>
        %mul3A_185 = arith.mulf %sub3A_182, %mul3A_184 : vector<16xf32>
        %add3A_186 = arith.constant 0.0416666679 : f32
        %add3A_187 = vector.broadcast %add3A_186 : f32 to vector<16xf32>
        %add3A_188 = arith.addf %add3A_187, %mul3A_185 : vector<16xf32>
        %mul3A_189 = arith.mulf %sub3A_182, %add3A_188 : vector<16xf32>
        %add3A_190 = arith.constant 0.166666657 : f32
        %add3A_191 = vector.broadcast %add3A_190 : f32 to vector<16xf32>
        %add3A_192 = arith.addf %add3A_191, %mul3A_189 : vector<16xf32>
        %mul3A_193 = arith.mulf %sub3A_182, %add3A_192 : vector<16xf32>
        %add3A_194 = arith.constant 5.000000e-01 : f32
        %add3A_195 = vector.broadcast %add3A_194 : f32 to vector<16xf32>
        %add3A_196 = arith.addf %add3A_195, %mul3A_193 : vector<16xf32>
        %mul3A_197 = arith.mulf %sub3A_182, %add3A_196 : vector<16xf32>
        %add3A_198 = arith.constant 1.000000e+00 : f32
        %add3A_199 = vector.broadcast %add3A_198 : f32 to vector<16xf32>
        %add3A_200 = arith.addf %add3A_199, %mul3A_197 : vector<16xf32>
        %mul3A_201 = arith.mulf %sub3A_182, %add3A_200 : vector<16xf32>
        %add3A_202 = arith.constant 1.000000e+00 : f32
        %add3A_203 = vector.broadcast %add3A_202 : f32 to vector<16xf32>
        %add3A_204 = arith.addf %add3A_203, %mul3A_201 : vector<16xf32>
        %add3A_205 = arith.constant 127 : i32
        %add3A_206 = vector.broadcast %add3A_205 : i32 to vector<16xi32>
        %add3A_207 = arith.addi %convert_element_type3A_173, %add3A_206 : vector<16xi32>
        %shift_left3A = arith.constant 23 : i32
        %shift_left3A_208 = vector.broadcast %shift_left3A : i32 to vector<16xi32>
        %shift_left3A_209 = arith.shli %add3A_207, %shift_left3A_208 : vector<16xi32>
        %bitcast_convert_type3A_210 = tpu.bitcast %shift_left3A_209 : vector<16xi32> -> vector<16xf32>
        %mul3A_211 = arith.mulf %add3A_204, %bitcast_convert_type3A_210 : vector<16xf32>
        %jit3A = arith.constant 0.000000e+00 : f32
        %broadcast_in_dim3A_212 = vector.broadcast %jit3A : f32 to vector<16xf32>
        %select_n3A = arith.select %and3A, %mul3A_211, %broadcast_in_dim3A_212 : vector<16xi1>, vector<16xf32>
        %le3A_213 = arith.constant 9 : i32
        %le3A_214 = vector.broadcast %le3A_213 : i32 to vector<16xi32>
        %le3A_215 = arith.cmpi sle, %convert_element_type3A, %le3A_214 : vector<16xi32>
        %gt3A = arith.constant 0.000000e+00 : f32
        %gt3A_216 = vector.broadcast %gt3A : f32 to vector<16xf32>
        %gt3A_217 = arith.cmpf ogt, %mul3A_158, %gt3A_216 : vector<16xf32>
        %and3A_218 = arith.andi %le3A_215, %gt3A_217 : vector<16xi1>
        %div3A_219 = arith.constant -2.000000e+00 : f32
        %div3A_220 = vector.broadcast %div3A_219 : f32 to vector<16xf32>
        %div3A_221 = arith.divf %div3A_220, %mul3A_158 : vector<16xf32>
        %max3A_222 = arith.constant -8.700000e+01 : f32
        %max3A_223 = vector.broadcast %max3A_222 : f32 to vector<16xf32>
        %max3A_224 = arith.maximumf %div3A_221, %max3A_223 : vector<16xf32>
        %mul3A_225 = arith.constant 1.44269502 : f32
        %mul3A_226 = vector.broadcast %mul3A_225 : f32 to vector<16xf32>
        %mul3A_227 = arith.mulf %max3A_224, %mul3A_226 : vector<16xf32>
        %sub3A_228 = arith.constant 5.000000e-01 : f32
        %sub3A_229 = vector.broadcast %sub3A_228 : f32 to vector<16xf32>
        %sub3A_230 = arith.subf %mul3A_227, %sub3A_229 : vector<16xf32>
        %convert_element_type3A_231 = arith.fptosi %sub3A_230 : vector<16xf32> to vector<16xi32>
        %convert_element_type3A_232 = arith.sitofp %convert_element_type3A_231 : vector<16xi32> to vector<16xf32>
        %mul3A_233 = arith.constant 0.693147182 : f32
        %mul3A_234 = vector.broadcast %mul3A_233 : f32 to vector<16xf32>
        %mul3A_235 = arith.mulf %convert_element_type3A_232, %mul3A_234 : vector<16xf32>
        %sub3A_236 = arith.subf %max3A_224, %mul3A_235 : vector<16xf32>
        %mul3A_237 = arith.constant -1.90465421E-9 : f32
        %mul3A_238 = vector.broadcast %mul3A_237 : f32 to vector<16xf32>
        %mul3A_239 = arith.mulf %convert_element_type3A_232, %mul3A_238 : vector<16xf32>
        %sub3A_240 = arith.subf %sub3A_236, %mul3A_239 : vector<16xf32>
        %mul3A_241 = arith.constant 0.00833333377 : f32
        %mul3A_242 = vector.broadcast %mul3A_241 : f32 to vector<16xf32>
        %mul3A_243 = arith.mulf %sub3A_240, %mul3A_242 : vector<16xf32>
        %add3A_244 = arith.constant 0.0416666679 : f32
        %add3A_245 = vector.broadcast %add3A_244 : f32 to vector<16xf32>
        %add3A_246 = arith.addf %add3A_245, %mul3A_243 : vector<16xf32>
        %mul3A_247 = arith.mulf %sub3A_240, %add3A_246 : vector<16xf32>
        %add3A_248 = arith.constant 0.166666657 : f32
        %add3A_249 = vector.broadcast %add3A_248 : f32 to vector<16xf32>
        %add3A_250 = arith.addf %add3A_249, %mul3A_247 : vector<16xf32>
        %mul3A_251 = arith.mulf %sub3A_240, %add3A_250 : vector<16xf32>
        %add3A_252 = arith.constant 5.000000e-01 : f32
        %add3A_253 = vector.broadcast %add3A_252 : f32 to vector<16xf32>
        %add3A_254 = arith.addf %add3A_253, %mul3A_251 : vector<16xf32>
        %mul3A_255 = arith.mulf %sub3A_240, %add3A_254 : vector<16xf32>
        %add3A_256 = arith.constant 1.000000e+00 : f32
        %add3A_257 = vector.broadcast %add3A_256 : f32 to vector<16xf32>
        %add3A_258 = arith.addf %add3A_257, %mul3A_255 : vector<16xf32>
        %mul3A_259 = arith.mulf %sub3A_240, %add3A_258 : vector<16xf32>
        %add3A_260 = arith.constant 1.000000e+00 : f32
        %add3A_261 = vector.broadcast %add3A_260 : f32 to vector<16xf32>
        %add3A_262 = arith.addf %add3A_261, %mul3A_259 : vector<16xf32>
        %add3A_263 = arith.constant 127 : i32
        %add3A_264 = vector.broadcast %add3A_263 : i32 to vector<16xi32>
        %add3A_265 = arith.addi %convert_element_type3A_231, %add3A_264 : vector<16xi32>
        %shift_left3A_266 = arith.constant 23 : i32
        %shift_left3A_267 = vector.broadcast %shift_left3A_266 : i32 to vector<16xi32>
        %shift_left3A_268 = arith.shli %add3A_265, %shift_left3A_267 : vector<16xi32>
        %bitcast_convert_type3A_269 = tpu.bitcast %shift_left3A_268 : vector<16xi32> -> vector<16xf32>
        %mul3A_270 = arith.mulf %add3A_262, %bitcast_convert_type3A_269 : vector<16xf32>
        %jit3A_271 = arith.constant 0.000000e+00 : f32
        %broadcast_in_dim3A_272 = vector.broadcast %jit3A_271 : f32 to vector<16xf32>
        %select_n3A_273 = arith.select %and3A_218, %mul3A_270, %broadcast_in_dim3A_272 : vector<16xi1>, vector<16xf32>
        %mul3A_274 = arith.constant 2.666930e+01 : f32
        %mul3A_275 = vector.broadcast %mul3A_274 : f32 to vector<16xf32>
        %mul3A_276 = arith.mulf %select_n3A, %mul3A_275 : vector<16xf32>
        %bitcast_convert_type3A_277 = tpu.bitcast %mul3A_276 : vector<16xf32> -> vector<16xi32>
        %add3A_278 = arith.constant 32767 : i32
        %add3A_279 = vector.broadcast %add3A_278 : i32 to vector<16xi32>
        %add3A_280 = arith.addi %bitcast_convert_type3A_277, %add3A_279 : vector<16xi32>
        %shift_right_arithmetic3A_281 = arith.constant 16 : i32
        %shift_right_arithmetic3A_282 = vector.broadcast %shift_right_arithmetic3A_281 : i32 to vector<16xi32>
        %shift_right_arithmetic3A_283 = arith.shrsi %bitcast_convert_type3A_277, %shift_right_arithmetic3A_282 : vector<16xi32>
        %and3A_284 = arith.constant 1 : i32
        %and3A_285 = vector.broadcast %and3A_284 : i32 to vector<16xi32>
        %and3A_286 = arith.andi %shift_right_arithmetic3A_283, %and3A_285 : vector<16xi32>
        %add3A_287 = arith.addi %add3A_280, %and3A_286 : vector<16xi32>
        %and3A_288 = arith.constant -65536 : i32
        %and3A_289 = vector.broadcast %and3A_288 : i32 to vector<16xi32>
        %and3A_290 = arith.andi %add3A_287, %and3A_289 : vector<16xi32>
        %bitcast_convert_type3A_291 = tpu.bitcast %and3A_290 : vector<16xi32> -> vector<16xf32>
        %mul3A_292 = arith.constant 2.666930e+01 : f32
        %mul3A_293 = vector.broadcast %mul3A_292 : f32 to vector<16xf32>
        %mul3A_294 = arith.mulf %select_n3A_273, %mul3A_293 : vector<16xf32>
        %bitcast_convert_type3A_295 = tpu.bitcast %mul3A_294 : vector<16xf32> -> vector<16xi32>
        %add3A_296 = arith.constant 32767 : i32
        %add3A_297 = vector.broadcast %add3A_296 : i32 to vector<16xi32>
        %add3A_298 = arith.addi %bitcast_convert_type3A_295, %add3A_297 : vector<16xi32>
        %shift_right_arithmetic3A_299 = arith.constant 16 : i32
        %shift_right_arithmetic3A_300 = vector.broadcast %shift_right_arithmetic3A_299 : i32 to vector<16xi32>
        %shift_right_arithmetic3A_301 = arith.shrsi %bitcast_convert_type3A_295, %shift_right_arithmetic3A_300 : vector<16xi32>
        %and3A_302 = arith.constant 1 : i32
        %and3A_303 = vector.broadcast %and3A_302 : i32 to vector<16xi32>
        %and3A_304 = arith.andi %shift_right_arithmetic3A_301, %and3A_303 : vector<16xi32>
        %add3A_305 = arith.addi %add3A_298, %and3A_304 : vector<16xi32>
        %and3A_306 = arith.constant -65536 : i32
        %and3A_307 = vector.broadcast %and3A_306 : i32 to vector<16xi32>
        %and3A_308 = arith.andi %add3A_305, %and3A_307 : vector<16xi32>
        %bitcast_convert_type3A_309 = tpu.bitcast %and3A_308 : vector<16xi32> -> vector<16xf32>
        %sub3A_310 = arith.constant 1 : i32
        %sub3A_311 = vector.broadcast %sub3A_310 : i32 to vector<16xi32>
        %sub3A_312 = arith.subi %convert_element_type3A, %sub3A_311 : vector<16xi32>
        %jit3A_313 = arith.constant 0 : i32
        %jit3A_314 = arith.constant 9 : i32
        %max3A_315 = vector.broadcast %jit3A_313 : i32 to vector<16xi32>
        %max3A_316 = arith.maxsi %max3A_315, %sub3A_312 : vector<16xi32>
        %min3A_317 = vector.broadcast %jit3A_314 : i32 to vector<16xi32>
        %min3A_318 = arith.minsi %min3A_317, %max3A_316 : vector<16xi32>
        %mul3A_319 = arith.constant 16 : i32
        %mul3A_320 = vector.broadcast %mul3A_319 : i32 to vector<16xi32>
        %mul3A_321 = arith.muli %min3A_318, %mul3A_320 : vector<16xi32>
        %jit3A_322 = arith.constant 0 : i32
        %jit3A_323 = arith.constant 9 : i32
        %max3A_324 = vector.broadcast %jit3A_322 : i32 to vector<16xi32>
        %max3A_325 = arith.maxsi %max3A_324, %convert_element_type3A : vector<16xi32>
        %min3A_326 = vector.broadcast %jit3A_323 : i32 to vector<16xi32>
        %min3A_327 = arith.minsi %min3A_326, %max3A_325 : vector<16xi32>
        %mul3A_328 = arith.constant 16 : i32
        %mul3A_329 = vector.broadcast %mul3A_328 : i32 to vector<16xi32>
        %mul3A_330 = arith.muli %min3A_327, %mul3A_329 : vector<16xi32>
        %iota3A = tpu.iota {dimensions = array<i32: 0>} : vector<16xi32>
        %mul3A_331 = arith.constant 16 : i32
        %mul3A_332 = arith.muli %scan3A_77, %mul3A_331 : i32
        %add3A_333 = vector.broadcast %mul3A_332 : i32 to vector<16xi32>
        %add3A_334 = arith.addi %iota3A, %add3A_333 : vector<16xi32>
        %broadcast_in_dim3A_335 = arith.constant 0.000000e+00 : f32
        %broadcast_in_dim3A_336 = vector.broadcast %broadcast_in_dim3A_335 : f32 to vector<16xf32>
        %add3A_337 = arith.constant 0 : i32
        %add3A_338 = vector.broadcast %add3A_337 : i32 to vector<16xi32>
        %add3A_339 = arith.addi %mul3A_321, %add3A_338 : vector<16xi32>
        %gather3A_340 = tpu.vector_load_idx %arg11[%add3A_339] : memref<160xf32, #tpu.memory_space<vmem>>[vector<16xi32>], vector<16xf32>,
        %add3A_341 = arith.constant 0 : i32
        %add3A_342 = vector.broadcast %add3A_341 : i32 to vector<16xi32>
        %add3A_343 = arith.addi %mul3A_330, %add3A_342 : vector<16xi32>
        %gather3A_344 = tpu.vector_load_idx %arg11[%add3A_343] : memref<160xf32, #tpu.memory_space<vmem>>[vector<16xi32>], vector<16xf32>,
        %broadcast_in_dim3A_345 = arith.constant 0 : i32
        %broadcast_in_dim3A_346 = vector.broadcast %broadcast_in_dim3A_345 : i32 to vector<16xi32>
        %gather3A_347 = tpu.vector_load_idx %arg13[%add3A_334, %broadcast_in_dim3A_346] : memref<128x16xf32, #tpu.memory_space<vmem>>[vector<16xi32>, vector<16xi32>], vector<16xf32>,
        %mul3A_348 = arith.mulf %bitcast_convert_type3A_291, %gather3A_340 : vector<16xf32>
        %mul3A_349 = arith.mulf %bitcast_convert_type3A_309, %gather3A_344 : vector<16xf32>
        %add3A_350 = arith.addf %mul3A_348, %mul3A_349 : vector<16xf32>
        %mul3A_351 = arith.constant 0.316227764 : f32
        %mul3A_352 = vector.broadcast %mul3A_351 : f32 to vector<16xf32>
        %mul3A_353 = arith.mulf %add3A_350, %mul3A_352 : vector<16xf32>
        %max3A_354 = arith.constant 0.000000e+00 : f32
        %max3A_355 = vector.broadcast %max3A_354 : f32 to vector<16xf32>
        %max3A_356 = arith.maximumf %mul3A_353, %max3A_355 : vector<16xf32>
        %mul3A_357 = arith.constant 1.41421354 : f32
        %mul3A_358 = vector.broadcast %mul3A_357 : f32 to vector<16xf32>
        %mul3A_359 = arith.mulf %max3A_356, %mul3A_358 : vector<16xf32>
        %bitcast_convert_type3A_360 = tpu.bitcast %mul3A_359 : vector<16xf32> -> vector<16xi32>
        %add3A_361 = arith.constant 32767 : i32
        %add3A_362 = vector.broadcast %add3A_361 : i32 to vector<16xi32>
        %add3A_363 = arith.addi %bitcast_convert_type3A_360, %add3A_362 : vector<16xi32>
        %shift_right_arithmetic3A_364 = arith.constant 16 : i32
        %shift_right_arithmetic3A_365 = vector.broadcast %shift_right_arithmetic3A_364 : i32 to vector<16xi32>
        %shift_right_arithmetic3A_366 = arith.shrsi %bitcast_convert_type3A_360, %shift_right_arithmetic3A_365 : vector<16xi32>
        %and3A_367 = arith.constant 1 : i32
        %and3A_368 = vector.broadcast %and3A_367 : i32 to vector<16xi32>
        %and3A_369 = arith.andi %shift_right_arithmetic3A_366, %and3A_368 : vector<16xi32>
        %add3A_370 = arith.addi %add3A_363, %and3A_369 : vector<16xi32>
        %and3A_371 = arith.constant -65536 : i32
        %and3A_372 = vector.broadcast %and3A_371 : i32 to vector<16xi32>
        %and3A_373 = arith.andi %add3A_370, %and3A_372 : vector<16xi32>
        %bitcast_convert_type3A_374 = tpu.bitcast %and3A_373 : vector<16xi32> -> vector<16xf32>
        %mul3A_375 = arith.mulf %bitcast_convert_type3A_374, %gather3A_347 : vector<16xf32>
        %add3A_376 = arith.addf %broadcast_in_dim3A_336, %mul3A_375 : vector<16xf32>
        %add3A_377 = arith.constant 1 : i32
        %add3A_378 = vector.broadcast %add3A_377 : i32 to vector<16xi32>
        %add3A_379 = arith.addi %mul3A_321, %add3A_378 : vector<16xi32>
        %gather3A_380 = tpu.vector_load_idx %arg11[%add3A_379] : memref<160xf32, #tpu.memory_space<vmem>>[vector<16xi32>], vector<16xf32>,
        %add3A_381 = arith.constant 1 : i32
        %add3A_382 = vector.broadcast %add3A_381 : i32 to vector<16xi32>
        %add3A_383 = arith.addi %mul3A_330, %add3A_382 : vector<16xi32>
        %gather3A_384 = tpu.vector_load_idx %arg11[%add3A_383] : memref<160xf32, #tpu.memory_space<vmem>>[vector<16xi32>], vector<16xf32>,
        %broadcast_in_dim3A_385 = arith.constant 1 : i32
        %broadcast_in_dim3A_386 = vector.broadcast %broadcast_in_dim3A_385 : i32 to vector<16xi32>
        %gather3A_387 = tpu.vector_load_idx %arg13[%add3A_334, %broadcast_in_dim3A_386] : memref<128x16xf32, #tpu.memory_space<vmem>>[vector<16xi32>, vector<16xi32>], vector<16xf32>,
        %mul3A_388 = arith.mulf %bitcast_convert_type3A_291, %gather3A_380 : vector<16xf32>
        %mul3A_389 = arith.mulf %bitcast_convert_type3A_309, %gather3A_384 : vector<16xf32>
        %add3A_390 = arith.addf %mul3A_388, %mul3A_389 : vector<16xf32>
        %mul3A_391 = arith.constant 0.316227764 : f32
        %mul3A_392 = vector.broadcast %mul3A_391 : f32 to vector<16xf32>
        %mul3A_393 = arith.mulf %add3A_390, %mul3A_392 : vector<16xf32>
        %max3A_394 = arith.constant 0.000000e+00 : f32
        %max3A_395 = vector.broadcast %max3A_394 : f32 to vector<16xf32>
        %max3A_396 = arith.maximumf %mul3A_393, %max3A_395 : vector<16xf32>
        %mul3A_397 = arith.constant 1.41421354 : f32
        %mul3A_398 = vector.broadcast %mul3A_397 : f32 to vector<16xf32>
        %mul3A_399 = arith.mulf %max3A_396, %mul3A_398 : vector<16xf32>
        %bitcast_convert_type3A_400 = tpu.bitcast %mul3A_399 : vector<16xf32> -> vector<16xi32>
        %add3A_401 = arith.constant 32767 : i32
        %add3A_402 = vector.broadcast %add3A_401 : i32 to vector<16xi32>
        %add3A_403 = arith.addi %bitcast_convert_type3A_400, %add3A_402 : vector<16xi32>
        %shift_right_arithmetic3A_404 = arith.constant 16 : i32
        %shift_right_arithmetic3A_405 = vector.broadcast %shift_right_arithmetic3A_404 : i32 to vector<16xi32>
        %shift_right_arithmetic3A_406 = arith.shrsi %bitcast_convert_type3A_400, %shift_right_arithmetic3A_405 : vector<16xi32>
        %and3A_407 = arith.constant 1 : i32
        %and3A_408 = vector.broadcast %and3A_407 : i32 to vector<16xi32>
        %and3A_409 = arith.andi %shift_right_arithmetic3A_406, %and3A_408 : vector<16xi32>
        %add3A_410 = arith.addi %add3A_403, %and3A_409 : vector<16xi32>
        %and3A_411 = arith.constant -65536 : i32
        %and3A_412 = vector.broadcast %and3A_411 : i32 to vector<16xi32>
        %and3A_413 = arith.andi %add3A_410, %and3A_412 : vector<16xi32>
        %bitcast_convert_type3A_414 = tpu.bitcast %and3A_413 : vector<16xi32> -> vector<16xf32>
        %mul3A_415 = arith.mulf %bitcast_convert_type3A_414, %gather3A_387 : vector<16xf32>
        %add3A_416 = arith.addf %add3A_376, %mul3A_415 : vector<16xf32>
        %add3A_417 = arith.constant 2 : i32
        %add3A_418 = vector.broadcast %add3A_417 : i32 to vector<16xi32>
        %add3A_419 = arith.addi %mul3A_321, %add3A_418 : vector<16xi32>
        %gather3A_420 = tpu.vector_load_idx %arg11[%add3A_419] : memref<160xf32, #tpu.memory_space<vmem>>[vector<16xi32>], vector<16xf32>,
        %add3A_421 = arith.constant 2 : i32
        %add3A_422 = vector.broadcast %add3A_421 : i32 to vector<16xi32>
        %add3A_423 = arith.addi %mul3A_330, %add3A_422 : vector<16xi32>
        %gather3A_424 = tpu.vector_load_idx %arg11[%add3A_423] : memref<160xf32, #tpu.memory_space<vmem>>[vector<16xi32>], vector<16xf32>,
        %broadcast_in_dim3A_425 = arith.constant 2 : i32
        %broadcast_in_dim3A_426 = vector.broadcast %broadcast_in_dim3A_425 : i32 to vector<16xi32>
        %gather3A_427 = tpu.vector_load_idx %arg13[%add3A_334, %broadcast_in_dim3A_426] : memref<128x16xf32, #tpu.memory_space<vmem>>[vector<16xi32>, vector<16xi32>], vector<16xf32>,
        %mul3A_428 = arith.mulf %bitcast_convert_type3A_291, %gather3A_420 : vector<16xf32>
        %mul3A_429 = arith.mulf %bitcast_convert_type3A_309, %gather3A_424 : vector<16xf32>
        %add3A_430 = arith.addf %mul3A_428, %mul3A_429 : vector<16xf32>
        %mul3A_431 = arith.constant 0.316227764 : f32
        %mul3A_432 = vector.broadcast %mul3A_431 : f32 to vector<16xf32>
        %mul3A_433 = arith.mulf %add3A_430, %mul3A_432 : vector<16xf32>
        %max3A_434 = arith.constant 0.000000e+00 : f32
        %max3A_435 = vector.broadcast %max3A_434 : f32 to vector<16xf32>
        %max3A_436 = arith.maximumf %mul3A_433, %max3A_435 : vector<16xf32>
        %mul3A_437 = arith.constant 1.41421354 : f32
        %mul3A_438 = vector.broadcast %mul3A_437 : f32 to vector<16xf32>
        %mul3A_439 = arith.mulf %max3A_436, %mul3A_438 : vector<16xf32>
        %bitcast_convert_type3A_440 = tpu.bitcast %mul3A_439 : vector<16xf32> -> vector<16xi32>
        %add3A_441 = arith.constant 32767 : i32
        %add3A_442 = vector.broadcast %add3A_441 : i32 to vector<16xi32>
        %add3A_443 = arith.addi %bitcast_convert_type3A_440, %add3A_442 : vector<16xi32>
        %shift_right_arithmetic3A_444 = arith.constant 16 : i32
        %shift_right_arithmetic3A_445 = vector.broadcast %shift_right_arithmetic3A_444 : i32 to vector<16xi32>
        %shift_right_arithmetic3A_446 = arith.shrsi %bitcast_convert_type3A_440, %shift_right_arithmetic3A_445 : vector<16xi32>
        %and3A_447 = arith.constant 1 : i32
        %and3A_448 = vector.broadcast %and3A_447 : i32 to vector<16xi32>
        %and3A_449 = arith.andi %shift_right_arithmetic3A_446, %and3A_448 : vector<16xi32>
        %add3A_450 = arith.addi %add3A_443, %and3A_449 : vector<16xi32>
        %and3A_451 = arith.constant -65536 : i32
        %and3A_452 = vector.broadcast %and3A_451 : i32 to vector<16xi32>
        %and3A_453 = arith.andi %add3A_450, %and3A_452 : vector<16xi32>
        %bitcast_convert_type3A_454 = tpu.bitcast %and3A_453 : vector<16xi32> -> vector<16xf32>
        %mul3A_455 = arith.mulf %bitcast_convert_type3A_454, %gather3A_427 : vector<16xf32>
        %add3A_456 = arith.addf %add3A_416, %mul3A_455 : vector<16xf32>
        %add3A_457 = arith.constant 3 : i32
        %add3A_458 = vector.broadcast %add3A_457 : i32 to vector<16xi32>
        %add3A_459 = arith.addi %mul3A_321, %add3A_458 : vector<16xi32>
        %gather3A_460 = tpu.vector_load_idx %arg11[%add3A_459] : memref<160xf32, #tpu.memory_space<vmem>>[vector<16xi32>], vector<16xf32>,
        %add3A_461 = arith.constant 3 : i32
        %add3A_462 = vector.broadcast %add3A_461 : i32 to vector<16xi32>
        %add3A_463 = arith.addi %mul3A_330, %add3A_462 : vector<16xi32>
        %gather3A_464 = tpu.vector_load_idx %arg11[%add3A_463] : memref<160xf32, #tpu.memory_space<vmem>>[vector<16xi32>], vector<16xf32>,
        %broadcast_in_dim3A_465 = arith.constant 3 : i32
        %broadcast_in_dim3A_466 = vector.broadcast %broadcast_in_dim3A_465 : i32 to vector<16xi32>
        %gather3A_467 = tpu.vector_load_idx %arg13[%add3A_334, %broadcast_in_dim3A_466] : memref<128x16xf32, #tpu.memory_space<vmem>>[vector<16xi32>, vector<16xi32>], vector<16xf32>,
        %mul3A_468 = arith.mulf %bitcast_convert_type3A_291, %gather3A_460 : vector<16xf32>
        %mul3A_469 = arith.mulf %bitcast_convert_type3A_309, %gather3A_464 : vector<16xf32>
        %add3A_470 = arith.addf %mul3A_468, %mul3A_469 : vector<16xf32>
        %mul3A_471 = arith.constant 0.316227764 : f32
        %mul3A_472 = vector.broadcast %mul3A_471 : f32 to vector<16xf32>
        %mul3A_473 = arith.mulf %add3A_470, %mul3A_472 : vector<16xf32>
        %max3A_474 = arith.constant 0.000000e+00 : f32
        %max3A_475 = vector.broadcast %max3A_474 : f32 to vector<16xf32>
        %max3A_476 = arith.maximumf %mul3A_473, %max3A_475 : vector<16xf32>
        %mul3A_477 = arith.constant 1.41421354 : f32
        %mul3A_478 = vector.broadcast %mul3A_477 : f32 to vector<16xf32>
        %mul3A_479 = arith.mulf %max3A_476, %mul3A_478 : vector<16xf32>
        %bitcast_convert_type3A_480 = tpu.bitcast %mul3A_479 : vector<16xf32> -> vector<16xi32>
        %add3A_481 = arith.constant 32767 : i32
        %add3A_482 = vector.broadcast %add3A_481 : i32 to vector<16xi32>
        %add3A_483 = arith.addi %bitcast_convert_type3A_480, %add3A_482 : vector<16xi32>
        %shift_right_arithmetic3A_484 = arith.constant 16 : i32
        %shift_right_arithmetic3A_485 = vector.broadcast %shift_right_arithmetic3A_484 : i32 to vector<16xi32>
        %shift_right_arithmetic3A_486 = arith.shrsi %bitcast_convert_type3A_480, %shift_right_arithmetic3A_485 : vector<16xi32>
        %and3A_487 = arith.constant 1 : i32
        %and3A_488 = vector.broadcast %and3A_487 : i32 to vector<16xi32>
        %and3A_489 = arith.andi %shift_right_arithmetic3A_486, %and3A_488 : vector<16xi32>
        %add3A_490 = arith.addi %add3A_483, %and3A_489 : vector<16xi32>
        %and3A_491 = arith.constant -65536 : i32
        %and3A_492 = vector.broadcast %and3A_491 : i32 to vector<16xi32>
        %and3A_493 = arith.andi %add3A_490, %and3A_492 : vector<16xi32>
        %bitcast_convert_type3A_494 = tpu.bitcast %and3A_493 : vector<16xi32> -> vector<16xf32>
        %mul3A_495 = arith.mulf %bitcast_convert_type3A_494, %gather3A_467 : vector<16xf32>
        %add3A_496 = arith.addf %add3A_456, %mul3A_495 : vector<16xf32>
        %add3A_497 = arith.constant 4 : i32
        %add3A_498 = vector.broadcast %add3A_497 : i32 to vector<16xi32>
        %add3A_499 = arith.addi %mul3A_321, %add3A_498 : vector<16xi32>
        %gather3A_500 = tpu.vector_load_idx %arg11[%add3A_499] : memref<160xf32, #tpu.memory_space<vmem>>[vector<16xi32>], vector<16xf32>,
        %add3A_501 = arith.constant 4 : i32
        %add3A_502 = vector.broadcast %add3A_501 : i32 to vector<16xi32>
        %add3A_503 = arith.addi %mul3A_330, %add3A_502 : vector<16xi32>
        %gather3A_504 = tpu.vector_load_idx %arg11[%add3A_503] : memref<160xf32, #tpu.memory_space<vmem>>[vector<16xi32>], vector<16xf32>,
        %broadcast_in_dim3A_505 = arith.constant 4 : i32
        %broadcast_in_dim3A_506 = vector.broadcast %broadcast_in_dim3A_505 : i32 to vector<16xi32>
        %gather3A_507 = tpu.vector_load_idx %arg13[%add3A_334, %broadcast_in_dim3A_506] : memref<128x16xf32, #tpu.memory_space<vmem>>[vector<16xi32>, vector<16xi32>], vector<16xf32>,
        %mul3A_508 = arith.mulf %bitcast_convert_type3A_291, %gather3A_500 : vector<16xf32>
        %mul3A_509 = arith.mulf %bitcast_convert_type3A_309, %gather3A_504 : vector<16xf32>
        %add3A_510 = arith.addf %mul3A_508, %mul3A_509 : vector<16xf32>
        %mul3A_511 = arith.constant 0.316227764 : f32
        %mul3A_512 = vector.broadcast %mul3A_511 : f32 to vector<16xf32>
        %mul3A_513 = arith.mulf %add3A_510, %mul3A_512 : vector<16xf32>
        %max3A_514 = arith.constant 0.000000e+00 : f32
        %max3A_515 = vector.broadcast %max3A_514 : f32 to vector<16xf32>
        %max3A_516 = arith.maximumf %mul3A_513, %max3A_515 : vector<16xf32>
        %mul3A_517 = arith.constant 1.41421354 : f32
        %mul3A_518 = vector.broadcast %mul3A_517 : f32 to vector<16xf32>
        %mul3A_519 = arith.mulf %max3A_516, %mul3A_518 : vector<16xf32>
        %bitcast_convert_type3A_520 = tpu.bitcast %mul3A_519 : vector<16xf32> -> vector<16xi32>
        %add3A_521 = arith.constant 32767 : i32
        %add3A_522 = vector.broadcast %add3A_521 : i32 to vector<16xi32>
        %add3A_523 = arith.addi %bitcast_convert_type3A_520, %add3A_522 : vector<16xi32>
        %shift_right_arithmetic3A_524 = arith.constant 16 : i32
        %shift_right_arithmetic3A_525 = vector.broadcast %shift_right_arithmetic3A_524 : i32 to vector<16xi32>
        %shift_right_arithmetic3A_526 = arith.shrsi %bitcast_convert_type3A_520, %shift_right_arithmetic3A_525 : vector<16xi32>
        %and3A_527 = arith.constant 1 : i32
        %and3A_528 = vector.broadcast %and3A_527 : i32 to vector<16xi32>
        %and3A_529 = arith.andi %shift_right_arithmetic3A_526, %and3A_528 : vector<16xi32>
        %add3A_530 = arith.addi %add3A_523, %and3A_529 : vector<16xi32>
        %and3A_531 = arith.constant -65536 : i32
        %and3A_532 = vector.broadcast %and3A_531 : i32 to vector<16xi32>
        %and3A_533 = arith.andi %add3A_530, %and3A_532 : vector<16xi32>
        %bitcast_convert_type3A_534 = tpu.bitcast %and3A_533 : vector<16xi32> -> vector<16xf32>
        %mul3A_535 = arith.mulf %bitcast_convert_type3A_534, %gather3A_507 : vector<16xf32>
        %add3A_536 = arith.addf %add3A_496, %mul3A_535 : vector<16xf32>
        %add3A_537 = arith.constant 5 : i32
        %add3A_538 = vector.broadcast %add3A_537 : i32 to vector<16xi32>
        %add3A_539 = arith.addi %mul3A_321, %add3A_538 : vector<16xi32>
        %gather3A_540 = tpu.vector_load_idx %arg11[%add3A_539] : memref<160xf32, #tpu.memory_space<vmem>>[vector<16xi32>], vector<16xf32>,
        %add3A_541 = arith.constant 5 : i32
        %add3A_542 = vector.broadcast %add3A_541 : i32 to vector<16xi32>
        %add3A_543 = arith.addi %mul3A_330, %add3A_542 : vector<16xi32>
        %gather3A_544 = tpu.vector_load_idx %arg11[%add3A_543] : memref<160xf32, #tpu.memory_space<vmem>>[vector<16xi32>], vector<16xf32>,
        %broadcast_in_dim3A_545 = arith.constant 5 : i32
        %broadcast_in_dim3A_546 = vector.broadcast %broadcast_in_dim3A_545 : i32 to vector<16xi32>
        %gather3A_547 = tpu.vector_load_idx %arg13[%add3A_334, %broadcast_in_dim3A_546] : memref<128x16xf32, #tpu.memory_space<vmem>>[vector<16xi32>, vector<16xi32>], vector<16xf32>,
        %mul3A_548 = arith.mulf %bitcast_convert_type3A_291, %gather3A_540 : vector<16xf32>
        %mul3A_549 = arith.mulf %bitcast_convert_type3A_309, %gather3A_544 : vector<16xf32>
        %add3A_550 = arith.addf %mul3A_548, %mul3A_549 : vector<16xf32>
        %mul3A_551 = arith.constant 0.316227764 : f32
        %mul3A_552 = vector.broadcast %mul3A_551 : f32 to vector<16xf32>
        %mul3A_553 = arith.mulf %add3A_550, %mul3A_552 : vector<16xf32>
        %max3A_554 = arith.constant 0.000000e+00 : f32
        %max3A_555 = vector.broadcast %max3A_554 : f32 to vector<16xf32>
        %max3A_556 = arith.maximumf %mul3A_553, %max3A_555 : vector<16xf32>
        %mul3A_557 = arith.constant 1.41421354 : f32
        %mul3A_558 = vector.broadcast %mul3A_557 : f32 to vector<16xf32>
        %mul3A_559 = arith.mulf %max3A_556, %mul3A_558 : vector<16xf32>
        %bitcast_convert_type3A_560 = tpu.bitcast %mul3A_559 : vector<16xf32> -> vector<16xi32>
        %add3A_561 = arith.constant 32767 : i32
        %add3A_562 = vector.broadcast %add3A_561 : i32 to vector<16xi32>
        %add3A_563 = arith.addi %bitcast_convert_type3A_560, %add3A_562 : vector<16xi32>
        %shift_right_arithmetic3A_564 = arith.constant 16 : i32
        %shift_right_arithmetic3A_565 = vector.broadcast %shift_right_arithmetic3A_564 : i32 to vector<16xi32>
        %shift_right_arithmetic3A_566 = arith.shrsi %bitcast_convert_type3A_560, %shift_right_arithmetic3A_565 : vector<16xi32>
        %and3A_567 = arith.constant 1 : i32
        %and3A_568 = vector.broadcast %and3A_567 : i32 to vector<16xi32>
        %and3A_569 = arith.andi %shift_right_arithmetic3A_566, %and3A_568 : vector<16xi32>
        %add3A_570 = arith.addi %add3A_563, %and3A_569 : vector<16xi32>
        %and3A_571 = arith.constant -65536 : i32
        %and3A_572 = vector.broadcast %and3A_571 : i32 to vector<16xi32>
        %and3A_573 = arith.andi %add3A_570, %and3A_572 : vector<16xi32>
        %bitcast_convert_type3A_574 = tpu.bitcast %and3A_573 : vector<16xi32> -> vector<16xf32>
        %mul3A_575 = arith.mulf %bitcast_convert_type3A_574, %gather3A_547 : vector<16xf32>
        %add3A_576 = arith.addf %add3A_536, %mul3A_575 : vector<16xf32>
        %add3A_577 = arith.constant 6 : i32
        %add3A_578 = vector.broadcast %add3A_577 : i32 to vector<16xi32>
        %add3A_579 = arith.addi %mul3A_321, %add3A_578 : vector<16xi32>
        %gather3A_580 = tpu.vector_load_idx %arg11[%add3A_579] : memref<160xf32, #tpu.memory_space<vmem>>[vector<16xi32>], vector<16xf32>,
        %add3A_581 = arith.constant 6 : i32
        %add3A_582 = vector.broadcast %add3A_581 : i32 to vector<16xi32>
        %add3A_583 = arith.addi %mul3A_330, %add3A_582 : vector<16xi32>
        %gather3A_584 = tpu.vector_load_idx %arg11[%add3A_583] : memref<160xf32, #tpu.memory_space<vmem>>[vector<16xi32>], vector<16xf32>,
        %broadcast_in_dim3A_585 = arith.constant 6 : i32
        %broadcast_in_dim3A_586 = vector.broadcast %broadcast_in_dim3A_585 : i32 to vector<16xi32>
        %gather3A_587 = tpu.vector_load_idx %arg13[%add3A_334, %broadcast_in_dim3A_586] : memref<128x16xf32, #tpu.memory_space<vmem>>[vector<16xi32>, vector<16xi32>], vector<16xf32>,
        %mul3A_588 = arith.mulf %bitcast_convert_type3A_291, %gather3A_580 : vector<16xf32>
        %mul3A_589 = arith.mulf %bitcast_convert_type3A_309, %gather3A_584 : vector<16xf32>
        %add3A_590 = arith.addf %mul3A_588, %mul3A_589 : vector<16xf32>
        %mul3A_591 = arith.constant 0.316227764 : f32
        %mul3A_592 = vector.broadcast %mul3A_591 : f32 to vector<16xf32>
        %mul3A_593 = arith.mulf %add3A_590, %mul3A_592 : vector<16xf32>
        %max3A_594 = arith.constant 0.000000e+00 : f32
        %max3A_595 = vector.broadcast %max3A_594 : f32 to vector<16xf32>
        %max3A_596 = arith.maximumf %mul3A_593, %max3A_595 : vector<16xf32>
        %mul3A_597 = arith.constant 1.41421354 : f32
        %mul3A_598 = vector.broadcast %mul3A_597 : f32 to vector<16xf32>
        %mul3A_599 = arith.mulf %max3A_596, %mul3A_598 : vector<16xf32>
        %bitcast_convert_type3A_600 = tpu.bitcast %mul3A_599 : vector<16xf32> -> vector<16xi32>
        %add3A_601 = arith.constant 32767 : i32
        %add3A_602 = vector.broadcast %add3A_601 : i32 to vector<16xi32>
        %add3A_603 = arith.addi %bitcast_convert_type3A_600, %add3A_602 : vector<16xi32>
        %shift_right_arithmetic3A_604 = arith.constant 16 : i32
        %shift_right_arithmetic3A_605 = vector.broadcast %shift_right_arithmetic3A_604 : i32 to vector<16xi32>
        %shift_right_arithmetic3A_606 = arith.shrsi %bitcast_convert_type3A_600, %shift_right_arithmetic3A_605 : vector<16xi32>
        %and3A_607 = arith.constant 1 : i32
        %and3A_608 = vector.broadcast %and3A_607 : i32 to vector<16xi32>
        %and3A_609 = arith.andi %shift_right_arithmetic3A_606, %and3A_608 : vector<16xi32>
        %add3A_610 = arith.addi %add3A_603, %and3A_609 : vector<16xi32>
        %and3A_611 = arith.constant -65536 : i32
        %and3A_612 = vector.broadcast %and3A_611 : i32 to vector<16xi32>
        %and3A_613 = arith.andi %add3A_610, %and3A_612 : vector<16xi32>
        %bitcast_convert_type3A_614 = tpu.bitcast %and3A_613 : vector<16xi32> -> vector<16xf32>
        %mul3A_615 = arith.mulf %bitcast_convert_type3A_614, %gather3A_587 : vector<16xf32>
        %add3A_616 = arith.addf %add3A_576, %mul3A_615 : vector<16xf32>
        %add3A_617 = arith.constant 7 : i32
        %add3A_618 = vector.broadcast %add3A_617 : i32 to vector<16xi32>
        %add3A_619 = arith.addi %mul3A_321, %add3A_618 : vector<16xi32>
        %gather3A_620 = tpu.vector_load_idx %arg11[%add3A_619] : memref<160xf32, #tpu.memory_space<vmem>>[vector<16xi32>], vector<16xf32>,
        %add3A_621 = arith.constant 7 : i32
        %add3A_622 = vector.broadcast %add3A_621 : i32 to vector<16xi32>
        %add3A_623 = arith.addi %mul3A_330, %add3A_622 : vector<16xi32>
        %gather3A_624 = tpu.vector_load_idx %arg11[%add3A_623] : memref<160xf32, #tpu.memory_space<vmem>>[vector<16xi32>], vector<16xf32>,
        %broadcast_in_dim3A_625 = arith.constant 7 : i32
        %broadcast_in_dim3A_626 = vector.broadcast %broadcast_in_dim3A_625 : i32 to vector<16xi32>
        %gather3A_627 = tpu.vector_load_idx %arg13[%add3A_334, %broadcast_in_dim3A_626] : memref<128x16xf32, #tpu.memory_space<vmem>>[vector<16xi32>, vector<16xi32>], vector<16xf32>,
        %mul3A_628 = arith.mulf %bitcast_convert_type3A_291, %gather3A_620 : vector<16xf32>
        %mul3A_629 = arith.mulf %bitcast_convert_type3A_309, %gather3A_624 : vector<16xf32>
        %add3A_630 = arith.addf %mul3A_628, %mul3A_629 : vector<16xf32>
        %mul3A_631 = arith.constant 0.316227764 : f32
        %mul3A_632 = vector.broadcast %mul3A_631 : f32 to vector<16xf32>
        %mul3A_633 = arith.mulf %add3A_630, %mul3A_632 : vector<16xf32>
        %max3A_634 = arith.constant 0.000000e+00 : f32
        %max3A_635 = vector.broadcast %max3A_634 : f32 to vector<16xf32>
        %max3A_636 = arith.maximumf %mul3A_633, %max3A_635 : vector<16xf32>
        %mul3A_637 = arith.constant 1.41421354 : f32
        %mul3A_638 = vector.broadcast %mul3A_637 : f32 to vector<16xf32>
        %mul3A_639 = arith.mulf %max3A_636, %mul3A_638 : vector<16xf32>
        %bitcast_convert_type3A_640 = tpu.bitcast %mul3A_639 : vector<16xf32> -> vector<16xi32>
        %add3A_641 = arith.constant 32767 : i32
        %add3A_642 = vector.broadcast %add3A_641 : i32 to vector<16xi32>
        %add3A_643 = arith.addi %bitcast_convert_type3A_640, %add3A_642 : vector<16xi32>
        %shift_right_arithmetic3A_644 = arith.constant 16 : i32
        %shift_right_arithmetic3A_645 = vector.broadcast %shift_right_arithmetic3A_644 : i32 to vector<16xi32>
        %shift_right_arithmetic3A_646 = arith.shrsi %bitcast_convert_type3A_640, %shift_right_arithmetic3A_645 : vector<16xi32>
        %and3A_647 = arith.constant 1 : i32
        %and3A_648 = vector.broadcast %and3A_647 : i32 to vector<16xi32>
        %and3A_649 = arith.andi %shift_right_arithmetic3A_646, %and3A_648 : vector<16xi32>
        %add3A_650 = arith.addi %add3A_643, %and3A_649 : vector<16xi32>
        %and3A_651 = arith.constant -65536 : i32
        %and3A_652 = vector.broadcast %and3A_651 : i32 to vector<16xi32>
        %and3A_653 = arith.andi %add3A_650, %and3A_652 : vector<16xi32>
        %bitcast_convert_type3A_654 = tpu.bitcast %and3A_653 : vector<16xi32> -> vector<16xf32>
        %mul3A_655 = arith.mulf %bitcast_convert_type3A_654, %gather3A_627 : vector<16xf32>
        %add3A_656 = arith.addf %add3A_616, %mul3A_655 : vector<16xf32>
        %add3A_657 = arith.constant 8 : i32
        %add3A_658 = vector.broadcast %add3A_657 : i32 to vector<16xi32>
        %add3A_659 = arith.addi %mul3A_321, %add3A_658 : vector<16xi32>
        %gather3A_660 = tpu.vector_load_idx %arg11[%add3A_659] : memref<160xf32, #tpu.memory_space<vmem>>[vector<16xi32>], vector<16xf32>,
        %add3A_661 = arith.constant 8 : i32
        %add3A_662 = vector.broadcast %add3A_661 : i32 to vector<16xi32>
        %add3A_663 = arith.addi %mul3A_330, %add3A_662 : vector<16xi32>
        %gather3A_664 = tpu.vector_load_idx %arg11[%add3A_663] : memref<160xf32, #tpu.memory_space<vmem>>[vector<16xi32>], vector<16xf32>,
        %broadcast_in_dim3A_665 = arith.constant 8 : i32
        %broadcast_in_dim3A_666 = vector.broadcast %broadcast_in_dim3A_665 : i32 to vector<16xi32>
        %gather3A_667 = tpu.vector_load_idx %arg13[%add3A_334, %broadcast_in_dim3A_666] : memref<128x16xf32, #tpu.memory_space<vmem>>[vector<16xi32>, vector<16xi32>], vector<16xf32>,
        %mul3A_668 = arith.mulf %bitcast_convert_type3A_291, %gather3A_660 : vector<16xf32>
        %mul3A_669 = arith.mulf %bitcast_convert_type3A_309, %gather3A_664 : vector<16xf32>
        %add3A_670 = arith.addf %mul3A_668, %mul3A_669 : vector<16xf32>
        %mul3A_671 = arith.constant 0.316227764 : f32
        %mul3A_672 = vector.broadcast %mul3A_671 : f32 to vector<16xf32>
        %mul3A_673 = arith.mulf %add3A_670, %mul3A_672 : vector<16xf32>
        %max3A_674 = arith.constant 0.000000e+00 : f32
        %max3A_675 = vector.broadcast %max3A_674 : f32 to vector<16xf32>
        %max3A_676 = arith.maximumf %mul3A_673, %max3A_675 : vector<16xf32>
        %mul3A_677 = arith.constant 1.41421354 : f32
        %mul3A_678 = vector.broadcast %mul3A_677 : f32 to vector<16xf32>
        %mul3A_679 = arith.mulf %max3A_676, %mul3A_678 : vector<16xf32>
        %bitcast_convert_type3A_680 = tpu.bitcast %mul3A_679 : vector<16xf32> -> vector<16xi32>
        %add3A_681 = arith.constant 32767 : i32
        %add3A_682 = vector.broadcast %add3A_681 : i32 to vector<16xi32>
        %add3A_683 = arith.addi %bitcast_convert_type3A_680, %add3A_682 : vector<16xi32>
        %shift_right_arithmetic3A_684 = arith.constant 16 : i32
        %shift_right_arithmetic3A_685 = vector.broadcast %shift_right_arithmetic3A_684 : i32 to vector<16xi32>
        %shift_right_arithmetic3A_686 = arith.shrsi %bitcast_convert_type3A_680, %shift_right_arithmetic3A_685 : vector<16xi32>
        %and3A_687 = arith.constant 1 : i32
        %and3A_688 = vector.broadcast %and3A_687 : i32 to vector<16xi32>
        %and3A_689 = arith.andi %shift_right_arithmetic3A_686, %and3A_688 : vector<16xi32>
        %add3A_690 = arith.addi %add3A_683, %and3A_689 : vector<16xi32>
        %and3A_691 = arith.constant -65536 : i32
        %and3A_692 = vector.broadcast %and3A_691 : i32 to vector<16xi32>
        %and3A_693 = arith.andi %add3A_690, %and3A_692 : vector<16xi32>
        %bitcast_convert_type3A_694 = tpu.bitcast %and3A_693 : vector<16xi32> -> vector<16xf32>
        %mul3A_695 = arith.mulf %bitcast_convert_type3A_694, %gather3A_667 : vector<16xf32>
        %add3A_696 = arith.addf %add3A_656, %mul3A_695 : vector<16xf32>
        %add3A_697 = arith.constant 9 : i32
        %add3A_698 = vector.broadcast %add3A_697 : i32 to vector<16xi32>
        %add3A_699 = arith.addi %mul3A_321, %add3A_698 : vector<16xi32>
        %gather3A_700 = tpu.vector_load_idx %arg11[%add3A_699] : memref<160xf32, #tpu.memory_space<vmem>>[vector<16xi32>], vector<16xf32>,
        %add3A_701 = arith.constant 9 : i32
        %add3A_702 = vector.broadcast %add3A_701 : i32 to vector<16xi32>
        %add3A_703 = arith.addi %mul3A_330, %add3A_702 : vector<16xi32>
        %gather3A_704 = tpu.vector_load_idx %arg11[%add3A_703] : memref<160xf32, #tpu.memory_space<vmem>>[vector<16xi32>], vector<16xf32>,
        %broadcast_in_dim3A_705 = arith.constant 9 : i32
        %broadcast_in_dim3A_706 = vector.broadcast %broadcast_in_dim3A_705 : i32 to vector<16xi32>
        %gather3A_707 = tpu.vector_load_idx %arg13[%add3A_334, %broadcast_in_dim3A_706] : memref<128x16xf32, #tpu.memory_space<vmem>>[vector<16xi32>, vector<16xi32>], vector<16xf32>,
        %mul3A_708 = arith.mulf %bitcast_convert_type3A_291, %gather3A_700 : vector<16xf32>
        %mul3A_709 = arith.mulf %bitcast_convert_type3A_309, %gather3A_704 : vector<16xf32>
        %add3A_710 = arith.addf %mul3A_708, %mul3A_709 : vector<16xf32>
        %mul3A_711 = arith.constant 0.316227764 : f32
        %mul3A_712 = vector.broadcast %mul3A_711 : f32 to vector<16xf32>
        %mul3A_713 = arith.mulf %add3A_710, %mul3A_712 : vector<16xf32>
        %max3A_714 = arith.constant 0.000000e+00 : f32
        %max3A_715 = vector.broadcast %max3A_714 : f32 to vector<16xf32>
        %max3A_716 = arith.maximumf %mul3A_713, %max3A_715 : vector<16xf32>
        %mul3A_717 = arith.constant 1.41421354 : f32
        %mul3A_718 = vector.broadcast %mul3A_717 : f32 to vector<16xf32>
        %mul3A_719 = arith.mulf %max3A_716, %mul3A_718 : vector<16xf32>
        %bitcast_convert_type3A_720 = tpu.bitcast %mul3A_719 : vector<16xf32> -> vector<16xi32>
        %add3A_721 = arith.constant 32767 : i32
        %add3A_722 = vector.broadcast %add3A_721 : i32 to vector<16xi32>
        %add3A_723 = arith.addi %bitcast_convert_type3A_720, %add3A_722 : vector<16xi32>
        %shift_right_arithmetic3A_724 = arith.constant 16 : i32
        %shift_right_arithmetic3A_725 = vector.broadcast %shift_right_arithmetic3A_724 : i32 to vector<16xi32>
        %shift_right_arithmetic3A_726 = arith.shrsi %bitcast_convert_type3A_720, %shift_right_arithmetic3A_725 : vector<16xi32>
        %and3A_727 = arith.constant 1 : i32
        %and3A_728 = vector.broadcast %and3A_727 : i32 to vector<16xi32>
        %and3A_729 = arith.andi %shift_right_arithmetic3A_726, %and3A_728 : vector<16xi32>
        %add3A_730 = arith.addi %add3A_723, %and3A_729 : vector<16xi32>
        %and3A_731 = arith.constant -65536 : i32
        %and3A_732 = vector.broadcast %and3A_731 : i32 to vector<16xi32>
        %and3A_733 = arith.andi %add3A_730, %and3A_732 : vector<16xi32>
        %bitcast_convert_type3A_734 = tpu.bitcast %and3A_733 : vector<16xi32> -> vector<16xf32>
        %mul3A_735 = arith.mulf %bitcast_convert_type3A_734, %gather3A_707 : vector<16xf32>
        %add3A_736 = arith.addf %add3A_696, %mul3A_735 : vector<16xf32>
        %add3A_737 = arith.constant 10 : i32
        %add3A_738 = vector.broadcast %add3A_737 : i32 to vector<16xi32>
        %add3A_739 = arith.addi %mul3A_321, %add3A_738 : vector<16xi32>
        %gather3A_740 = tpu.vector_load_idx %arg11[%add3A_739] : memref<160xf32, #tpu.memory_space<vmem>>[vector<16xi32>], vector<16xf32>,
        %add3A_741 = arith.constant 10 : i32
        %add3A_742 = vector.broadcast %add3A_741 : i32 to vector<16xi32>
        %add3A_743 = arith.addi %mul3A_330, %add3A_742 : vector<16xi32>
        %gather3A_744 = tpu.vector_load_idx %arg11[%add3A_743] : memref<160xf32, #tpu.memory_space<vmem>>[vector<16xi32>], vector<16xf32>,
        %broadcast_in_dim3A_745 = arith.constant 10 : i32
        %broadcast_in_dim3A_746 = vector.broadcast %broadcast_in_dim3A_745 : i32 to vector<16xi32>
        %gather3A_747 = tpu.vector_load_idx %arg13[%add3A_334, %broadcast_in_dim3A_746] : memref<128x16xf32, #tpu.memory_space<vmem>>[vector<16xi32>, vector<16xi32>], vector<16xf32>,
        %mul3A_748 = arith.mulf %bitcast_convert_type3A_291, %gather3A_740 : vector<16xf32>
        %mul3A_749 = arith.mulf %bitcast_convert_type3A_309, %gather3A_744 : vector<16xf32>
        %add3A_750 = arith.addf %mul3A_748, %mul3A_749 : vector<16xf32>
        %mul3A_751 = arith.constant 0.316227764 : f32
        %mul3A_752 = vector.broadcast %mul3A_751 : f32 to vector<16xf32>
        %mul3A_753 = arith.mulf %add3A_750, %mul3A_752 : vector<16xf32>
        %max3A_754 = arith.constant 0.000000e+00 : f32
        %max3A_755 = vector.broadcast %max3A_754 : f32 to vector<16xf32>
        %max3A_756 = arith.maximumf %mul3A_753, %max3A_755 : vector<16xf32>
        %mul3A_757 = arith.constant 1.41421354 : f32
        %mul3A_758 = vector.broadcast %mul3A_757 : f32 to vector<16xf32>
        %mul3A_759 = arith.mulf %max3A_756, %mul3A_758 : vector<16xf32>
        %bitcast_convert_type3A_760 = tpu.bitcast %mul3A_759 : vector<16xf32> -> vector<16xi32>
        %add3A_761 = arith.constant 32767 : i32
        %add3A_762 = vector.broadcast %add3A_761 : i32 to vector<16xi32>
        %add3A_763 = arith.addi %bitcast_convert_type3A_760, %add3A_762 : vector<16xi32>
        %shift_right_arithmetic3A_764 = arith.constant 16 : i32
        %shift_right_arithmetic3A_765 = vector.broadcast %shift_right_arithmetic3A_764 : i32 to vector<16xi32>
        %shift_right_arithmetic3A_766 = arith.shrsi %bitcast_convert_type3A_760, %shift_right_arithmetic3A_765 : vector<16xi32>
        %and3A_767 = arith.constant 1 : i32
        %and3A_768 = vector.broadcast %and3A_767 : i32 to vector<16xi32>
        %and3A_769 = arith.andi %shift_right_arithmetic3A_766, %and3A_768 : vector<16xi32>
        %add3A_770 = arith.addi %add3A_763, %and3A_769 : vector<16xi32>
        %and3A_771 = arith.constant -65536 : i32
        %and3A_772 = vector.broadcast %and3A_771 : i32 to vector<16xi32>
        %and3A_773 = arith.andi %add3A_770, %and3A_772 : vector<16xi32>
        %bitcast_convert_type3A_774 = tpu.bitcast %and3A_773 : vector<16xi32> -> vector<16xf32>
        %mul3A_775 = arith.mulf %bitcast_convert_type3A_774, %gather3A_747 : vector<16xf32>
        %add3A_776 = arith.addf %add3A_736, %mul3A_775 : vector<16xf32>
        %add3A_777 = arith.constant 11 : i32
        %add3A_778 = vector.broadcast %add3A_777 : i32 to vector<16xi32>
        %add3A_779 = arith.addi %mul3A_321, %add3A_778 : vector<16xi32>
        %gather3A_780 = tpu.vector_load_idx %arg11[%add3A_779] : memref<160xf32, #tpu.memory_space<vmem>>[vector<16xi32>], vector<16xf32>,
        %add3A_781 = arith.constant 11 : i32
        %add3A_782 = vector.broadcast %add3A_781 : i32 to vector<16xi32>
        %add3A_783 = arith.addi %mul3A_330, %add3A_782 : vector<16xi32>
        %gather3A_784 = tpu.vector_load_idx %arg11[%add3A_783] : memref<160xf32, #tpu.memory_space<vmem>>[vector<16xi32>], vector<16xf32>,
        %broadcast_in_dim3A_785 = arith.constant 11 : i32
        %broadcast_in_dim3A_786 = vector.broadcast %broadcast_in_dim3A_785 : i32 to vector<16xi32>
        %gather3A_787 = tpu.vector_load_idx %arg13[%add3A_334, %broadcast_in_dim3A_786] : memref<128x16xf32, #tpu.memory_space<vmem>>[vector<16xi32>, vector<16xi32>], vector<16xf32>,
        %mul3A_788 = arith.mulf %bitcast_convert_type3A_291, %gather3A_780 : vector<16xf32>
        %mul3A_789 = arith.mulf %bitcast_convert_type3A_309, %gather3A_784 : vector<16xf32>
        %add3A_790 = arith.addf %mul3A_788, %mul3A_789 : vector<16xf32>
        %mul3A_791 = arith.constant 0.316227764 : f32
        %mul3A_792 = vector.broadcast %mul3A_791 : f32 to vector<16xf32>
        %mul3A_793 = arith.mulf %add3A_790, %mul3A_792 : vector<16xf32>
        %max3A_794 = arith.constant 0.000000e+00 : f32
        %max3A_795 = vector.broadcast %max3A_794 : f32 to vector<16xf32>
        %max3A_796 = arith.maximumf %mul3A_793, %max3A_795 : vector<16xf32>
        %mul3A_797 = arith.constant 1.41421354 : f32
        %mul3A_798 = vector.broadcast %mul3A_797 : f32 to vector<16xf32>
        %mul3A_799 = arith.mulf %max3A_796, %mul3A_798 : vector<16xf32>
        %bitcast_convert_type3A_800 = tpu.bitcast %mul3A_799 : vector<16xf32> -> vector<16xi32>
        %add3A_801 = arith.constant 32767 : i32
        %add3A_802 = vector.broadcast %add3A_801 : i32 to vector<16xi32>
        %add3A_803 = arith.addi %bitcast_convert_type3A_800, %add3A_802 : vector<16xi32>
        %shift_right_arithmetic3A_804 = arith.constant 16 : i32
        %shift_right_arithmetic3A_805 = vector.broadcast %shift_right_arithmetic3A_804 : i32 to vector<16xi32>
        %shift_right_arithmetic3A_806 = arith.shrsi %bitcast_convert_type3A_800, %shift_right_arithmetic3A_805 : vector<16xi32>
        %and3A_807 = arith.constant 1 : i32
        %and3A_808 = vector.broadcast %and3A_807 : i32 to vector<16xi32>
        %and3A_809 = arith.andi %shift_right_arithmetic3A_806, %and3A_808 : vector<16xi32>
        %add3A_810 = arith.addi %add3A_803, %and3A_809 : vector<16xi32>
        %and3A_811 = arith.constant -65536 : i32
        %and3A_812 = vector.broadcast %and3A_811 : i32 to vector<16xi32>
        %and3A_813 = arith.andi %add3A_810, %and3A_812 : vector<16xi32>
        %bitcast_convert_type3A_814 = tpu.bitcast %and3A_813 : vector<16xi32> -> vector<16xf32>
        %mul3A_815 = arith.mulf %bitcast_convert_type3A_814, %gather3A_787 : vector<16xf32>
        %add3A_816 = arith.addf %add3A_776, %mul3A_815 : vector<16xf32>
        %add3A_817 = arith.constant 12 : i32
        %add3A_818 = vector.broadcast %add3A_817 : i32 to vector<16xi32>
        %add3A_819 = arith.addi %mul3A_321, %add3A_818 : vector<16xi32>
        %gather3A_820 = tpu.vector_load_idx %arg11[%add3A_819] : memref<160xf32, #tpu.memory_space<vmem>>[vector<16xi32>], vector<16xf32>,
        %add3A_821 = arith.constant 12 : i32
        %add3A_822 = vector.broadcast %add3A_821 : i32 to vector<16xi32>
        %add3A_823 = arith.addi %mul3A_330, %add3A_822 : vector<16xi32>
        %gather3A_824 = tpu.vector_load_idx %arg11[%add3A_823] : memref<160xf32, #tpu.memory_space<vmem>>[vector<16xi32>], vector<16xf32>,
        %broadcast_in_dim3A_825 = arith.constant 12 : i32
        %broadcast_in_dim3A_826 = vector.broadcast %broadcast_in_dim3A_825 : i32 to vector<16xi32>
        %gather3A_827 = tpu.vector_load_idx %arg13[%add3A_334, %broadcast_in_dim3A_826] : memref<128x16xf32, #tpu.memory_space<vmem>>[vector<16xi32>, vector<16xi32>], vector<16xf32>,
        %mul3A_828 = arith.mulf %bitcast_convert_type3A_291, %gather3A_820 : vector<16xf32>
        %mul3A_829 = arith.mulf %bitcast_convert_type3A_309, %gather3A_824 : vector<16xf32>
        %add3A_830 = arith.addf %mul3A_828, %mul3A_829 : vector<16xf32>
        %mul3A_831 = arith.constant 0.316227764 : f32
        %mul3A_832 = vector.broadcast %mul3A_831 : f32 to vector<16xf32>
        %mul3A_833 = arith.mulf %add3A_830, %mul3A_832 : vector<16xf32>
        %max3A_834 = arith.constant 0.000000e+00 : f32
        %max3A_835 = vector.broadcast %max3A_834 : f32 to vector<16xf32>
        %max3A_836 = arith.maximumf %mul3A_833, %max3A_835 : vector<16xf32>
        %mul3A_837 = arith.constant 1.41421354 : f32
        %mul3A_838 = vector.broadcast %mul3A_837 : f32 to vector<16xf32>
        %mul3A_839 = arith.mulf %max3A_836, %mul3A_838 : vector<16xf32>
        %bitcast_convert_type3A_840 = tpu.bitcast %mul3A_839 : vector<16xf32> -> vector<16xi32>
        %add3A_841 = arith.constant 32767 : i32
        %add3A_842 = vector.broadcast %add3A_841 : i32 to vector<16xi32>
        %add3A_843 = arith.addi %bitcast_convert_type3A_840, %add3A_842 : vector<16xi32>
        %shift_right_arithmetic3A_844 = arith.constant 16 : i32
        %shift_right_arithmetic3A_845 = vector.broadcast %shift_right_arithmetic3A_844 : i32 to vector<16xi32>
        %shift_right_arithmetic3A_846 = arith.shrsi %bitcast_convert_type3A_840, %shift_right_arithmetic3A_845 : vector<16xi32>
        %and3A_847 = arith.constant 1 : i32
        %and3A_848 = vector.broadcast %and3A_847 : i32 to vector<16xi32>
        %and3A_849 = arith.andi %shift_right_arithmetic3A_846, %and3A_848 : vector<16xi32>
        %add3A_850 = arith.addi %add3A_843, %and3A_849 : vector<16xi32>
        %and3A_851 = arith.constant -65536 : i32
        %and3A_852 = vector.broadcast %and3A_851 : i32 to vector<16xi32>
        %and3A_853 = arith.andi %add3A_850, %and3A_852 : vector<16xi32>
        %bitcast_convert_type3A_854 = tpu.bitcast %and3A_853 : vector<16xi32> -> vector<16xf32>
        %mul3A_855 = arith.mulf %bitcast_convert_type3A_854, %gather3A_827 : vector<16xf32>
        %add3A_856 = arith.addf %add3A_816, %mul3A_855 : vector<16xf32>
        %add3A_857 = arith.constant 13 : i32
        %add3A_858 = vector.broadcast %add3A_857 : i32 to vector<16xi32>
        %add3A_859 = arith.addi %mul3A_321, %add3A_858 : vector<16xi32>
        %gather3A_860 = tpu.vector_load_idx %arg11[%add3A_859] : memref<160xf32, #tpu.memory_space<vmem>>[vector<16xi32>], vector<16xf32>,
        %add3A_861 = arith.constant 13 : i32
        %add3A_862 = vector.broadcast %add3A_861 : i32 to vector<16xi32>
        %add3A_863 = arith.addi %mul3A_330, %add3A_862 : vector<16xi32>
        %gather3A_864 = tpu.vector_load_idx %arg11[%add3A_863] : memref<160xf32, #tpu.memory_space<vmem>>[vector<16xi32>], vector<16xf32>,
        %broadcast_in_dim3A_865 = arith.constant 13 : i32
        %broadcast_in_dim3A_866 = vector.broadcast %broadcast_in_dim3A_865 : i32 to vector<16xi32>
        %gather3A_867 = tpu.vector_load_idx %arg13[%add3A_334, %broadcast_in_dim3A_866] : memref<128x16xf32, #tpu.memory_space<vmem>>[vector<16xi32>, vector<16xi32>], vector<16xf32>,
        %mul3A_868 = arith.mulf %bitcast_convert_type3A_291, %gather3A_860 : vector<16xf32>
        %mul3A_869 = arith.mulf %bitcast_convert_type3A_309, %gather3A_864 : vector<16xf32>
        %add3A_870 = arith.addf %mul3A_868, %mul3A_869 : vector<16xf32>
        %mul3A_871 = arith.constant 0.316227764 : f32
        %mul3A_872 = vector.broadcast %mul3A_871 : f32 to vector<16xf32>
        %mul3A_873 = arith.mulf %add3A_870, %mul3A_872 : vector<16xf32>
        %max3A_874 = arith.constant 0.000000e+00 : f32
        %max3A_875 = vector.broadcast %max3A_874 : f32 to vector<16xf32>
        %max3A_876 = arith.maximumf %mul3A_873, %max3A_875 : vector<16xf32>
        %mul3A_877 = arith.constant 1.41421354 : f32
        %mul3A_878 = vector.broadcast %mul3A_877 : f32 to vector<16xf32>
        %mul3A_879 = arith.mulf %max3A_876, %mul3A_878 : vector<16xf32>
        %bitcast_convert_type3A_880 = tpu.bitcast %mul3A_879 : vector<16xf32> -> vector<16xi32>
        %add3A_881 = arith.constant 32767 : i32
        %add3A_882 = vector.broadcast %add3A_881 : i32 to vector<16xi32>
        %add3A_883 = arith.addi %bitcast_convert_type3A_880, %add3A_882 : vector<16xi32>
        %shift_right_arithmetic3A_884 = arith.constant 16 : i32
        %shift_right_arithmetic3A_885 = vector.broadcast %shift_right_arithmetic3A_884 : i32 to vector<16xi32>
        %shift_right_arithmetic3A_886 = arith.shrsi %bitcast_convert_type3A_880, %shift_right_arithmetic3A_885 : vector<16xi32>
        %and3A_887 = arith.constant 1 : i32
        %and3A_888 = vector.broadcast %and3A_887 : i32 to vector<16xi32>
        %and3A_889 = arith.andi %shift_right_arithmetic3A_886, %and3A_888 : vector<16xi32>
        %add3A_890 = arith.addi %add3A_883, %and3A_889 : vector<16xi32>
        %and3A_891 = arith.constant -65536 : i32
        %and3A_892 = vector.broadcast %and3A_891 : i32 to vector<16xi32>
        %and3A_893 = arith.andi %add3A_890, %and3A_892 : vector<16xi32>
        %bitcast_convert_type3A_894 = tpu.bitcast %and3A_893 : vector<16xi32> -> vector<16xf32>
        %mul3A_895 = arith.mulf %bitcast_convert_type3A_894, %gather3A_867 : vector<16xf32>
        %add3A_896 = arith.addf %add3A_856, %mul3A_895 : vector<16xf32>
        %add3A_897 = arith.constant 14 : i32
        %add3A_898 = vector.broadcast %add3A_897 : i32 to vector<16xi32>
        %add3A_899 = arith.addi %mul3A_321, %add3A_898 : vector<16xi32>
        %gather3A_900 = tpu.vector_load_idx %arg11[%add3A_899] : memref<160xf32, #tpu.memory_space<vmem>>[vector<16xi32>], vector<16xf32>,
        %add3A_901 = arith.constant 14 : i32
        %add3A_902 = vector.broadcast %add3A_901 : i32 to vector<16xi32>
        %add3A_903 = arith.addi %mul3A_330, %add3A_902 : vector<16xi32>
        %gather3A_904 = tpu.vector_load_idx %arg11[%add3A_903] : memref<160xf32, #tpu.memory_space<vmem>>[vector<16xi32>], vector<16xf32>,
        %broadcast_in_dim3A_905 = arith.constant 14 : i32
        %broadcast_in_dim3A_906 = vector.broadcast %broadcast_in_dim3A_905 : i32 to vector<16xi32>
        %gather3A_907 = tpu.vector_load_idx %arg13[%add3A_334, %broadcast_in_dim3A_906] : memref<128x16xf32, #tpu.memory_space<vmem>>[vector<16xi32>, vector<16xi32>], vector<16xf32>,
        %mul3A_908 = arith.mulf %bitcast_convert_type3A_291, %gather3A_900 : vector<16xf32>
        %mul3A_909 = arith.mulf %bitcast_convert_type3A_309, %gather3A_904 : vector<16xf32>
        %add3A_910 = arith.addf %mul3A_908, %mul3A_909 : vector<16xf32>
        %mul3A_911 = arith.constant 0.316227764 : f32
        %mul3A_912 = vector.broadcast %mul3A_911 : f32 to vector<16xf32>
        %mul3A_913 = arith.mulf %add3A_910, %mul3A_912 : vector<16xf32>
        %max3A_914 = arith.constant 0.000000e+00 : f32
        %max3A_915 = vector.broadcast %max3A_914 : f32 to vector<16xf32>
        %max3A_916 = arith.maximumf %mul3A_913, %max3A_915 : vector<16xf32>
        %mul3A_917 = arith.constant 1.41421354 : f32
        %mul3A_918 = vector.broadcast %mul3A_917 : f32 to vector<16xf32>
        %mul3A_919 = arith.mulf %max3A_916, %mul3A_918 : vector<16xf32>
        %bitcast_convert_type3A_920 = tpu.bitcast %mul3A_919 : vector<16xf32> -> vector<16xi32>
        %add3A_921 = arith.constant 32767 : i32
        %add3A_922 = vector.broadcast %add3A_921 : i32 to vector<16xi32>
        %add3A_923 = arith.addi %bitcast_convert_type3A_920, %add3A_922 : vector<16xi32>
        %shift_right_arithmetic3A_924 = arith.constant 16 : i32
        %shift_right_arithmetic3A_925 = vector.broadcast %shift_right_arithmetic3A_924 : i32 to vector<16xi32>
        %shift_right_arithmetic3A_926 = arith.shrsi %bitcast_convert_type3A_920, %shift_right_arithmetic3A_925 : vector<16xi32>
        %and3A_927 = arith.constant 1 : i32
        %and3A_928 = vector.broadcast %and3A_927 : i32 to vector<16xi32>
        %and3A_929 = arith.andi %shift_right_arithmetic3A_926, %and3A_928 : vector<16xi32>
        %add3A_930 = arith.addi %add3A_923, %and3A_929 : vector<16xi32>
        %and3A_931 = arith.constant -65536 : i32
        %and3A_932 = vector.broadcast %and3A_931 : i32 to vector<16xi32>
        %and3A_933 = arith.andi %add3A_930, %and3A_932 : vector<16xi32>
        %bitcast_convert_type3A_934 = tpu.bitcast %and3A_933 : vector<16xi32> -> vector<16xf32>
        %mul3A_935 = arith.mulf %bitcast_convert_type3A_934, %gather3A_907 : vector<16xf32>
        %add3A_936 = arith.addf %add3A_896, %mul3A_935 : vector<16xf32>
        %add3A_937 = arith.constant 15 : i32
        %add3A_938 = vector.broadcast %add3A_937 : i32 to vector<16xi32>
        %add3A_939 = arith.addi %mul3A_321, %add3A_938 : vector<16xi32>
        %gather3A_940 = tpu.vector_load_idx %arg11[%add3A_939] : memref<160xf32, #tpu.memory_space<vmem>>[vector<16xi32>], vector<16xf32>,
        %add3A_941 = arith.constant 15 : i32
        %add3A_942 = vector.broadcast %add3A_941 : i32 to vector<16xi32>
        %add3A_943 = arith.addi %mul3A_330, %add3A_942 : vector<16xi32>
        %gather3A_944 = tpu.vector_load_idx %arg11[%add3A_943] : memref<160xf32, #tpu.memory_space<vmem>>[vector<16xi32>], vector<16xf32>,
        %broadcast_in_dim3A_945 = arith.constant 15 : i32
        %broadcast_in_dim3A_946 = vector.broadcast %broadcast_in_dim3A_945 : i32 to vector<16xi32>
        %gather3A_947 = tpu.vector_load_idx %arg13[%add3A_334, %broadcast_in_dim3A_946] : memref<128x16xf32, #tpu.memory_space<vmem>>[vector<16xi32>, vector<16xi32>], vector<16xf32>,
        %mul3A_948 = arith.mulf %bitcast_convert_type3A_291, %gather3A_940 : vector<16xf32>
        %mul3A_949 = arith.mulf %bitcast_convert_type3A_309, %gather3A_944 : vector<16xf32>
        %add3A_950 = arith.addf %mul3A_948, %mul3A_949 : vector<16xf32>
        %mul3A_951 = arith.constant 0.316227764 : f32
        %mul3A_952 = vector.broadcast %mul3A_951 : f32 to vector<16xf32>
        %mul3A_953 = arith.mulf %add3A_950, %mul3A_952 : vector<16xf32>
        %max3A_954 = arith.constant 0.000000e+00 : f32
        %max3A_955 = vector.broadcast %max3A_954 : f32 to vector<16xf32>
        %max3A_956 = arith.maximumf %mul3A_953, %max3A_955 : vector<16xf32>
        %mul3A_957 = arith.constant 1.41421354 : f32
        %mul3A_958 = vector.broadcast %mul3A_957 : f32 to vector<16xf32>
        %mul3A_959 = arith.mulf %max3A_956, %mul3A_958 : vector<16xf32>
        %bitcast_convert_type3A_960 = tpu.bitcast %mul3A_959 : vector<16xf32> -> vector<16xi32>
        %add3A_961 = arith.constant 32767 : i32
        %add3A_962 = vector.broadcast %add3A_961 : i32 to vector<16xi32>
        %add3A_963 = arith.addi %bitcast_convert_type3A_960, %add3A_962 : vector<16xi32>
        %shift_right_arithmetic3A_964 = arith.constant 16 : i32
        %shift_right_arithmetic3A_965 = vector.broadcast %shift_right_arithmetic3A_964 : i32 to vector<16xi32>
        %shift_right_arithmetic3A_966 = arith.shrsi %bitcast_convert_type3A_960, %shift_right_arithmetic3A_965 : vector<16xi32>
        %and3A_967 = arith.constant 1 : i32
        %and3A_968 = vector.broadcast %and3A_967 : i32 to vector<16xi32>
        %and3A_969 = arith.andi %shift_right_arithmetic3A_966, %and3A_968 : vector<16xi32>
        %add3A_970 = arith.addi %add3A_963, %and3A_969 : vector<16xi32>
        %and3A_971 = arith.constant -65536 : i32
        %and3A_972 = vector.broadcast %and3A_971 : i32 to vector<16xi32>
        %and3A_973 = arith.andi %add3A_970, %and3A_972 : vector<16xi32>
        %bitcast_convert_type3A_974 = tpu.bitcast %and3A_973 : vector<16xi32> -> vector<16xf32>
        %mul3A_975 = arith.mulf %bitcast_convert_type3A_974, %gather3A_947 : vector<16xf32>
        %add3A_976 = arith.addf %add3A_936, %mul3A_975 : vector<16xf32>
        %sub3A_977 = arith.subf %add3A_976, %scan3A_79 : vector<16xf32>
        %add3A_978 = arith.addf %scan3A_78, %sub3A_977 : vector<16xf32>
        %sub3A_979 = arith.subf %add3A_978, %scan3A_78 : vector<16xf32>
        %sub3A_980 = arith.subf %sub3A_979, %sub3A_977 : vector<16xf32>
        scf.yield %add3A_978, %sub3A_980 : vector<16xf32>, vector<16xf32>
      }
      %scan3A_76 = arith.constant 8 : i32
      scf.yield %scan3A_75#0, %scan3A_75#1 : vector<16xf32>, vector<16xf32>
    }
    %scan3A_21 = arith.constant 20 : i32
    %dma_wait3A_22 = arith.constant 0 : i32
    %dma_wait3A_23 = arith.constant 0 : i32
    %dma_wait3A_24 = tpu.memref_slice %arg5[%dma_wait3A_22, %dma_wait3A_23] : memref<10000x16xf32, #tpu.memory_space<hbm>> -> memref<128x16xf32, #tpu.memory_space<hbm>>
    %dma_wait3A_25 = arith.constant 0 : i32
    %dma_wait3A_26 = arith.constant 0 : i32
    %dma_wait3A_27 = tpu.memref_slice %arg5[%dma_wait3A_25, %dma_wait3A_26] : memref<10000x16xf32, #tpu.memory_space<hbm>> -> memref<128x16xf32, #tpu.memory_space<hbm>>
    tpu.wait_dma2 semaphore(%arg15 : memref<!tpu.dma_semaphore, #tpu.memory_space<semaphore_mem>>) src(%dma_wait3A_27 : memref<128x16xf32, #tpu.memory_space<hbm>>) dst(%arg12 : memref<128x16xf32, #tpu.memory_space<vmem>>)
    %swap3A = arith.constant 0 : index
    %swap3A_28 = tpu.vector_load %arg14[%swap3A] {strides = array<i32>} : memref<16xf32, #tpu.memory_space<vmem>>, vector<16xf32>,
    tpu.vector_store %arg14[%swap3A], %scan3A_20#0 {strides = array<i32>} : memref<16xf32, #tpu.memory_space<vmem>>, vector<16xf32>,
    "tpu.region"() ({
      %run_scoped3A = tpu.sem_alloc : memref<!tpu.dma_semaphore, #tpu.memory_space<semaphore_mem>>
      %dma_start3A_29 = arith.constant 0 : i32
      %dma_start3A_30 = tpu.memref_slice %arg7[%add3A, %dma_start3A_29] : memref<32x16xf32, #tpu.memory_space<hbm>> -> memref<1x16xf32, #tpu.memory_space<hbm>>
      %dma_start3A_31 = tpu.memref_squeeze %dma_start3A_30 : memref<1x16xf32, #tpu.memory_space<hbm>> -> memref<16xf32, #tpu.memory_space<hbm>>
      %dma_start3A_32 = arith.constant 0 : i32
      %dma_start3A_33 = tpu.memref_slice %arg7[%add3A, %dma_start3A_32] : memref<32x16xf32, #tpu.memory_space<hbm>> -> memref<1x16xf32, #tpu.memory_space<hbm>>
      %dma_start3A_34 = tpu.memref_squeeze %dma_start3A_33 : memref<1x16xf32, #tpu.memory_space<hbm>> -> memref<16xf32, #tpu.memory_space<hbm>>
      tpu.enqueue_dma source(%arg14 : memref<16xf32, #tpu.memory_space<vmem>>) target(%dma_start3A_34 : memref<16xf32, #tpu.memory_space<hbm>>) target_semaphore(%run_scoped3A : memref<!tpu.dma_semaphore, #tpu.memory_space<semaphore_mem>>)
      %dma_wait3A_35 = arith.constant 0 : i32
      %dma_wait3A_36 = tpu.memref_slice %arg7[%add3A, %dma_wait3A_35] : memref<32x16xf32, #tpu.memory_space<hbm>> -> memref<1x16xf32, #tpu.memory_space<hbm>>
      %dma_wait3A_37 = tpu.memref_squeeze %dma_wait3A_36 : memref<1x16xf32, #tpu.memory_space<hbm>> -> memref<16xf32, #tpu.memory_space<hbm>>
      %dma_wait3A_38 = arith.constant 0 : i32
      %dma_wait3A_39 = tpu.memref_slice %arg7[%add3A, %dma_wait3A_38] : memref<32x16xf32, #tpu.memory_space<hbm>> -> memref<1x16xf32, #tpu.memory_space<hbm>>
      %dma_wait3A_40 = tpu.memref_squeeze %dma_wait3A_39 : memref<1x16xf32, #tpu.memory_space<hbm>> -> memref<16xf32, #tpu.memory_space<hbm>>
      tpu.wait_dma2 semaphore(%run_scoped3A : memref<!tpu.dma_semaphore, #tpu.memory_space<semaphore_mem>>) src(%arg14 : memref<16xf32, #tpu.memory_space<vmem>>) dst(%dma_wait3A_40 : memref<16xf32, #tpu.memory_space<hbm>>)
      tpu.yield
    }) : () -> ()
    return
  }
}

module attributes {stable_mosaic.version = 14 : i64} {
  func.func @_tc_matmul_body(%arg0: i32, %arg1: memref<2000x128xf32, #tpu.memory_space<vmem>>, %arg2: memref<128x16xf32, #tpu.memory_space<vmem>>, %arg3: memref<2000x16xf32, #tpu.memory_space<vmem>>) attributes {dimension_semantics = [#tpu.dimension_semantics<arbitrary>], iteration_bounds = array<i64: 5>, scalar_prefetch = 0 : i64, scratch_operands = 0 : i64, tpu.core_type = #tpu.core_type<tc>, window_params = [{transform_indices = @transform_0, window_bounds = array<i64: 2000, 128>}, {pipeline_mode = #tpu.pipeline_mode<synchronous>, transform_indices = @transform_1, window_bounds = array<i64: 128, 16>}, {transform_indices = @transform_2, window_bounds = array<i64: 2000, 16>}]} {
    %get3A = arith.constant 0 : index
    %get3A_0 = arith.constant 0 : index
    %get3A_1 = vector.load %arg1[%get3A, %get3A_0] : memref<2000x128xf32, #tpu.memory_space<vmem>>, vector<2000x128xf32>
    %get3A_2 = arith.constant 0 : index
    %get3A_3 = arith.constant 0 : index
    %get3A_4 = vector.load %arg2[%get3A_2, %get3A_3] : memref<128x16xf32, #tpu.memory_space<vmem>>, vector<128x16xf32>
    %convert_element_type3A = arith.truncf %get3A_1 : vector<2000x128xf32> to vector<2000x128xbf16>
    %convert_element_type3A_5 = arith.extf %convert_element_type3A : vector<2000x128xbf16> to vector<2000x128xf32>
    %sub3A = arith.subf %get3A_1, %convert_element_type3A_5 : vector<2000x128xf32>
    %convert_element_type3A_6 = arith.truncf %get3A_4 : vector<128x16xf32> to vector<128x16xbf16>
    %convert_element_type3A_7 = arith.extf %convert_element_type3A_6 : vector<128x16xbf16> to vector<128x16xf32>
    %sub3A_8 = arith.subf %get3A_4, %convert_element_type3A_7 : vector<128x16xf32>
    %dot_general3A = arith.constant dense<0.000000e+00> : vector<2000x16xf32>
    %dot_general3A_9 = tpu.matmul %convert_element_type3A_5, %convert_element_type3A_7, %dot_general3A {dimension_numbers = #tpu.dot_dimension_numbers<[1], [0], [0], [1], [0, 0, 1, 1], [], []>, precision = #tpu.contract_precision<fp32>, transpose_lhs_hint = false} : vector<2000x128xf32>, vector<128x16xf32>, vector<2000x16xf32> -> vector<2000x16xf32>
    %dot_general3A_10 = arith.constant dense<0.000000e+00> : vector<2000x16xf32>
    %dot_general3A_11 = tpu.matmul %convert_element_type3A_5, %sub3A_8, %dot_general3A_10 {dimension_numbers = #tpu.dot_dimension_numbers<[1], [0], [0], [1], [0, 0, 1, 1], [], []>, precision = #tpu.contract_precision<fp32>, transpose_lhs_hint = false} : vector<2000x128xf32>, vector<128x16xf32>, vector<2000x16xf32> -> vector<2000x16xf32>
    %dot_general3A_12 = arith.constant dense<0.000000e+00> : vector<2000x16xf32>
    %dot_general3A_13 = tpu.matmul %sub3A, %convert_element_type3A_7, %dot_general3A_12 {dimension_numbers = #tpu.dot_dimension_numbers<[1], [0], [0], [1], [0, 0, 1, 1], [], []>, precision = #tpu.contract_precision<fp32>, transpose_lhs_hint = false} : vector<2000x128xf32>, vector<128x16xf32>, vector<2000x16xf32> -> vector<2000x16xf32>
    %dot_general3A_14 = arith.constant dense<0.000000e+00> : vector<2000x16xf32>
    %dot_general3A_15 = tpu.matmul %sub3A, %sub3A_8, %dot_general3A_14 {dimension_numbers = #tpu.dot_dimension_numbers<[1], [0], [0], [1], [0, 0, 1, 1], [], []>, precision = #tpu.contract_precision<fp32>, transpose_lhs_hint = false} : vector<2000x128xf32>, vector<128x16xf32>, vector<2000x16xf32> -> vector<2000x16xf32>
    %add3A = arith.addf %dot_general3A_13, %dot_general3A_15 : vector<2000x16xf32>
    %add3A_16 = arith.addf %dot_general3A_11, %add3A : vector<2000x16xf32>
    %add3A_17 = arith.addf %dot_general3A_9, %add3A_16 : vector<2000x16xf32>
    %swap3A = arith.constant 0 : index
    %swap3A_18 = arith.constant 0 : index
    %swap3A_19 = vector.load %arg3[%swap3A, %swap3A_18] : memref<2000x16xf32, #tpu.memory_space<vmem>>, vector<2000x16xf32>
    tpu.vector_store %arg3[%swap3A, %swap3A_18], %add3A_17 {strides = array<i32>} : memref<2000x16xf32, #tpu.memory_space<vmem>>, vector<2000x16xf32>,
    return
  }
  func.func @transform_0(%arg0: i32) -> (i32, i32) {
    %c0_i32 = arith.constant 0 : i32
    %c0_i32_0 = arith.constant 0 : i32
    return %arg0, %c0_i32 : i32, i32
  }
  func.func @transform_1(%arg0: i32) -> (i32, i32) {
    %c0_i32 = arith.constant 0 : i32
    %c0_i32_0 = arith.constant 0 : i32
    %c0_i32_1 = arith.constant 0 : i32
    return %c0_i32, %c0_i32_0 : i32, i32
  }
  func.func @transform_2(%arg0: i32) -> (i32, i32) {
    %c0_i32 = arith.constant 0 : i32
    %c0_i32_0 = arith.constant 0 : i32
    return %arg0, %c0_i32 : i32, i32
  }
}

</mosaic_0001>

<sc_bundles>
// kernel: kernel.4.cloned.1.call-start
scs
__scs_entry_jumppad:
0x0: {  	(pc) =	sbr.rel $0x88, $3  }
0x1: {  	(tag) =	ssettag $0x0;
	lr =	simm.s32 $0x1  }
0x2: {  	[smem:$0x3F9C] =	sst lr;
	_ =	strace $0xD0000000  }
0x3: {  	_ = 	snop  }
0x4: {  	_ = 	snop  }
0x5: {  	_ = 	snop  }
0x6: {  	_ = 	snop  }
0x7: {  	_ = 	snop  }
__scs_overlays_trampoline_lowered:
0x8: {  	[smem:$0x3FAB] =	sst s0  }
0x9: {  	[smem:$0x3FAC] =	sst s1  }
0xa: {  	[smem:$0x3FAD] =	sst s2  }
0xb: {  	[smem:$0x3FAE] =	sst s3  }
0xc: {  	[smem:$0x3FAF] =	sst s4  }
0xd: {  	[smem:$0x3FB0] =	sst s5  }
0xe: {  	[smem:$0x3FB1] =	sst s6  }
0xf: {  	[smem:$0x3FB2] =	sst s7  }
0x10: {  	[smem:$0x3FB3] =	sst s8  }
0x11: {  	[smem:$0x3FB4] =	sst s9;
	s0 =	simm.s32 @!p0 $0x0  }
0x12: {  	s1 =	sld [smem:$0x3F9A];
	s0 =	simm.s32 @p0 $0x1  }
0x13: {  	[smem:$0x3FB5] =	sst s0;
	s0 =	simm.s32 @!p1 $0x0  }
0x14: {  	s2 =	sld [smem:$0x3F99];
	s0 =	simm.s32 @p1 $0x1  }
0x15: {  	[smem:$0x3FB6] =	sst s0;
	s0 =	simm.s32 @!p2 $0x0  }
0x16: {  	s3 =	sld [smem:$0x3FDB];
	s0 =	simm.s32 @p2 $0x1  }
0x17: {  	s4 =	simm.s32 $0x1BF5;
	[smem:$0x3FB8] =	sst s0  }
0x18: {  	s0 =	sld [smem:$0x3F9B];
	_ =	swait.ge [sflag:s4], $0x0  }
0x19: {  	s7 =	sld [smem:$0x3F9C]  }
0x1a: {  	s8 =	sadd.s32 $0xFFFFE003, lr  }
0x1b: {  	s9 =	sadd.s32 $0xFFFFFEF7, lr;
	s5 =	simm.s32 $0xFFFFFFFF;
	p2 =	slt.u32 s8, $0xFFFFF086  }
0x1c: {  	p1 =	slt.u32 s9, $0xF7A;
	s5 =	simm.s32 @!p2 $0x0  }
0x1d: {  	s5 =	simm.s32 @p1 $0x1;
	p0 =	seq.s32 s7, s2  }
0x1e: {  	s7 =	smul.u32 @!p0 $0xF7A, s2;
	p2 =	seq.s32 @!p0 s5, $0x0  }
0x1f: {  	s9 =	smul.u32 $0xF7A, s1;
	s8 =	simm.s32 @!p0 $0x1BF5;
	p2 =	por !p2, p0  }
0x20: {  	[sflag:s8] =	ssyncset.s32 @!p0 $0xFFFFF086;
	s6 =	sadd.s32 @!p0 s3, s7;
	s7 =	simm.s32 @!p0 $0x108  }
0x21: {  	s3 =	sadd.s32 s3, s9;
	s6 =	sadd.s32 @!p0 $0x88, s6;
	s7 =	simm.s32 @p2 $0x1082  }
0x22: {  	[simem:s7], [sflag:s8] =	dma.local @!p0 [hbm:s6], $0xF7A  }
0x23: {  	s9 =	sor.u32 $0xD0000000, s2;
	s6 =	simm.s32 $0x108;
	_ =	swait.ge @!p0 [sflag:s8], $0x0  }
0x24: {  	s3 =	sadd.s32 $0x88, s3;
	s6 =	simm.s32 @!p1 $0x1082;
	[sflag:s4] =	ssyncset.s32 $0xFFFFF086  }
0x25: {  	[simem:s6], [sflag:s4] =	dma.local [hbm:s3], $0xF7A  }
0x26: {  	[smem:$0x3F9C] =	sst s1;
	(tag) =	ssettag s2;
	_ =	strace s9  }
0x27: {  	s1 =	sld [smem:$0x3FAC]  }
0x28: {  	s2 =	sld [smem:$0x3FAD]  }
0x29: {  	s4 =	sld [smem:$0x3FAF]  }
0x2a: {  	p0 =	seq.s32 s5, $0x0;
	s5 =	sld [smem:$0x3FB0]  }
0x2b: {  	s6 =	sld [smem:$0x3FB1]  }
0x2c: {  	s7 =	sld [smem:$0x3FB2]  }
0x2d: {  	s3 =	simm.s32 $0x108;
	s8 =	sld [smem:$0x3FB3]  }
0x2e: {  	s3 =	simm.s32 @!p0 $0x1082;
	s9 =	sld [smem:$0x3FB4]  }
0x2f: {  	lr =	sadd.s32 s0, s3;
	s0 =	sld [smem:$0x3FAB]  }
0x30: {  	s3 =	sld [smem:$0x3FAE]  }
0x31: {  	[smem:$0x3FB7] =	sst s10  }
0x32: {  	s10 =	sld [smem:$0x3FB5];
	_ =	sdelay $0x3  }
0x33: {  	p0 =	seq.s32 s10, $0x1;
	s10 =	sld [smem:$0x3FB7];
	_ =	sdelay $0x3  }
0x34: {  	[smem:$0x3FB7] =	sst s10  }
0x35: {  	s10 =	sld [smem:$0x3FB6];
	_ =	sdelay $0x3  }
0x36: {  	p1 =	seq.s32 s10, $0x1;
	s10 =	sld [smem:$0x3FB7];
	_ =	sdelay $0x3  }
0x37: {  	[smem:$0x3FB7] =	sst s10  }
0x38: {  	s10 =	sld [smem:$0x3FB8]  }
0x39: {  	_ = 	snop;
	(pc) =	sbr.ind lr, $3  }
0x3a: {  	_ = 	snop  }
0x3b: {  	_ = 	snop  }
0x3c: {  	p2 =	seq.s32 s10, $0x1;
	s10 =	sld [smem:$0x3FB7]  }
0x3d: {  	_ =	shalt  }
0x3e: {  	_ =	shalt  }
0x3f: {  	_ =	shalt  }
0x40: {  	_ =	shalt  }
0x41: {  	_ =	shalt  }
0x42: {  	_ =	shalt  }
0x43: {  	_ =	shalt  }
0x44: {  	_ =	shalt  }
0x45: {  	_ =	shalt  }
0x46: {  	_ =	shalt  }
0x47: {  	_ =	shalt  }
0x48: {  	_ =	shalt  }
0x49: {  	_ =	shalt  }
0x4a: {  	_ =	shalt  }
0x4b: {  	_ =	shalt  }
0x4c: {  	_ =	shalt  }
0x4d: {  	_ =	shalt  }
0x4e: {  	_ =	shalt  }
0x4f: {  	_ =	shalt  }
0x50: {  	_ =	shalt  }
0x51: {  	_ =	shalt  }
0x52: {  	_ =	shalt  }
0x53: {  	_ =	shalt  }
0x54: {  	_ =	shalt  }
0x55: {  	_ =	shalt  }
0x56: {  	_ =	shalt  }
0x57: {  	_ =	shalt  }
0x58: {  	_ =	shalt  }
0x59: {  	_ =	shalt  }
0x5a: {  	_ =	shalt  }
0x5b: {  	_ =	shalt  }
0x5c: {  	_ =	shalt  }
0x5d: {  	_ =	shalt  }
0x5e: {  	_ =	shalt  }
0x5f: {  	_ =	shalt  }
0x60: {  	_ =	shalt  }
0x61: {  	_ =	shalt  }
0x62: {  	_ =	shalt  }
0x63: {  	_ =	shalt  }
0x64: {  	_ =	shalt  }
0x65: {  	_ =	shalt  }
0x66: {  	_ =	shalt  }
0x67: {  	_ =	shalt  }
0x68: {  	_ =	shalt  }
0x69: {  	_ =	shalt  }
0x6a: {  	_ =	shalt  }
0x6b: {  	_ =	shalt  }
0x6c: {  	_ =	shalt  }
0x6d: {  	_ =	shalt  }
0x6e: {  	_ =	shalt  }
0x6f: {  	_ =	shalt  }
0x70: {  	_ =	shalt  }
0x71: {  	_ =	shalt  }
0x72: {  	_ =	shalt  }
0x73: {  	_ =	shalt  }
0x74: {  	_ =	shalt  }
0x75: {  	_ =	shalt  }
0x76: {  	_ =	shalt  }
0x77: {  	_ =	shalt  }
0x78: {  	_ =	shalt  }
0x79: {  	_ =	shalt  }
0x7a: {  	_ =	shalt  }
0x7b: {  	_ =	shalt  }
0x7c: {  	_ =	shalt  }
0x7d: {  	_ =	shalt  }
0x7e: {  	_ =	shalt  }
0x7f: {  	_ =	shalt  }
0x80: {  	_ =	shalt  }
0x81: {  	_ =	shalt  }
0x82: {  	_ =	shalt  }
0x83: {  	_ =	shalt  }
0x84: {  	_ =	shalt  }
0x85: {  	_ =	shalt  }
0x86: {  	_ =	shalt  }
0x87: {  	_ =	shalt  }
.Lfunc_end0:
.L_simem_size_0:
called_computation_lowered:
.L_overlay_start_0:
0x88: {  	s2 =	sld [smem:$0x3FD9]  }
0x89: {  	s3 =	sld [smem:$0x3FFE];
	_ =	sdelay $0x1  }
0x8a: {  	s1 =	srdreg.scid  }
0x8b: {  	s0 =	sand.u32 $0x1, s1  }
0x8c: {  	s16 =	sshll.u32 s0, $0xA;
	s2 =	sadd.s32 s3, s2  }
0x8d: {  	s2 =	sadd.s32 s2, s16  }
0x8e: {  	[smem:$0x3FC3] =	sst s2  }
0x8f: {  	_ = 	snop  }
0x90: {  	(tm) =	ssettm $0x1  }
0x91: {  	s17 =	sld [smem:$0x3FFB];
	_ =	sdelay $0x3  }
0x92: {  	_ =	strace s17  }
0x93: {  	s2 =	sld [smem:$0x3FFC];
	_ =	sdelay $0x3  }
0x94: {  	_ =	strace s2  }
0x95: {  	s2 =	sld [smem:$0x3FFD];
	_ =	sdelay $0x3  }
0x96: {  	_ =	strace s2  }
0x97: {  	_ =	strace $0x8FFFFFFF  }
0x98: {  	s18 =	sld [smem:$0x3FDB];
	_ =	sdelay $0x1  }
0x99: {  	s19 =	simm.s32 $_scs_section_size  }
0x9a: {  	s4 =	simm.s32 $_size__tile_overlayer_lowered;
	s5 =	simm.s32 $_tile_overlayer_lowered  }
0x9b: {  	s22 =	simm.s32 $0x1BFF;
	s21 =	sshll.u32 s5, $0x1;
	s2 =	sadd.s32 s19, s18  }
0x9c: {  	s6 =	simm.s32 $0x0;
	s20 =	sshll.u32 s4, $0x1;
	s4 =	sadd.s32 s21, s2  }
0x9d: {  	[timem:s6], [sflag:s22] =	dma.local [hbm:s4], s20  }
0x9e: {  	_ =	swait.ge [sflag:s22], s20  }
0x9f: {  	s3 =	ssub.s32 $0x0, s20;
	[sflag:s22] =	ssyncset.done $0x0  }
0xa0: {  	[sflag:s22] =	ssyncadd.s32 s3;
	_ =	sdelay $0x1  }
0xa1: {  	s23 =	simm.s32 $0x1B8B  }
0xa2: {  	_ =	swait.ge [sflag:s23], $0x1  }
0xa3: {  	[sflag:s23] =	ssyncset.done $0x0  }
0xa4: {  	s25 =	simm.s32 $0x1B8E;
	s24 =	sld [smem:$0x3FFE];
	[sflag:s23] =	ssyncadd.s32 $0xFFFFFFFF  }
0xa5: {  	s26 =	simm.s32 $execute0_lowered;
	[smem:$0x3FD2] =	sst s25  }
0xa6: {  	s4 =	sshll.u32 s26, $0x1;
	_ =	strace $0x80000046;
	[dreg:$0x1] =	wrdreg $0xFFFFFFFF  }
0xa7: {  	s28 =	simm.s32 $_size_execute0_lowered;
	s2 =	sadd.s32 s2, s4;
	[dreg:$0x0] =	wrdreg $0x0  }
0xa8: {  	s4 =	sshll.u32 s28, $0x1;
	[dreg:$0x2] =	wrdreg s2  }
0xa9: {  	[dreg:$0x3] =	wrdreg s4  }
0xaa: {  	[dreg:$0x4] =	wrdreg $0xC0  }
0xab: {  	_ =	task [dreg:s6], $0x5FFFF  }
0xac: {  	[dreg:$0x1] =	wrdreg $0xFFFFFFFF  }
0xad: {  	[dreg:$0x0] =	wrdreg $0x60  }
0xae: {  	[dreg:$0x2] =	wrdreg s24  }
0xaf: {  	[dreg:$0x3] =	wrdreg $0x9  }
0xb0: {  	_ =	task.clear_ibuf [dreg:s6], $0x4FFFF;
	_ =	strace $0x90000046  }
0xb1: {  	s29 =	simm.s32 $0x9;
	_ =	strace $0x80000048  }
0xb2: {  	_ =	swait.ge [sflag:s29], $0x1  }
0xb3: {  	[sflag:s29] =	ssyncadd.s32 $0xFFFFFFFF  }
0xb4: {  	_ =	strace $0x90000048  }
0xb5: {  	_ =	sfence  }
0xb6: {  	s30 =	sld [smem:$0x0];
	_ =	sdelay $0x2  }
0xb7: {  	s31 =	sshll.u32 s1, $0xD;
	s1 =	sshrl.u32 s1, $0x2  }
0xb8: {  	s3 =	sand.u32 $0x4000, s31;
	s1 =	sadd.s32 s1, s30  }
0xb9: {  	s0 =	sor.u32 s3, s0;
	s1 =	sshll.u32 s1, $0x11  }
0xba: {  	s0 =	sor.u32 s1, s0  }
0xbb: {  	s0 =	sadd.s32 $0x8F2B, s0  }
0xbc: {  	[sflag:s0] =	ssyncadd.remote.s32 $0x1  }
0xbd: {  	_ =	sfence.sel $0xFFFF  }
0xbe: {  	[dreg:$0x0] =	wrdreg $0xFFFFFFFF;
	(pc) =	sbr.abs _section_cstart, $3  }
0xbf: {  	[dreg:$0x1] =	wrdreg $0xFFFFFFFF  }
0xc0: {  	_ =	task.clear_ibuf [dreg:s6], $0x2FFFF;
	_ =	strace $0x9FFFFFFF  }
0xc1: {  	(tm) =	ssettm $0x7FFFFFFF  }
tec
execute0_lowered:
.L_overlay_start_1:
0x0: {  	(tag) =	ssettag $0x1  }
0x1: {  	s7 =	rddreg [dreg:$0x0]  }
0x2: {  	s1 =	srdreg.scid;
	s0 =	rddreg [dreg:$0x1]  }
0x3: {  	s2 =	simm.s32 $0x0;
	s12 =	simm.s32 $0x80;
	s13 =	simm.s32 $0x9DD0  }
0x4: {  	s14 =	simm.s32 $0xA5D0;
	s15 =	simm.s32 $0x1;
	s16 =	simm.s32 $0x2  }
0x5: {  	s17 =	simm.s32 $0xADD0;
	s18 =	simm.s32 $0x4;
	s19 =	simm.s32 $0x0  }
0x6: {  	s6 =	sand.u32 $0x1, s1;
	s1 =	stileid.u32;
	[smem:$0x7FF] =	sst s2  }
0x7: {  	s4 =	sadd.s32 $0xA000, s7;
	s5 =	sadd.s32 $0x10000, s7;
	s3 =	sshll.u32 s6, $0x4  }
0x8: {  	_ =	strace $0x80000047;
	s10 =	ssub.s32 $0x2, s6;
	s8 =	sor.u32 s1, s3  }
0x9: {  	v0 =	vlaneseq.u32;
	s3 =	sadd.s32 $0xF000, s7;
	s11 =	sshrl.u32 s10, $0x1;
	s9 =	smul.u32 $0x280, s8  }
0xa: {  	v59 =	vmul.u32 $0x10, v0;
	s8 =	sshll.u32 s8, $0x1;
	s31 =	ssub.s32 s10, s11;
	s10 =	simm.s32 $0x9D30  }
0xb: {  	s11 =	simm.s32 $0x3;
	s8 =	sadd.s32 s8, s7;
	s6 =	sadd.s32 s7, s9  }
0xc: {  	[tilespmem:$0x1FFF0] =	vst v59;
	s8 =	sadd.s32 $0x10200, s8;
	s9 =	smax.u32 s31, $0x1;
	s7 =	sadd.s32 $0x5000, s6  }
.LBB2_1:
0xd: {  	s20 =	simm.s32 $0x7530  }
0xe: {  	[tilespmem:s20], [sflag:$0x3] =	stream.linear.gather [hbm4b:s7+s2], $0x1400, $0x38;
	[tilespmem:$0xADE0] =	vst v63  }
0xf: {  	s21 =	simm.s32 $0x8930  }
0x10: {  	[tilespmem:s21], [sflag:$0x3] =	stream.linear.gather [hbm4b:s6+s2], $0x1400, $0x38;
	[tilespmem:$0xADE0] =	vst v63  }
0x11: {  	_ = 	snop  }
0x12: {  	[tilespmem:s2], [sflag:$0x3] =	stream.linear.gather [hbm4b:s3+s2], $0x7530, $0x38;
	[tilespmem:$0xADE0] =	vst v63  }
0x13: {  	_ = 	snop  }
0x14: {  	[tilespmem:s10], [sflag:$0x3] =	stream.linear.gather [hbm4b:s5+s2], $0xA0, $0x38;
	[tilespmem:$0xADE0] =	vst v63  }
0x15: {  	_ =	swait.ge [sflag:s11], $0x1400  }
0x16: {  	[sflag:s11] =	ssyncset.done $0x0  }
0x17: {  	[sflag:s11] =	ssyncadd.s32 $0xFFFFEC00  }
0x18: {  	[tilespmem:s13], [sflag:$0x1] =	stream.indirect.gather [hbm4b:s4+s12], $0x10, s20, s12, $0xb8;
	[tilespmem:$0xADE0] =	vst v63  }
0x19: {  	_ =	swait.ge [sflag:s11], $0x1400  }
0x1a: {  	[sflag:s11] =	ssyncset.done $0x0  }
0x1b: {  	[sflag:s11] =	ssyncadd.s32 $0xFFFFEC00  }
0x1c: {  	_ =	swait.ge [sflag:s11], $0x7530  }
0x1d: {  	[sflag:s11] =	ssyncset.done $0x0  }
0x1e: {  	[sflag:s11] =	ssyncadd.s32 $0xFFFF8AD0  }
0x1f: {  	_ =	swait.ge [sflag:s11], $0xA0  }
0x20: {  	s22 =	simm.s32 $0x89B0;
	[sflag:s11] =	ssyncset.done $0x0  }
0x21: {  	v60 =	vimm.f32 $0.0e+00;
	s23 =	simm.s32 $0x75B0;
	v61 =	vimm.f32 $0.0e+00;
	s24 =	simm.s32 $0x0;
	[sflag:s11] =	ssyncadd.s32 $0xFFFFFF60  }
.LBB2_2:
0x22: {  	s25 =	sshll.u32 s24, $0x8  }
0x23: {  	s25 =	sadd.s32 $0x75B0, s25  }
0x24: {  	[tilespmem:s14], [sflag:$0x2] =	stream.indirect.gather [hbm4b:s4+s12], $0x10, s25, s12, $0xb8;
	[tilespmem:$0xADE0] =	vst v63  }
0x25: {  	_ =	swait.ge [sflag:s15], $0x800  }
0x26: {  	[sflag:s15] =	ssyncset.done $0x0  }
0x27: {  	[sflag:s15] =	ssyncadd.s32 $0xFFFFF800  }
0x28: {  	v3 =	vld [tilespmem:s21+$0x0]  }
0x29: {  	v4 =	vld [tilespmem:s20+$0x0];
	_ =	sdelay $0x3  }
0x2a: {  	v3 =	vmul.u32 $0x3, v3  }
0x2b: {  	v4 =	vmul.u32 $0x3, v4;
	_ =	sdelay $0x1  }
0x2c: {  	v5 =	vadd.s32 $0x1, v3  }
0x2d: {  	v6 =	vadd.s32 $0x1, v4  }
0x2e: {  	v7 =	vadd.s32 $0x2, v3  }
0x2f: {  	v8 =	vadd.s32 $0x2, v4;
	v3 =	vld.idx.msk [tilespmem:v3+s2+$0x0], $0xffff  }
0x30: {  	v4 =	vld.idx.msk [tilespmem:v4+s2+$0x0], $0xffff  }
0x31: {  	v5 =	vld.idx.msk [tilespmem:v5+s2+$0x0], $0xffff  }
0x32: {  	v6 =	vld.idx.msk [tilespmem:v6+s2+$0x0], $0xffff  }
0x33: {  	v7 =	vld.idx.msk [tilespmem:v7+s2+$0x0], $0xffff  }
0x34: {  	v8 =	vld.idx.msk [tilespmem:v8+s2+$0x0], $0xffff;
	_ =	sdelay $0x2  }
0x35: {  	v3 =	vsub.f32 v3, v4;
	v5 =	vsub.f32 v5, v6;
	_ =	sdelay $0x1  }
0x36: {  	v4 =	vsub.f32 v7, v8;
	v3 =	vmul.f32 v3, v3;
	v5 =	vmul.f32 v5, v5;
	_ =	sdelay $0x1  }
0x37: {  	v4 =	vmul.f32 v4, v4;
	v3 =	vadd.f32 v5, v3;
	_ =	sdelay $0x1  }
0x38: {  	v3 =	vadd.f32 v4, v3;
	_ =	sdelay $0x1  }
0x39: {  	v4 =	vshra.s32 v3, $0x1;
	v5 =	vmul.f32 $5.000000000e-01, v3  }
0x3a: {  	v4 =	vsub.s32 $0x5F3759DF, v4  }
0x3b: {  	v6 =	vmul.f32 v4, v5;
	_ =	sdelay $0x1  }
0x3c: {  	v6 =	vmul.f32 v4, v6;
	_ =	sdelay $0x1  }
0x3d: {  	v6 =	vsub.f32 $1.500000000e+00, v6;
	_ =	sdelay $0x1  }
0x3e: {  	v4 =	vmul.f32 v4, v6;
	_ =	sdelay $0x1  }
0x3f: {  	v6 =	vmul.f32 v4, v5;
	_ =	sdelay $0x1  }
0x40: {  	v6 =	vmul.f32 v6, v4;
	_ =	sdelay $0x1  }
0x41: {  	v6 =	vsub.f32 $1.500000000e+00, v6;
	_ =	sdelay $0x1  }
0x42: {  	v4 =	vmul.f32 v6, v4;
	_ =	sdelay $0x1  }
0x43: {  	v5 =	vmul.f32 v4, v5;
	_ =	sdelay $0x1  }
0x44: {  	v5 =	vmul.f32 v5, v4;
	_ =	sdelay $0x1  }
0x45: {  	v5 =	vsub.f32 $1.500000000e+00, v5;
	_ =	sdelay $0x1  }
0x46: {  	v4 =	vmul.f32 v5, v4;
	_ =	sdelay $0x1  }
0x47: {  	v3 =	vmul.f32 v4, v3;
	_ =	sdelay $0x1  }
0x48: {  	v3 =	vmul.f32 $5.500000000e+00, v3;
	_ =	sdelay $0x1  }
0x49: {  	v4 =	vtrunc.f32 v3  }
0x4a: {  	v7 =	vcvt.f32.s32 v4;
	_ =	sdelay $0x1  }
0x4b: {  	v4 =	vcvt.s32.f32 v7;
	_ =	sdelay $0x1  }
0x4c: {  	v3 =	vsub.f32 v3, v4;
	_ =	sdelay $0x1  }
0x4d: {  	v4 =	vmul.f32 v3, v3  }
0x4e: {  	v5 =	vsub.f32 $2.000000000e+00, v3  }
0x4f: {  	v4 =	vsub.f32 $1.000000000e+00, v4  }
0x50: {  	v6 =	vmul.f32 v5, v3  }
0x51: {  	(erf) = vrcp.f32 v4  }
0x52: {  	(erf) = vrcp.f32 v6;
	_ =	sdelay $0x7  }
0x53: {  	v3 =	vpop (erf)  }
0x54: {  	v4 =	vpop (erf)  }
0x55: {  	v4 =	vmul.f32 $-2.000000000e+00, v4;
	_ =	sdelay $0x1  }
0x56: {  	v4 =	vmax.f32 v4, $-8.700000000e+01  }
0x57: {  	v5 =	vmul.f32 $1.442695020e+00, v4;
	_ =	sdelay $0x1  }
0x58: {  	v3 =	vmul.f32 $-2.000000000e+00, v3;
	v5 =	vadd.f32 $-5.000000000e-01, v5;
	_ =	sdelay $0x1  }
0x59: {  	v3 =	vmax.f32 v3, $-8.700000000e+01;
	v5 =	vtrunc.f32 v5  }
0x5a: {  	v8 =	vmul.f32 $1.442695020e+00, v3;
	v9 =	vcvt.f32.s32 v5;
	_ =	sdelay $0x1  }
0x5b: {  	v5 =	vadd.f32 $-5.000000000e-01, v8;
	v8 =	vcvt.s32.f32 v9  }
0x5c: {  	s29 =	sadd.s32 $0x10, s20  }
0x5d: {  	v19 =	vld [tilespmem:s29+$0x0];
	v5 =	vtrunc.f32 v5;
	v10 =	vmul.f32 $6.931471820e-01, v8  }
0x5e: {  	v11 =	vcvt.f32.s32 v5  }
0x5f: {  	v5 =	vmul.f32 $1.904654210e-09, v8;
	v4 =	vsub.f32 v4, v10  }
0x60: {  	v8 =	vcvt.s32.f32 v11  }
0x61: {  	v10 =	vadd.f32 v5, v4  }
0x62: {  	v19 =	vmul.u32 $0x3, v19;
	v4 =	vmul.f32 $6.931471820e-01, v8  }
0x63: {  	v5 =	vmul.f32 $8.333333770e-03, v10  }
0x64: {  	v30 =	vadd.s32 $0x1, v19;
	v3 =	vsub.f32 v3, v4;
	v4 =	vmul.f32 $1.904654210e-09, v8  }
0x65: {  	v34 =	vadd.s32 $0x2, v19;
	vm0 =	vgt.s32 v7, $0x0;
	v5 =	vadd.f32 $4.166666790e-02, v5  }
0x66: {  	v9 =	vshll.u32 v9, $0x17;
	v8 =	vadd.s32 $0xFFFFFFFF, v7;
	v14 =	vadd.f32 v4, v3  }
0x67: {  	v9 =	vadd.s32 $0x3F800000, v9;
	vm1 =	vgt.s32 v8, $0x0;
	v12 =	vmul.f32 v5, v10  }
0x68: {  	v11 =	vshll.u32 v11, $0x17;
	v4 =	vnsel vm1, $0x0, v8;
	v13 =	vmul.f32 $8.333333770e-03, v14  }
0x69: {  	s28 =	sadd.s32 $0x10, s21;
	v3 =	vnsel vm0, $0x0, v7;
	v4 =	vmin.u32 v4, $0x9;
	v12 =	vadd.f32 $1.666666570e-01, v12  }
0x6a: {  	v16 =	vld [tilespmem:s28+$0x0];
	v3 =	vmin.u32 v3, $0x9;
	v4 =	vshll.u32 v4, $0x4;
	v13 =	vadd.f32 $4.166666790e-02, v13  }
0x6b: {  	v5 =	vshll.u32 v3, $0x4;
	v18 =	vor.u32 $0x6, v4;
	v12 =	vmul.f32 v12, v10  }
0x6c: {  	v11 =	vadd.s32 $0x3F800000, v11;
	v17 =	vor.u32 $0x5, v5;
	v13 =	vmul.f32 v13, v14  }
0x6d: {  	vm0 =	vgt.f32 v6, $0.0e+00;
	v15 =	vor.u32 $0x5, v4;
	v6 =	vadd.f32 $5.000000000e-01, v12  }
0x6e: {  	v30 =	vld.idx.msk [tilespmem:v30+s2+$0x0], $0xffff;
	vm1 =	vlt.s32 v7, $0xA;
	v36 =	vor.u32 $0xD, v5;
	v12 =	vadd.f32 $1.666666570e-01, v13  }
0x6f: {  	v34 =	vld.idx.msk [tilespmem:v34+s2+$0x0], $0xffff;
	v20 =	vor.u32 $0x6, v5;
	v13 =	vmul.u32 $0x3, v16;
	v6 =	vmul.f32 v6, v10  }
0x70: {  	vm0 =	vmand vm1, vm0;
	v37 =	vor.u32 $0xF, v5;
	v32 =	vld.idx.msk [tilespmem:v18+s10+$0x0], $0xffff;
	v12 =	vmul.f32 v12, v14  }
0x71: {  	v3 =	vor.u32 $0x2, v4;
	v33 =	vld.idx.msk [tilespmem:v17+s10+$0x0], $0xffff;
	v28 =	vadd.s32 $0x1, v13;
	v6 =	vadd.f32 $1.000000000e+00, v6  }
0x72: {  	v21 =	vor.u32 $0x8, v5;
	v22 =	vor.u32 $0xA, v5;
	v38 =	vld.idx.msk [tilespmem:v15+s10+$0x0], $0xffff;
	v12 =	vadd.f32 $5.000000000e-01, v12  }
0x73: {  	v24 =	vor.u32 $0x7, v4;
	v23 =	vor.u32 $0x7, v5;
	v36 =	vld.idx.msk [tilespmem:v36+s10+$0x0], $0xffff;
	v10 =	vmul.f32 v6, v10  }
0x74: {  	v25 =	vor.u32 $0x9, v4;
	v20 =	vld.idx.msk [tilespmem:v20+s10+$0x0], $0xffff;
	v18 =	vadd.s32 $0x2, v13;
	v17 =	vmul.f32 v12, v14  }
0x75: {  	v26 =	vor.u32 $0x9, v5;
	v27 =	vor.u32 $0xA, v4;
	v54 =	vld.idx.msk [tilespmem:v37+s10+$0x0], $0xffff;
	v10 =	vadd.f32 $1.000000000e+00, v10  }
0x76: {  	v29 =	vor.u32 $0xB, v4;
	v31 =	vor.u32 $0xB, v5;
	v28 =	vld.idx.msk [tilespmem:v28+s2+$0x0], $0xffff;
	v17 =	vadd.f32 $1.000000000e+00, v17  }
0x77: {  	v2 =	vor.u32 $0xD, v4;
	v16 =	vor.u32 $0xF, v4;
	v35 =	vld.idx.msk [tilespmem:v13+s2+$0x0], $0xffff;
	v9 =	vmul.f32 v9, v10  }
0x78: {  	v15 =	vor.u32 $0x4, v4;
	v6 =	vor.u32 $0x1, v4;
	v14 =	vmul.f32 v17, v14;
	v17 =	vld.idx.msk [tilespmem:v19+s2+$0x0], $0xffff  }
0x79: {  	v12 =	vor.u32 $0x1, v5;
	v13 =	vor.u32 $0x3, v4;
	v19 =	vld.idx.msk [tilespmem:v18+s2+$0x0], $0xffff;
	v7 =	vmul.f32 $2.666930010e+01, v9  }
0x7a: {  	v26 =	vld.idx.msk [tilespmem:v26+s10+$0x0], $0xffff;
	v10 =	vor.u32 $0xE, v4;
	v18 =	vor.u32 $0xE, v5;
	v14 =	vadd.f32 $1.000000000e+00, v14  }
0x7b: {  	v22 =	vld.idx.msk [tilespmem:v22+s10+$0x0], $0xffff;
	v9 =	vor.u32 $0xC, v5;
	v28 =	vsub.f32 v28, v30;
	v7 =	vnsel vm0, $0x0, v7  }
0x7c: {  	v21 =	vld.idx.msk [tilespmem:v21+s10+$0x0], $0xffff;
	v11 =	vmul.f32 v11, v14;
	vm0 =	vlt.u32 v8, $0xA;
	v39 =	vshrl.u32 v7, $0x10  }
0x7d: {  	v27 =	vld.idx.msk [tilespmem:v27+s10+$0x0], $0xffff;
	v8 =	vor.u32 $0x8, v4;
	v30 =	vsub.f32 v35, v17;
	v14 =	vand.u32 $0x1, v39  }
0x7e: {  	v24 =	vld.idx.msk [tilespmem:v24+s10+$0x0], $0xffff;
	v11 =	vmul.f32 $2.666930010e+01, v11;
	v7 =	vadd.s32 v14, v7;
	v14 =	vsub.f32 v19, v34  }
0x7f: {  	v47 =	vld.idx.msk [tilespmem:v12+s10+$0x0], $0xffff;
	v17 =	vor.u32 $0x4, v5;
	v19 =	vmul.f32 v28, v28;
	v28 =	vmul.f32 v30, v30  }
0x80: {  	v9 =	vld.idx.msk [tilespmem:v9+s10+$0x0], $0xffff;
	v7 =	vadd.s32 $0x7FFF, v7;
	v11 =	vnsel vm0, $0x0, v11;
	v30 =	vmul.f32 v14, v14  }
0x81: {  	v19 =	vadd.f32 v19, v28;
	v14 =	vand.u32 $0xFFFF0000, v7;
	v7 =	vld.idx.msk [tilespmem:v23+s10+$0x0], $0xffff;
	v23 =	vshrl.u32 v11, $0x10  }
0x82: {  	v25 =	vld.idx.msk [tilespmem:v25+s10+$0x0], $0xffff;
	v55 =	vmul.f32 v14, v36;
	v56 =	vand.u32 $0x1, v23;
	v23 =	vmul.f32 v14, v54  }
0x83: {  	v28 =	vor.u32 $0xC, v4;
	v8 =	vld.idx.msk [tilespmem:v8+s10+$0x0], $0xffff;
	v26 =	vmul.f32 v14, v26;
	v58 =	vmul.f32 v14, v22  }
0x84: {  	v29 =	vld.idx.msk [tilespmem:v29+s10+$0x0], $0xffff;
	v62 =	vmul.f32 v14, v20;
	v0 =	vmul.f32 v14, v21;
	v19 =	vadd.f32 v30, v19  }
0x85: {  	v16 =	vld.idx.msk [tilespmem:v16+s10+$0x0], $0xffff;
	v22 =	vor.u32 $0x2, v5;
	v34 =	vmul.f32 v14, v47;
	v11 =	vadd.s32 v56, v11  }
0x86: {  	v15 =	vld.idx.msk [tilespmem:v15+s10+$0x0], $0xffff;
	v9 =	vmul.f32 v14, v9;
	v11 =	vadd.s32 $0x7FFF, v11;
	v57 =	vmul.f32 $5.000000000e-01, v19  }
0x87: {  	v4 =	vld.idx.msk [tilespmem:v4+s10+$0x0], $0xffff;
	v20 =	vand.u32 $0xFFFF0000, v11;
	v11 =	vmul.f32 v14, v33;
	v7 =	vmul.f32 v14, v7  }
0x88: {  	v21 =	vor.u32 $0x3, v5;
	v5 =	vld.idx.msk [tilespmem:v5+s10+$0x0], $0xffff;
	v38 =	vmul.f32 v20, v38;
	v8 =	vmul.f32 v20, v8  }
0x89: {  	v17 =	vld.idx.msk [tilespmem:v17+s10+$0x0], $0xffff;
	v32 =	vmul.f32 v20, v32;
	v24 =	vmul.f32 v20, v24  }
0x8a: {  	v25 =	vmul.f32 v20, v25;
	v27 =	vmul.f32 v20, v27  }
0x8b: {  	v6 =	vld.idx.msk [tilespmem:v6+s10+$0x0], $0xffff;
	v30 =	vshra.s32 v19, $0x1;
	v29 =	vmul.f32 v20, v29;
	v16 =	vmul.f32 v20, v16  }
0x8c: {  	v30 =	vsub.s32 $0x5F3759DF, v30;
	v4 =	vmul.f32 v20, v4;
	v15 =	vmul.f32 v20, v15  }
0x8d: {  	v63 =	vmul.f32 v30, v57;
	v5 =	vmul.f32 v14, v5;
	v11 =	vadd.f32 v11, v38  }
0x8e: {  	v28 =	vld.idx.msk [tilespmem:v28+s10+$0x0], $0xffff;
	v17 =	vmul.f32 v14, v17;
	v7 =	vadd.f32 v7, v24;
	v8 =	vadd.f32 v0, v8  }
0x8f: {  	v25 =	vadd.f32 v26, v25;
	v26 =	vadd.f32 v58, v27;
	v39 =	vmul.f32 v30, v63  }
0x90: {  	v4 =	vadd.f32 v5, v4;
	v5 =	vmul.f32 v20, v6;
	v11 =	vmul.f32 $3.162277640e-01, v11  }
0x91: {  	v7 =	vmul.f32 $3.162277640e-01, v7;
	v8 =	vmul.f32 $3.162277640e-01, v8;
	v1 =	vsub.f32 $1.500000000e+00, v39  }
0x92: {  	v15 =	vadd.f32 v17, v15;
	v25 =	vmul.f32 $3.162277640e-01, v25;
	v26 =	vmul.f32 $3.162277640e-01, v26  }
0x93: {  	v22 =	vld.idx.msk [tilespmem:v22+s10+$0x0], $0xffff;
	v28 =	vmul.f32 v20, v28;
	v24 =	vmul.f32 v30, v1  }
0x94: {  	v4 =	vmul.f32 $3.162277640e-01, v4;
	v5 =	vadd.f32 v34, v5;
	v15 =	vmul.f32 $3.162277640e-01, v15  }
0x95: {  	v11 =	vmax.f32 v11, $0.0e+00;
	v30 =	vadd.f32 v62, v32;
	v37 =	vmul.f32 v24, v57  }
0x96: {  	v7 =	vmax.f32 v7, $0.0e+00;
	v40 =	vmax.f32 v8, $0.0e+00;
	v25 =	vmax.f32 v25, $0.0e+00  }
0x97: {  	v26 =	vmax.f32 v26, $0.0e+00;
	v27 =	vmul.f32 $3.162277640e-01, v30;
	v30 =	vld.idx.msk [tilespmem:v31+s10+$0x0], $0xffff;
	v31 =	vmul.f32 v37, v24  }
0x98: {  	v22 =	vmul.f32 v14, v22;
	v11 =	vmul.f32 $1.414213540e+00, v11;
	v28 =	vadd.f32 v9, v28  }
0x99: {  	v7 =	vmul.f32 $1.414213540e+00, v7;
	v25 =	vmul.f32 $1.414213540e+00, v25;
	v31 =	vsub.f32 $1.500000000e+00, v31  }
0x9a: {  	v26 =	vmul.f32 $1.414213540e+00, v26;
	v4 =	vmax.f32 v4, $0.0e+00;
	v38 =	vshrl.u32 v11, $0x10  }
0x9b: {  	v5 =	vmul.f32 $3.162277640e-01, v5;
	v32 =	vand.u32 $0x1, v38;
	v9 =	vmul.f32 v31, v24  }
0x9c: {  	v4 =	vmul.f32 $1.414213540e+00, v4;
	v8 =	vadd.s32 v32, v11;
	v11 =	vmul.f32 v14, v30  }
0x9d: {  	v15 =	vmax.f32 v15, $0.0e+00;
	v30 =	vmul.f32 $1.414213540e+00, v40;
	v31 =	vmul.f32 v9, v57  }
0x9e: {  	v50 =	vld.idx.msk [tilespmem:v13+s10+$0x0], $0xffff;
	v15 =	vmul.f32 $1.414213540e+00, v15;
	v41 =	vshrl.u32 v7, $0x10;
	v5 =	vmax.f32 v5, $0.0e+00  }
0x9f: {  	v1 =	vshrl.u32 v4, $0x10;
	v33 =	vshrl.u32 v30, $0x10;
	v31 =	vmul.f32 v31, v9  }
0xa0: {  	v27 =	vmax.f32 v27, $0.0e+00;
	v29 =	vadd.f32 v11, v29;
	v11 =	vand.u32 $0x1, v33  }
0xa1: {  	v32 =	vand.u32 $0x1, v41;
	v11 =	vadd.s32 v11, v30;
	v30 =	vsub.f32 $1.500000000e+00, v31  }
0xa2: {  	v5 =	vmul.f32 $1.414213540e+00, v5;
	v27 =	vmul.f32 $1.414213540e+00, v27;
	v7 =	vadd.s32 v32, v7  }
0xa3: {  	v37 =	vmul.f32 v20, v50;
	v7 =	vadd.s32 $0x7FFF, v7;
	v9 =	vmul.f32 v30, v9  }
0xa4: {  	v24 =	vshrl.u32 v27, $0x10;
	v29 =	vmul.f32 $3.162277640e-01, v29;
	v30 =	vshrl.u32 v25, $0x10  }
0xa5: {  	v31 =	vadd.s32 $0x7FFF, v11;
	v30 =	vand.u32 $0x1, v30;
	v9 =	vmul.f32 v9, v19  }
0xa6: {  	v19 =	vand.u32 $0x1, v24;
	v24 =	vmax.f32 v29, $0.0e+00;
	v25 =	vadd.s32 v30, v25  }
0xa7: {  	v29 =	vshrl.u32 v26, $0x10;
	v25 =	vadd.s32 $0x7FFF, v25;
	v30 =	vmul.f32 $5.500000000e+00, v9  }
0xa8: {  	v45 =	vld.idx.msk [tilespmem:v3+s10+$0x0], $0xffff;
	v29 =	vand.u32 $0x1, v29;
	v24 =	vmul.f32 $1.414213540e+00, v24;
	v9 =	vand.u32 $0xFFFF0000, v25  }
0xa9: {  	v25 =	vadd.s32 v29, v26;
	v26 =	vadd.s32 v19, v27;
	v19 =	vtrunc.f32 v30  }
0xaa: {  	v11 =	vand.u32 $0xFFFF0000, v7;
	v29 =	vld.idx.msk [tilespmem:v10+s10+$0x0], $0xffff;
	v27 =	vshrl.u32 v24, $0x10;
	v10 =	vcvt.f32.s32 v19  }
0xab: {  	v42 =	vld.idx.msk [tilespmem:v18+s10+$0x0], $0xffff;
	v7 =	vand.u32 $0xFFFF0000, v31;
	v25 =	vadd.s32 $0x7FFF, v25;
	v18 =	vand.u32 $0x1, v27  }
0xac: {  	v31 =	vld.idx.msk [tilespmem:v2+s10+$0x0], $0xffff;
	v19 =	vand.u32 $0xFFFF0000, v25;
	v25 =	vmul.f32 $3.162277640e-01, v28;
	v27 =	vcvt.s32.f32 v10  }
0xad: {  	v17 =	vand.u32 $0x1, v1;
	v8 =	vadd.s32 $0x7FFF, v8;
	v32 =	vmul.f32 v20, v45  }
0xae: {  	v26 =	vadd.s32 $0x7FFF, v26;
	v25 =	vmax.f32 v25, $0.0e+00;
	v27 =	vsub.f32 v30, v27  }
0xaf: {  	v24 =	vadd.s32 v18, v24;
	v29 =	vmul.f32 v20, v29;
	v25 =	vmul.f32 $1.414213540e+00, v25  }
0xb0: {  	v18 =	vand.u32 $0xFFFF0000, v26;
	v30 =	vmul.f32 v14, v42;
	v43 =	vmul.f32 v27, v27  }
0xb1: {  	v26 =	vmul.f32 v20, v31;
	v31 =	vshrl.u32 v25, $0x10;
	v44 =	vsub.f32 $2.000000000e+00, v27  }
0xb2: {  	v21 =	vld.idx.msk [tilespmem:v21+s10+$0x0], $0xffff;
	v31 =	vand.u32 $0x1, v31;
	v29 =	vadd.f32 v30, v29;
	v30 =	vsub.f32 $1.000000000e+00, v43  }
0xb3: {  	v25 =	vadd.s32 v31, v25;
	v31 =	vadd.f32 v23, v16;
	v23 =	vmul.f32 v44, v27  }
0xb4: {  	v4 =	vadd.s32 v17, v4;
	v26 =	vadd.f32 v55, v26;
	(erf) = vrcp.f32 v30  }
0xb5: {  	v4 =	vadd.s32 $0x7FFF, v4;
	v22 =	vadd.f32 v22, v32;
	(erf) = vrcp.f32 v23  }
0xb6: {  	s31 =	simm.s32 $0x0;
	v8 =	vand.u32 $0xFFFF0000, v8;
	v4 =	vand.u32 $0xFFFF0000, v4;
	v26 =	vmul.f32 $3.162277640e-01, v26  }
0xb7: {  	v28 =	vmov s31;
	v14 =	vmul.f32 v14, v21;
	v21 =	vmul.f32 $3.162277640e-01, v22  }
0xb8: {  	v24 =	vadd.s32 $0x7FFF, v24;
	vm0 =	vgt.s32 v10, $0x0;
	vm2 =	vlt.s32 v10, $0xA  }
0xb9: {  	v17 =	vmax.f32 v21, $0.0e+00;
	v37 =	vadd.f32 v14, v37;
	v16 =	vmax.f32 v26, $0.0e+00  }
0xba: {  	v17 =	vmul.f32 $1.414213540e+00, v17;
	v26 =	vmul.f32 $3.162277640e-01, v29;
	v27 =	vadd.s32 $0x7FFF, v25  }
0xbb: {  	v29 =	vmul.f32 $1.414213540e+00, v16;
	v25 =	vand.u32 $0xFFFF0000, v24;
	v37 =	vmul.f32 $3.162277640e-01, v37  }
0xbc: {  	v16 =	vand.u32 $0xFFFF0000, v27;
	v27 =	vshll.u32 v28, $0x4;
	v28 =	vmul.f32 $3.162277640e-01, v31  }
0xbd: {  	v52 =	vshrl.u32 v17, $0x10;
	v24 =	vmax.f32 v26, $0.0e+00;
	v30 =	vshrl.u32 v29, $0x10;
	v62 =	vpop (erf)  }
0xbe: {  	v26 =	vor.u32 v59, v27;
	v37 =	vmax.f32 v37, $0.0e+00;
	v24 =	vmul.f32 $1.414213540e+00, v24;
	v6 =	vpop (erf)  }
0xbf: {  	v30 =	vand.u32 $0x1, v30;
	v46 =	vmax.f32 v28, $0.0e+00;
	v6 =	vmul.f32 $-2.000000000e+00, v6  }
0xc0: {  	v27 =	vor.u32 $0xB, v26;
	v31 =	vor.u32 $0x7, v26;
	v48 =	vor.u32 $0xA, v26  }
0xc1: {  	v49 =	vor.u32 $0x1, v26;
	v51 =	vor.u32 $0x6, v26;
	v6 =	vmax.f32 v6, $-8.700000000e+01  }
0xc2: {  	v63 =	vor.u32 $0x2, v26;
	v13 =	vor.u32 $0xC, v26;
	v20 =	vmul.f32 $1.442695020e+00, v6  }
0xc3: {  	v0 =	vor.u32 $0x3, v26;
	v40 =	vor.u32 $0x4, v26;
	v36 =	vor.u32 $0xD, v26;
	v22 =	vld.idx.msk [tilespmem:v26+s13+$0x0], $0xffff  }
0xc4: {  	v37 =	vmul.f32 $1.414213540e+00, v37;
	v55 =	vor.u32 $0x5, v26;
	v20 =	vadd.f32 $-5.000000000e-01, v20  }
0xc5: {  	v3 =	vadd.s32 v30, v29;
	v29 =	vor.u32 $0x8, v26;
	v12 =	vmul.f32 $1.414213540e+00, v46  }
0xc6: {  	v30 =	vor.u32 $0x9, v26;
	v3 =	vadd.s32 $0x7FFF, v3;
	v20 =	vtrunc.f32 v20  }
0xc7: {  	v28 =	vshrl.u32 v24, $0x10;
	v3 =	vand.u32 $0xFFFF0000, v3;
	v2 =	vcvt.f32.s32 v20  }
0xc8: {  	v28 =	vand.u32 $0x1, v28;
	v4 =	vmul.f32 v4, v22;
	v20 =	vshrl.u32 v5, $0x10  }
0xc9: {  	v28 =	vadd.s32 v28, v24;
	v14 =	vand.u32 $0x1, v20;
	v20 =	vld.idx.msk [tilespmem:v49+s13+$0x0], $0xffff;
	v21 =	vcvt.s32.f32 v2  }
0xca: {  	v53 =	vld.idx.msk [tilespmem:v63+s13+$0x0], $0xffff;
	v4 =	vadd.f32 $0.0e+00, v4;
	v5 =	vadd.s32 v14, v5;
	v14 =	vand.u32 $0x1, v52  }
0xcb: {  	v17 =	vadd.s32 v14, v17;
	v5 =	vadd.s32 $0x7FFF, v5;
	v22 =	vmul.f32 $6.931471820e-01, v21  }
0xcc: {  	v14 =	vadd.s32 $0xFFFFFFFF, v10;
	v5 =	vand.u32 $0xFFFF0000, v5;
	v17 =	vadd.s32 $0x7FFF, v17  }
0xcd: {  	vm1 =	vgt.s32 v14, $0x0;
	v17 =	vand.u32 $0xFFFF0000, v17;
	v6 =	vsub.f32 v6, v22  }
0xce: {  	v22 =	vmul.f32 $-2.000000000e+00, v62;
	v5 =	vmul.f32 v5, v20;
	v20 =	vnsel vm0, $0x0, v10  }
0xcf: {  	v21 =	vmul.f32 $1.904654210e-09, v21;
	v17 =	vmul.f32 v17, v53;
	v20 =	vmin.u32 v20, $0x9  }
0xd0: {  	v22 =	vmax.f32 v22, $-8.700000000e+01;
	v4 =	vadd.f32 v4, v5;
	v5 =	vshrl.u32 v15, $0x10  }
0xd1: {  	v34 =	vld.idx.msk [tilespmem:v0+s13+$0x0], $0xffff;
	v54 =	vadd.f32 v21, v6;
	v6 =	vshrl.u32 v37, $0x10;
	v5 =	vand.u32 $0x1, v5  }
0xd2: {  	v31 =	vld.idx.msk [tilespmem:v31+s13+$0x0], $0xffff;
	v21 =	vmul.f32 $1.442695020e+00, v22;
	v6 =	vand.u32 $0x1, v6;
	v15 =	vadd.s32 v5, v15  }
0xd3: {  	v35 =	vld.idx.msk [tilespmem:v48+s13+$0x0], $0xffff;
	v5 =	vadd.s32 v6, v37;
	v17 =	vadd.f32 v4, v17;
	v4 =	vnsel vm1, $0x0, v14  }
0xd4: {  	v57 =	vmul.f32 $8.333333770e-03, v54;
	v6 =	vadd.f32 $-5.000000000e-01, v21;
	v21 =	vld.idx.msk [tilespmem:v40+s13+$0x0], $0xffff;
	v5 =	vadd.s32 $0x7FFF, v5  }
0xd5: {  	v27 =	vld.idx.msk [tilespmem:v27+s13+$0x0], $0xffff;
	v56 =	vmin.u32 v4, $0x9;
	v4 =	vshll.u32 v20, $0x4;
	v5 =	vand.u32 $0xFFFF0000, v5  }
0xd6: {  	v13 =	vld.idx.msk [tilespmem:v13+s13+$0x0], $0xffff;
	v6 =	vtrunc.f32 v6;
	v20 =	vmul.f32 v5, v34;
	v34 =	vadd.f32 $4.166666790e-02, v57  }
0xd7: {  	v11 =	vmul.f32 v11, v31;
	v58 =	vcvt.f32.s32 v6;
	v6 =	vadd.s32 $0x7FFF, v15;
	v15 =	vld.idx.msk [tilespmem:v55+s13+$0x0], $0xffff  }
0xd8: {  	vm0 =	vgt.f32 v23, $0.0e+00;
	v48 =	vand.u32 $0xFFFF0000, v6;
	v23 =	vmul.f32 v34, v54  }
0xd9: {  	v17 =	vadd.f32 v17, v20;
	v20 =	vmul.f32 v48, v21;
	v21 =	vcvt.s32.f32 v58  }
0xda: {  	v33 =	vld.idx.msk [tilespmem:v51+s13+$0x0], $0xffff;
	v28 =	vadd.s32 $0x7FFF, v28;
	v25 =	vmul.f32 v25, v27;
	v49 =	vmul.f32 v19, v35  }
0xdb: {  	v19 =	vmul.f32 $6.931471820e-01, v21;
	v17 =	vadd.f32 v17, v20;
	v20 =	vadd.f32 $1.666666570e-01, v23  }
0xdc: {  	v28 =	vand.u32 $0xFFFF0000, v28;
	v16 =	vmul.f32 v16, v13;
	v8 =	vmul.f32 v8, v15  }
0xdd: {  	v15 =	vsub.f32 v22, v19;
	v23 =	vmul.f32 v20, v54;
	v20 =	vmul.f32 $1.904654210e-09, v21  }
0xde: {  	vm0 =	vmand vm2, vm0;
	v37 =	vor.u32 $0xE, v26;
	v26 =	vor.u32 $0xF, v26  }
0xdf: {  	v8 =	vadd.f32 v17, v8;
	v17 =	vmul.f32 v18, v33;
	v43 =	vadd.f32 v20, v15;
	v15 =	vld.idx.msk [tilespmem:v29+s13+$0x0], $0xffff  }
0xe0: {  	vm1 =	vlt.u32 v14, $0xA;
	v50 =	vor.u32 $0x5, v4;
	v42 =	vor.u32 $0x6, v4  }
0xe1: {  	v24 =	vor.u32 $0x9, v4;
	v13 =	vor.u32 $0x4, v4;
	v8 =	vadd.f32 v8, v17;
	v17 =	vld.idx.msk [tilespmem:v30+s13+$0x0], $0xffff  }
0xe2: {  	v14 =	vor.u32 $0x2, v4;
	v35 =	vor.u32 $0xF, v4;
	v5 =	vshll.u32 v56, $0x4  }
0xe3: {  	v63 =	vor.u32 $0x2, v5;
	v41 =	vor.u32 $0x5, v5;
	v18 =	vadd.f32 $5.000000000e-01, v23  }
0xe4: {  	v51 =	vor.u32 $0x6, v5;
	v8 =	vadd.f32 v8, v11;
	v7 =	vmul.f32 v7, v15  }
0xe5: {  	v31 =	vor.u32 $0xA, v5;
	v44 =	vor.u32 $0xB, v5;
	v18 =	vmul.f32 v18, v54  }
0xe6: {  	v7 =	vadd.f32 v8, v7;
	v8 =	vmul.f32 v9, v17;
	v9 =	vmul.f32 $8.333333770e-03, v43  }
0xe7: {  	v0 =	vor.u32 $0x1, v5;
	v53 =	vor.u32 $0x3, v5;
	v29 =	vshrl.u32 v12, $0x10  }
0xe8: {  	v37 =	vld.idx.msk [tilespmem:v37+s13+$0x0], $0xffff;
	v11 =	vand.u32 $0x1, v29;
	v18 =	vadd.f32 $1.000000000e+00, v18;
	v29 =	vadd.f32 $4.166666790e-02, v9  }
0xe9: {  	v10 =	vor.u32 $0x4, v5;
	v55 =	vor.u32 $0xD, v4;
	v34 =	vor.u32 $0xC, v4  }
0xea: {  	v19 =	vor.u32 $0x8, v4;
	v15 =	vmul.f32 v18, v54;
	v27 =	vmul.f32 v29, v43  }
0xeb: {  	v22 =	vor.u32 $0xA, v4;
	v21 =	vor.u32 $0x9, v5;
	v33 =	vshll.u32 v58, $0x17;
	v29 =	vld.idx.msk [tilespmem:v36+s13+$0x0], $0xffff  }
0xec: {  	v17 =	vshll.u32 v2, $0x17;
	v15 =	vadd.f32 $1.000000000e+00, v15;
	v27 =	vadd.f32 $1.666666570e-01, v27  }
0xed: {  	v58 =	vmul.f32 v28, v37;
	v17 =	vadd.s32 $0x3F800000, v17;
	v8 =	vadd.f32 v7, v8  }
0xee: {  	v26 =	vld.idx.msk [tilespmem:v26+s13+$0x0], $0xffff;
	v20 =	vor.u32 $0x7, v5;
	v30 =	vmul.f32 v17, v15;
	v27 =	vmul.f32 v27, v43  }
0xef: {  	v11 =	vadd.s32 v11, v12;
	v54 =	vor.u32 $0xC, v5;
	v52 =	vadd.f32 v8, v49  }
0xf0: {  	v3 =	vmul.f32 v3, v29;
	v29 =	vmul.f32 $2.666930010e+01, v30;
	v30 =	vadd.f32 $5.000000000e-01, v27  }
0xf1: {  	v32 =	vld.idx.msk [tilespmem:v41+s10+$0x0], $0xffff;
	v23 =	vor.u32 $0x7, v4;
	v12 =	vor.u32 $0xF, v5;
	v11 =	vadd.s32 $0x7FFF, v11  }
0xf2: {  	v31 =	vld.idx.msk [tilespmem:v31+s10+$0x0], $0xffff;
	v11 =	vand.u32 $0xFFFF0000, v11;
	v25 =	vadd.f32 v52, v25;
	v56 =	vmul.f32 v30, v43  }
0xf3: {  	v28 =	vld.idx.msk [tilespmem:v44+s10+$0x0], $0xffff;
	v18 =	vor.u32 $0xB, v4;
	v38 =	vmul.f32 v11, v26;
	v11 =	vnsel vm0, $0x0, v29  }
0xf4: {  	v36 =	vld.idx.msk [tilespmem:v42+s10+$0x0], $0xffff;
	v16 =	vadd.f32 v25, v16;
	v26 =	vshrl.u32 v11, $0x10;
	v62 =	vadd.f32 $1.000000000e+00, v56  }
0xf5: {  	v9 =	vor.u32 $0x1, v4;
	v15 =	vor.u32 $0xE, v5;
	v25 =	vld.idx.msk [tilespmem:v54+s10+$0x0], $0xffff;
	v57 =	vand.u32 $0x1, v26  }
0xf6: {  	[tilespmem:$0x1FFD0] =	vst v0;
	v17 =	vor.u32 $0xE, v4;
	v27 =	vld.idx.msk [tilespmem:v51+s10+$0x0], $0xffff;
	v3 =	vadd.f32 v16, v3;
	v11 =	vadd.s32 v57, v11  }
0xf7: {  	s26 =	simm.s32 $0x20;
	[tilespmem:$0x1FFE0] =	vst v53;
	v29 =	vld.idx.msk [tilespmem:v50+s10+$0x0], $0xffff;
	v16 =	vor.u32 $0x3, v4;
	v30 =	vor.u32 $0xD, v5;
	v11 =	vadd.s32 $0x7FFF, v11  }
0xf8: {  	s25 =	simm.s32 $0x10;
	s28 =	sadd.s32 $0x10, s28;
	s29 =	sadd.s32 $0x10, s29;
	v26 =	vld.idx.msk [tilespmem:v55+s10+$0x0], $0xffff;
	v47 =	vadd.f32 v3, v58;
	v48 =	vmul.f32 v62, v43;
	v11 =	vand.u32 $0xFFFF0000, v11;
	v62 =	vmovc v60  }
.LBB2_3:
0xf9: {  	_ = 	snop  }
0xfa: {  	v37 =	vld [tilespmem:s28+$0x0]  }
0xfb: {  	v39 =	vld [tilespmem:s29+$0x0]  }
0xfc: {  	v34 =	vld.idx.msk [tilespmem:v34+s10+$0x0], $0xffff  }
0xfd: {  	v35 =	vld.idx.msk [tilespmem:v35+s10+$0x0], $0xffff  }
0xfe: {  	v22 =	vld.idx.msk [tilespmem:v22+s10+$0x0], $0xffff  }
0xff: {  	v24 =	vld.idx.msk [tilespmem:v24+s10+$0x0], $0xffff  }
0x100: {  	v23 =	vld.idx.msk [tilespmem:v23+s10+$0x0], $0xffff  }
0x101: {  	v42 =	vld.idx.msk [tilespmem:v19+s10+$0x0], $0xffff  }
0x102: {  	v58 =	vld.idx.msk [tilespmem:v20+s10+$0x0], $0xffff;
	v40 =	vadd.f32 $1.000000000e+00, v48  }
0x103: {  	v33 =	vadd.s32 $0x3F800000, v33;
	v18 =	vld.idx.msk [tilespmem:v18+s10+$0x0], $0xffff;
	v38 =	vadd.f32 v47, v38  }
0x104: {  	v55 =	vor.u32 $0x8, v5;
	v17 =	vld.idx.msk [tilespmem:v17+s10+$0x0], $0xffff;
	v33 =	vmul.f32 v33, v40  }
0x105: {  	v13 =	vld.idx.msk [tilespmem:v13+s10+$0x0], $0xffff;
	v2 =	vsub.f32 v38, v61;
	v20 =	vmul.f32 v11, v26;
	v36 =	vmul.f32 v11, v36  }
0x106: {  	v14 =	vld.idx.msk [tilespmem:v14+s10+$0x0], $0xffff;
	v37 =	vmul.u32 $0x3, v37;
	v33 =	vmul.f32 $2.666930010e+01, v33;
	v19 =	vmul.f32 v11, v35  }
0x107: {  	v56 =	vmul.u32 $0x3, v39;
	v34 =	vmul.f32 v11, v34;
	v24 =	vmul.f32 v11, v24  }
0x108: {  	v21 =	vld.idx.msk [tilespmem:v21+s10+$0x0], $0xffff;
	v22 =	vmul.f32 v11, v22;
	v23 =	vmul.f32 v11, v23;
	v33 =	vnsel vm1, $0x0, v33  }
0x109: {  	v15 =	vld.idx.msk [tilespmem:v15+s10+$0x0], $0xffff;
	v18 =	vmul.f32 v11, v18;
	v17 =	vmul.f32 v11, v17;
	v46 =	vshrl.u32 v33, $0x10  }
0x10a: {  	v40 =	vld.idx.msk [tilespmem:v55+s10+$0x0], $0xffff;
	v13 =	vmul.f32 v11, v13;
	v41 =	vadd.s32 $0x2, v37;
	v26 =	vand.u32 $0x1, v46  }
0x10b: {  	v12 =	vld.idx.msk [tilespmem:v12+s10+$0x0], $0xffff;
	v14 =	vmul.f32 v11, v14;
	v57 =	vadd.s32 $0x1, v37;
	v26 =	vadd.s32 v26, v33  }
0x10c: {  	v3 =	vld.idx.msk [tilespmem:v10+s10+$0x0], $0xffff;
	v7 =	vadd.f32 v2, v60;
	v43 =	vadd.s32 $0x1, v56;
	v26 =	vadd.s32 $0x7FFF, v26  }
0x10d: {  	v44 =	vadd.s32 $0x2, v56;
	v61 =	vld.idx.msk [tilespmem:v37+s2+$0x0], $0xffff;
	v33 =	vand.u32 $0xFFFF0000, v26;
	v26 =	vmul.f32 v11, v29  }
0x10e: {  	v45 =	vsub.f32 v7, v62;
	v38 =	vld.idx.msk [tilespmem:v56+s2+$0x0], $0xffff;
	v29 =	vmul.f32 v11, v42;
	v32 =	vmul.f32 v33, v32  }
0x10f: {  	v0 =	vmov v7;
	v62 =	vld.idx.msk [tilespmem:v41+s2+$0x0], $0xffff;
	v40 =	vmul.f32 v33, v40;
	v27 =	vmul.f32 v33, v27  }
0x110: {  	v60 =	vsub.f32 v45, v2;
	v39 =	vld.idx.msk [tilespmem:v57+s2+$0x0], $0xffff;
	v2 =	vmul.f32 v33, v58;
	v21 =	vmul.f32 v33, v21  }
0x111: {  	[tilespmem:$0x1FFB0] =	vst v0;
	v1 =	vld.idx.msk [tilespmem:v43+s2+$0x0], $0xffff;
	v31 =	vmul.f32 v33, v31;
	v28 =	vmul.f32 v33, v28  }
0x112: {  	v0 =	vld.idx.msk [tilespmem:v44+s2+$0x0], $0xffff;
	v25 =	vmul.f32 v33, v25;
	v15 =	vmul.f32 v33, v15;
	v26 =	vadd.f32 v26, v32  }
0x113: {  	v12 =	vmul.f32 v33, v12;
	v23 =	vadd.f32 v23, v2;
	v29 =	vadd.f32 v29, v40  }
0x114: {  	v3 =	vmul.f32 v33, v3;
	v27 =	vadd.f32 v36, v27;
	v21 =	vadd.f32 v24, v21  }
0x115: {  	v22 =	vadd.f32 v22, v31;
	v45 =	vsub.f32 v61, v38;
	v26 =	vmul.f32 $3.162277640e-01, v26  }
0x116: {  	v24 =	vmul.f32 $3.162277640e-01, v29;
	v27 =	vmul.f32 $3.162277640e-01, v27;
	v31 =	vsub.f32 v39, v1  }
0x117: {  	v29 =	vsub.f32 v62, v0;
	v32 =	vmul.f32 v45, v45;
	v26 =	vmax.f32 v26, $0.0e+00  }
0x118: {  	v31 =	vmul.f32 v31, v31;
	v27 =	vmax.f32 v27, $0.0e+00;
	v26 =	vmul.f32 $1.414213540e+00, v26  }
0x119: {  	v18 =	vadd.f32 v18, v28;
	v23 =	vmul.f32 $3.162277640e-01, v23;
	v47 =	vmul.f32 $1.414213540e+00, v27  }
0x11a: {  	v27 =	vmul.f32 v29, v29;
	v31 =	vadd.f32 v31, v32;
	v46 =	vshrl.u32 v26, $0x10  }
0x11b: {  	v23 =	vmax.f32 v23, $0.0e+00;
	v24 =	vmax.f32 v24, $0.0e+00;
	v35 =	vand.u32 $0x1, v46  }
0x11c: {  	v23 =	vmul.f32 $1.414213540e+00, v23;
	v49 =	vadd.f32 v27, v31;
	v26 =	vadd.s32 v35, v26  }
0x11d: {  	v29 =	vadd.f32 v34, v25;
	v24 =	vmul.f32 $1.414213540e+00, v24;
	v25 =	vadd.s32 $0x7FFF, v26  }
0x11e: {  	v26 =	vshrl.u32 v23, $0x10;
	v27 =	vshra.s32 v49, $0x1;
	v31 =	vmul.f32 $5.000000000e-01, v49  }
0x11f: {  	v15 =	vadd.f32 v17, v15;
	v26 =	vand.u32 $0x1, v26;
	v28 =	vsub.s32 $0x5F3759DF, v27  }
0x120: {  	v23 =	vadd.s32 v26, v23;
	v26 =	vshrl.u32 v24, $0x10;
	v27 =	vmul.f32 v28, v31  }
0x121: {  	v21 =	vmul.f32 $3.162277640e-01, v21;
	v23 =	vadd.s32 $0x7FFF, v23;
	v50 =	vand.u32 $0x1, v26  }
0x122: {  	v26 =	vand.u32 $0xFFFF0000, v23;
	v23 =	vadd.s32 v50, v24;
	v24 =	vmul.f32 v28, v27  }
0x123: {  	v12 =	vadd.f32 v19, v12;
	v22 =	vmul.f32 $3.162277640e-01, v22;
	v23 =	vadd.s32 $0x7FFF, v23  }
0x124: {  	v21 =	vmax.f32 v21, $0.0e+00;
	v27 =	vand.u32 $0xFFFF0000, v23;
	v23 =	vsub.f32 $1.500000000e+00, v24  }
0x125: {  	v3 =	vadd.f32 v13, v3;
	v18 =	vmul.f32 $3.162277640e-01, v18;
	v21 =	vmul.f32 $1.414213540e+00, v21  }
0x126: {  	v15 =	vmul.f32 $3.162277640e-01, v15;
	v22 =	vmax.f32 v22, $0.0e+00;
	v23 =	vmul.f32 v28, v23  }
0x127: {  	v18 =	vmax.f32 v18, $0.0e+00;
	v22 =	vmul.f32 $1.414213540e+00, v22;
	v24 =	vshrl.u32 v21, $0x10  }
0x128: {  	v18 =	vmul.f32 $1.414213540e+00, v18;
	v24 =	vand.u32 $0x1, v24;
	v51 =	vmul.f32 v23, v31  }
0x129: {  	v30 =	vld.idx.msk [tilespmem:v30+s10+$0x0], $0xffff;
	v48 =	vshrl.u32 v47, $0x10;
	v21 =	vadd.s32 v24, v21;
	v24 =	vshrl.u32 v22, $0x10  }
0x12a: {  	[tilespmem:$0x1FFC0] =	vst v60;
	v60 =	vld.idx.msk [tilespmem:v4+s10+$0x0], $0xffff;
	v21 =	vadd.s32 $0x7FFF, v21;
	v24 =	vand.u32 $0x1, v24;
	v52 =	vmul.f32 v51, v23  }
0x12b: {  	v32 =	vand.u32 $0x1, v48;
	v28 =	vand.u32 $0xFFFF0000, v21;
	v21 =	vadd.s32 v24, v22  }
0x12c: {  	v22 =	vadd.s32 v32, v47;
	v24 =	vshrl.u32 v18, $0x10;
	v32 =	vsub.f32 $1.500000000e+00, v52  }
0x12d: {  	v12 =	vmul.f32 $3.162277640e-01, v12;
	v24 =	vand.u32 $0x1, v24;
	v22 =	vadd.s32 $0x7FFF, v22  }
0x12e: {  	v34 =	vand.u32 $0xFFFF0000, v22;
	v22 =	vmul.f32 v33, v30;
	v23 =	vmul.f32 v32, v23  }
0x12f: {  	v60 =	vmul.f32 v11, v60;
	v18 =	vadd.s32 v24, v18;
	v24 =	vmul.f32 $3.162277640e-01, v29  }
0x130: {  	v18 =	vadd.s32 $0x7FFF, v18;
	v20 =	vadd.f32 v20, v22;
	v22 =	vmul.f32 v23, v31  }
0x131: {  	v53 =	vld [tilespmem:$0x1FFD0];
	v3 =	vmul.f32 $3.162277640e-01, v3;
	v29 =	vand.u32 $0xFFFF0000, v18;
	v18 =	vmax.f32 v24, $0.0e+00  }
0x132: {  	v61 =	vld.idx.msk [tilespmem:v63+s10+$0x0], $0xffff;
	v18 =	vmul.f32 $1.414213540e+00, v18;
	v17 =	vmul.f32 v22, v23  }
0x133: {  	v15 =	vmax.f32 v15, $0.0e+00;
	v12 =	vmax.f32 v12, $0.0e+00;
	v3 =	vmax.f32 v3, $0.0e+00  }
0x134: {  	v62 =	vld.idx.msk [tilespmem:v5+s10+$0x0], $0xffff;
	v38 =	vmul.f32 $1.414213540e+00, v15;
	v30 =	vshrl.u32 v18, $0x10;
	v17 =	vsub.f32 $1.500000000e+00, v17  }
0x135: {  	v44 =	vmul.f32 $1.414213540e+00, v12;
	v20 =	vmul.f32 $3.162277640e-01, v20;
	v30 =	vand.u32 $0x1, v30  }
0x136: {  	v3 =	vmul.f32 $1.414213540e+00, v3;
	v18 =	vadd.s32 v30, v18;
	v17 =	vmul.f32 v17, v23  }
0x137: {  	v61 =	vmul.f32 v33, v61;
	v19 =	vmax.f32 v20, $0.0e+00;
	v18 =	vadd.s32 $0x7FFF, v18  }
0x138: {  	v1 =	vld [tilespmem:$0x1FFE0];
	v31 =	vand.u32 $0xFFFF0000, v18;
	v18 =	vmul.f32 $1.414213540e+00, v19;
	v17 =	vmul.f32 v17, v49  }
0x139: {  	v0 =	vld.idx.msk [tilespmem:v53+s10+$0x0], $0xffff;
	v10 =	vmul.f32 v33, v62;
	v14 =	vadd.f32 v14, v61;
	v24 =	vmov s25  }
0x13a: {  	v19 =	vshll.u32 v24, $0x4;
	v20 =	vshrl.u32 v18, $0x10;
	v17 =	vmul.f32 $5.500000000e+00, v17  }
0x13b: {  	v60 =	vadd.f32 v60, v10;
	v46 =	vor.u32 v59, v19;
	v15 =	vand.u32 $0x1, v20  }
0x13c: {  	v15 =	vadd.s32 v15, v18;
	v18 =	vor.u32 $0xA, v46;
	v12 =	vtrunc.f32 v17  }
0x13d: {  	v14 =	vmul.f32 $3.162277640e-01, v14;
	v35 =	vcvt.f32.s32 v12  }
0x13e: {  	v0 =	vmul.f32 v33, v0;
	v25 =	vand.u32 $0xFFFF0000, v25;
	v60 =	vmul.f32 $3.162277640e-01, v60  }
0x13f: {  	v14 =	vmax.f32 v14, $0.0e+00;
	v15 =	vadd.s32 $0x7FFF, v15;
	v12 =	vcvt.s32.f32 v35  }
0x140: {  	v2 =	vld.idx.msk [tilespmem:v1+s10+$0x0], $0xffff;
	v32 =	vand.u32 $0xFFFF0000, v15;
	v37 =	vadd.s32 $0xFFFFFFFF, v35;
	vm0 =	vgt.s32 v35, $0x0  }
0x141: {  	v15 =	vld.idx.msk [tilespmem:v18+s13+$0x0], $0xffff;
	vm1 =	vgt.s32 v37, $0x0;
	v18 =	vnsel vm0, $0x0, v35;
	v12 =	vsub.f32 v17, v12  }
0x142: {  	v14 =	vmul.f32 $1.414213540e+00, v14;
	v17 =	vnsel vm1, $0x0, v37;
	v18 =	vmin.u32 v18, $0x9  }
0x143: {  	v17 =	vmin.u32 v17, $0x9;
	v4 =	vshll.u32 v18, $0x4;
	v18 =	vmul.f32 v12, v12  }
0x144: {  	v21 =	vadd.s32 $0x7FFF, v21;
	v19 =	vsub.f32 $2.000000000e+00, v12;
	v17 =	vshll.u32 v17, $0x4  }
0x145: {  	v8 =	vor.u32 $0x2, v17;
	v39 =	vor.u32 $0x5, v17;
	v5 =	vmovc v17;
	v17 =	vsub.f32 $1.000000000e+00, v18  }
0x146: {  	v2 =	vmul.f32 v33, v2;
	v21 =	vand.u32 $0xFFFF0000, v21;
	v12 =	vmul.f32 v19, v12  }
0x147: {  	v40 =	vor.u32 $0xB, v46;
	v30 =	vor.u32 $0x7, v46;
	(erf) = vrcp.f32 v17  }
0x148: {  	v58 =	vor.u32 $0x1, v46;
	v52 =	vor.u32 $0x8, v46;
	(erf) = vrcp.f32 v12  }
0x149: {  	v54 =	vor.u32 $0x6, v46;
	v51 =	vor.u32 $0x9, v46;
	v59 =	vor.u32 $0x2, v46  }
0x14a: {  	v48 =	vor.u32 $0xC, v46;
	v56 =	vor.u32 $0x3, v46;
	v55 =	vor.u32 $0x4, v46  }
0x14b: {  	v43 =	vor.u32 $0xD, v46;
	v41 =	vor.u32 $0xE, v46;
	v57 =	vor.u32 $0x5, v46  }
0x14c: {  	v63 =	vld.idx.msk [tilespmem:v9+s10+$0x0], $0xffff;
	v49 =	vshrl.u32 v38, $0x10;
	vm2 =	vlt.s32 v35, $0xA;
	v53 =	vmul.f32 v21, v15  }
0x14d: {  	v16 =	vld.idx.msk [tilespmem:v16+s10+$0x0], $0xffff;
	vm1 =	vlt.u32 v37, $0xA;
	v42 =	vor.u32 $0x5, v4;
	v36 =	vor.u32 $0x6, v4  }
0x14e: {  	v22 =	vor.u32 $0xA, v4;
	v23 =	vor.u32 $0x7, v4;
	v24 =	vor.u32 $0x9, v4  }
0x14f: {  	v9 =	vor.u32 $0x1, v4;
	v35 =	vor.u32 $0xF, v4;
	v1 =	vor.u32 $0x1, v5  }
0x150: {  	v47 =	vor.u32 $0x6, v5;
	v19 =	vor.u32 $0x8, v4;
	[tilespmem:$0x1FFD0] =	vst v1;
	v1 =	vor.u32 $0x3, v5;
	v33 =	vpop (erf)  }
0x151: {  	v20 =	vor.u32 $0x7, v5;
	v21 =	vor.u32 $0x9, v5;
	[tilespmem:$0x1FFE0] =	vst v1;
	v1 =	vmul.f32 v11, v63;
	v62 =	vpop (erf)  }
0x152: {  	v45 =	vor.u32 $0xA, v5;
	v11 =	vmul.f32 v11, v16;
	v13 =	vmul.f32 $-2.000000000e+00, v62  }
0x153: {  	v50 =	vor.u32 $0xB, v5;
	v18 =	vor.u32 $0xB, v4;
	v0 =	vadd.f32 v1, v0  }
0x154: {  	v15 =	vor.u32 $0xE, v5;
	v2 =	vadd.f32 v11, v2;
	v13 =	vmax.f32 v13, $-8.700000000e+01  }
0x155: {  	v16 =	vmax.f32 v60, $0.0e+00;
	v0 =	vmul.f32 $3.162277640e-01, v0;
	v61 =	vmul.f32 $1.442695020e+00, v13  }
0x156: {  	v10 =	vor.u32 $0x4, v5;
	v16 =	vmul.f32 $1.414213540e+00, v16;
	v2 =	vmul.f32 $3.162277640e-01, v2  }
0x157: {  	vm0 =	vgt.f32 v12, $0.0e+00;
	v0 =	vmax.f32 v0, $0.0e+00;
	v61 =	vadd.f32 $-5.000000000e-01, v61  }
0x158: {  	v1 =	vshrl.u32 v16, $0x10;
	v2 =	vmax.f32 v2, $0.0e+00;
	v0 =	vmul.f32 $1.414213540e+00, v0  }
0x159: {  	v63 =	vand.u32 $0x1, v1;
	v2 =	vmul.f32 $1.414213540e+00, v2;
	v62 =	vld.idx.msk [tilespmem:v46+s13+$0x0], $0xffff;
	v11 =	vtrunc.f32 v61  }
0x15a: {  	v17 =	vor.u32 $0xE, v4;
	v16 =	vadd.s32 v63, v16;
	v11 =	vcvt.f32.s32 v11  }
0x15b: {  	v16 =	vadd.s32 $0x7FFF, v16;
	v63 =	vshrl.u32 v0, $0x10;
	v6 =	vshrl.u32 v2, $0x10  }
0x15c: {  	v58 =	vld.idx.msk [tilespmem:v58+s13+$0x0], $0xffff;
	v33 =	vmul.f32 $-2.000000000e+00, v33;
	v1 =	vand.u32 $0x1, v63;
	v61 =	vcvt.s32.f32 v11  }
0x15d: {  	v16 =	vand.u32 $0xFFFF0000, v16;
	v6 =	vand.u32 $0x1, v6;
	v0 =	vadd.s32 v1, v0  }
0x15e: {  	v60 =	vmax.f32 v33, $-8.700000000e+01;
	v16 =	vmul.f32 v16, v62;
	v62 =	vmul.f32 $6.931471820e-01, v61  }
0x15f: {  	v1 =	vshrl.u32 v14, $0x10;
	v0 =	vadd.s32 $0x7FFF, v0;
	v33 =	vmul.f32 $1.442695020e+00, v60  }
0x160: {  	v0 =	vand.u32 $0xFFFF0000, v0;
	v61 =	vmul.f32 $1.904654210e-09, v61;
	v13 =	vsub.f32 v13, v62  }
0x161: {  	v59 =	vld.idx.msk [tilespmem:v59+s13+$0x0], $0xffff;
	v2 =	vadd.s32 v6, v2;
	v0 =	vmul.f32 v0, v58;
	v33 =	vadd.f32 $-5.000000000e-01, v33  }
0x162: {  	v62 =	vand.u32 $0x1, v1;
	v1 =	vshrl.u32 v3, $0x10;
	v61 =	vadd.f32 v61, v13  }
0x163: {  	v16 =	vadd.f32 $0.0e+00, v16;
	v1 =	vand.u32 $0x1, v1;
	v13 =	vadd.s32 v62, v14;
	v14 =	vld.idx.msk [tilespmem:v56+s13+$0x0], $0xffff  }
0x164: {  	v1 =	vadd.s32 v1, v3;
	v13 =	vadd.s32 $0x7FFF, v13;
	v3 =	vmul.f32 $8.333333770e-03, v61  }
0x165: {  	v55 =	vld.idx.msk [tilespmem:v55+s13+$0x0], $0xffff;
	v2 =	vadd.s32 $0x7FFF, v2;
	v33 =	vtrunc.f32 v33;
	v13 =	vand.u32 $0xFFFF0000, v13  }
0x166: {  	v0 =	vadd.f32 v16, v0;
	v13 =	vmul.f32 v13, v59;
	v3 =	vadd.f32 $4.166666790e-02, v3  }
0x167: {  	v6 =	vld.idx.msk [tilespmem:v57+s13+$0x0], $0xffff;
	v2 =	vand.u32 $0xFFFF0000, v2;
	v63 =	vcvt.f32.s32 v33;
	v1 =	vadd.s32 $0x7FFF, v1  }
0x168: {  	v0 =	vadd.f32 v0, v13;
	v2 =	vmul.f32 v2, v14;
	v3 =	vmul.f32 v3, v61  }
0x169: {  	v54 =	vld.idx.msk [tilespmem:v54+s13+$0x0], $0xffff;
	v12 =	vor.u32 $0xF, v5;
	v56 =	vcvt.s32.f32 v63;
	v1 =	vand.u32 $0xFFFF0000, v1  }
0x16a: {  	v1 =	vmul.f32 v1, v55;
	v0 =	vadd.f32 v0, v2;
	v3 =	vadd.f32 $1.666666570e-01, v3  }
0x16b: {  	vm0 =	vmand vm2, vm0;
	v57 =	vor.u32 $0xC, v5;
	v55 =	vmul.f32 $6.931471820e-01, v56;
	v2 =	vld.idx.msk [tilespmem:v30+s13+$0x0], $0xffff  }
0x16c: {  	v58 =	vmul.f32 v25, v6;
	v0 =	vadd.f32 v0, v1;
	v3 =	vmul.f32 v3, v61  }
0x16d: {  	v46 =	vor.u32 $0xF, v46;
	v6 =	vld.idx.msk [tilespmem:v52+s13+$0x0], $0xffff;
	v56 =	vmul.f32 $1.904654210e-09, v56;
	v25 =	vsub.f32 v60, v55  }
0x16e: {  	v0 =	vadd.f32 v0, v58;
	v58 =	vmul.f32 v34, v54;
	v3 =	vadd.f32 $5.000000000e-01, v3  }
0x16f: {  	v33 =	vshll.u32 v63, $0x17;
	v16 =	vor.u32 $0x3, v4;
	v54 =	vld.idx.msk [tilespmem:v51+s13+$0x0], $0xffff;
	v51 =	vadd.f32 v56, v25  }
0x170: {  	v56 =	vmul.f32 v26, v2;
	v0 =	vadd.f32 v0, v58;
	v3 =	vmul.f32 v3, v61  }
0x171: {  	v11 =	vshll.u32 v11, $0x17;
	v25 =	vand.u32 $0x1, v49;
	v58 =	vmul.f32 $8.333333770e-03, v51  }
0x172: {  	v36 =	vld.idx.msk [tilespmem:v36+s10+$0x0], $0xffff;
	v49 =	vmul.f32 v27, v6;
	v0 =	vadd.f32 v0, v56;
	v3 =	vadd.f32 $1.000000000e+00, v3  }
0x173: {  	v55 =	vshrl.u32 v44, $0x10;
	v6 =	vld.idx.msk [tilespmem:v40+s13+$0x0], $0xffff;
	v25 =	vadd.s32 v25, v38;
	v2 =	vadd.f32 $4.166666790e-02, v58  }
0x174: {  	v62 =	vld [tilespmem:$0x1FFB0];
	v54 =	vmul.f32 v28, v54;
	v0 =	vadd.f32 v0, v49;
	v3 =	vmul.f32 v3, v61  }
0x175: {  	v27 =	vld.idx.msk [tilespmem:v48+s13+$0x0], $0xffff;
	v26 =	vand.u32 $0x1, v55;
	v52 =	vadd.s32 $0x7FFF, v25;
	v2 =	vmul.f32 v2, v51  }
0x176: {  	v59 =	vld [tilespmem:$0x1FFF0];
	v25 =	vadd.s32 v26, v44;
	v0 =	vadd.f32 v0, v54;
	v3 =	vadd.f32 $1.000000000e+00, v3  }
0x177: {  	v11 =	vadd.s32 $0x3F800000, v11;
	v55 =	vld.idx.msk [tilespmem:v43+s13+$0x0], $0xffff;
	v25 =	vadd.s32 $0x7FFF, v25;
	v2 =	vadd.f32 $1.666666570e-01, v2  }
0x178: {  	v26 =	vld.idx.msk [tilespmem:v46+s13+$0x0], $0xffff;
	v6 =	vmul.f32 v29, v6;
	v0 =	vadd.f32 v0, v53;
	v3 =	vmul.f32 v11, v3  }
0x179: {  	v56 =	vor.u32 $0xD, v4;
	v28 =	vand.u32 $0xFFFF0000, v25;
	v25 =	vld.idx.msk [tilespmem:v57+s10+$0x0], $0xffff;
	v2 =	vmul.f32 v2, v51  }
0x17a: {  	v31 =	vmul.f32 v31, v27;
	v11 =	vld.idx.msk [tilespmem:v41+s13+$0x0], $0xffff;
	v0 =	vadd.f32 v0, v6;
	v3 =	vmul.f32 $2.666930010e+01, v3  }
0x17b: {  	v13 =	vor.u32 $0x4, v4;
	v14 =	vor.u32 $0x2, v4;
	v27 =	vld.idx.msk [tilespmem:v47+s10+$0x0], $0xffff;
	v2 =	vadd.f32 $5.000000000e-01, v2  }
0x17c: {  	p0 =	sne.s32 s26, $0x70;
	v29 =	vld.idx.msk [tilespmem:v42+s10+$0x0], $0xffff;
	v1 =	vmul.f32 v32, v55;
	v0 =	vadd.f32 v0, v31;
	v3 =	vnsel vm0, $0x0, v3  }
.Ltmp0:
0x17d: {  	v32 =	vld.idx.msk [tilespmem:v39+s10+$0x0], $0xffff;
	v38 =	vmul.f32 v28, v26;
	v2 =	vmul.f32 v2, v51;
	v6 =	vshrl.u32 v3, $0x10;
	(pc) =	sbr.rel @p0 .LBB2_3-.Ltmp0, $4  }
0x17e: {  	v61 =	vld [tilespmem:$0x1FFC0];
	v28 =	vand.u32 $0xFFFF0000, v52;
	v0 =	vadd.f32 v0, v1;
	v6 =	vand.u32 $0x1, v6  }
0x17f: {  	v26 =	vld.idx.msk [tilespmem:v56+s10+$0x0], $0xffff;
	v58 =	vmul.f32 v28, v11;
	v2 =	vadd.f32 $1.000000000e+00, v2;
	v3 =	vadd.s32 v6, v3  }
0x180: {  	s30 =	smov.u32 s26;
	s26 =	sadd.s32 $0x10, s26;
	v63 =	vmovc v8;
	v30 =	vor.u32 $0xD, v5;
	v34 =	vor.u32 $0xC, v4;
	v31 =	vld.idx.msk [tilespmem:v45+s10+$0x0], $0xffff;
	v3 =	vadd.s32 $0x7FFF, v3  }
0x181: {  	s28 =	sadd.s32 $0x10, s28;
	s29 =	sadd.s32 $0x10, s29;
	s25 =	smov.u32 s30;
	v60 =	vmovc v7;
	v28 =	vld.idx.msk [tilespmem:v50+s10+$0x0], $0xffff;
	v47 =	vadd.f32 v0, v58;
	v48 =	vmul.f32 v2, v51;
	v11 =	vand.u32 $0xFFFF0000, v3  }
0x182: {  	_ =	sdelay $0x3  }
0x183: {  	v0 =	vld.idx.msk [tilespmem:v34+s10+$0x0], $0xffff  }
0x184: {  	v34 =	vld.idx.msk [tilespmem:v35+s10+$0x0], $0xffff  }
0x185: {  	v3 =	vld.idx.msk [tilespmem:v22+s10+$0x0], $0xffff  }
0x186: {  	v49 =	vld.idx.msk [tilespmem:v24+s10+$0x0], $0xffff  }
0x187: {  	v2 =	vld.idx.msk [tilespmem:v23+s10+$0x0], $0xffff  }
0x188: {  	v50 =	vld.idx.msk [tilespmem:v19+s10+$0x0], $0xffff  }
0x189: {  	v51 =	vld.idx.msk [tilespmem:v20+s10+$0x0], $0xffff  }
0x18a: {  	v45 =	vld.idx.msk [tilespmem:v4+s10+$0x0], $0xffff  }
0x18b: {  	v4 =	vld [tilespmem:$0x1FFD0]  }
0x18c: {  	v52 =	vld.idx.msk [tilespmem:v21+s10+$0x0], $0xffff  }
0x18d: {  	v53 =	vld.idx.msk [tilespmem:v18+s10+$0x0], $0xffff  }
0x18e: {  	v37 =	vld.idx.msk [tilespmem:v30+s10+$0x0], $0xffff  }
0x18f: {  	v35 =	vld.idx.msk [tilespmem:v17+s10+$0x0], $0xffff  }
0x190: {  	v17 =	vld.idx.msk [tilespmem:v15+s10+$0x0], $0xffff  }
0x191: {  	v15 =	vld.idx.msk [tilespmem:v12+s10+$0x0], $0xffff  }
0x192: {  	v30 =	vld.idx.msk [tilespmem:v63+s10+$0x0], $0xffff  }
0x193: {  	v44 =	vld.idx.msk [tilespmem:v4+s10+$0x0], $0xffff  }
0x194: {  	v4 =	vld [tilespmem:$0x1FFE0]  }
0x195: {  	v46 =	vld.idx.msk [tilespmem:v5+s10+$0x0], $0xffff  }
0x196: {  	v1 =	vor.u32 $0x8, v5;
	v6 =	vmov s25;
	v42 =	vld.idx.msk [tilespmem:v9+s10+$0x0], $0xffff  }
0x197: {  	v40 =	vld.idx.msk [tilespmem:v10+s10+$0x0], $0xffff;
	v6 =	vshll.u32 v6, $0x4  }
0x198: {  	v41 =	vld.idx.msk [tilespmem:v13+s10+$0x0], $0xffff;
	v6 =	vor.u32 v59, v6  }
0x199: {  	v43 =	vld.idx.msk [tilespmem:v14+s10+$0x0], $0xffff;
	v18 =	vor.u32 $0xA, v6  }
0x19a: {  	v39 =	vld.idx.msk [tilespmem:v16+s10+$0x0], $0xffff;
	v5 =	vor.u32 $0x2, v6  }
0x19b: {  	v7 =	vor.u32 $0x3, v6;
	v1 =	vld.idx.msk [tilespmem:v1+s10+$0x0], $0xffff  }
0x19c: {  	v24 =	vld.idx.msk [tilespmem:v4+s10+$0x0], $0xffff;
	v4 =	vor.u32 $0x1, v6  }
0x19d: {  	v8 =	vor.u32 $0x4, v6;
	v23 =	vld.idx.msk [tilespmem:v6+s13+$0x0], $0xffff  }
0x19e: {  	v9 =	vor.u32 $0x5, v6;
	v12 =	vld.idx.msk [tilespmem:v18+s13+$0x0], $0xffff  }
0x19f: {  	v10 =	vor.u32 $0x6, v6;
	v20 =	vld.idx.msk [tilespmem:v5+s13+$0x0], $0xffff  }
0x1a0: {  	v5 =	vor.u32 $0x8, v6;
	v19 =	vld.idx.msk [tilespmem:v7+s13+$0x0], $0xffff  }
0x1a1: {  	v21 =	vld.idx.msk [tilespmem:v4+s13+$0x0], $0xffff;
	v4 =	vor.u32 $0x7, v6  }
0x1a2: {  	v7 =	vor.u32 $0x9, v6;
	v18 =	vld.idx.msk [tilespmem:v8+s13+$0x0], $0xffff  }
0x1a3: {  	v8 =	vor.u32 $0xB, v6;
	v16 =	vld.idx.msk [tilespmem:v9+s13+$0x0], $0xffff  }
0x1a4: {  	v22 =	vor.u32 $0xC, v6;
	v14 =	vld.idx.msk [tilespmem:v10+s13+$0x0], $0xffff  }
0x1a5: {  	v54 =	vor.u32 $0xD, v6;
	v10 =	vld.idx.msk [tilespmem:v5+s13+$0x0], $0xffff  }
0x1a6: {  	v13 =	vld.idx.msk [tilespmem:v4+s13+$0x0], $0xffff;
	v4 =	vor.u32 $0xF, v6  }
0x1a7: {  	v9 =	vld.idx.msk [tilespmem:v7+s13+$0x0], $0xffff;
	v6 =	vor.u32 $0xE, v6  }
0x1a8: {  	s30 =	sshll.u32 s24, $0x1;
	v8 =	vld.idx.msk [tilespmem:v8+s13+$0x0], $0xffff  }
0x1a9: {  	s25 =	smin.u32 s30, $0x25;
	v7 =	vld.idx.msk [tilespmem:v22+s13+$0x0], $0xffff  }
0x1aa: {  	s25 =	sshll.u32 s25, $0x7;
	v5 =	vld.idx.msk [tilespmem:v54+s13+$0x0], $0xffff  }
0x1ab: {  	s25 =	sadd.s32 $0x7630, s25;
	v4 =	vld.idx.msk [tilespmem:v4+s13+$0x0], $0xffff  }
0x1ac: {  	v6 =	vld.idx.msk [tilespmem:v6+s13+$0x0], $0xffff;
	[tilespmem:s13], [sflag:$0x1] =	stream.indirect.gather [hbm4b:s4+s12], $0x10, s25, s12, $0xb8  }
0x1ad: {  	_ =	swait.ge [sflag:s16], $0x800  }
0x1ae: {  	[sflag:s16] =	ssyncset.done $0x0  }
0x1af: {  	[sflag:s16] =	ssyncadd.s32 $0xFFFFF800  }
0x1b0: {  	v22 =	vld [tilespmem:s22+$0x0]  }
0x1b1: {  	v48 =	vadd.f32 $1.000000000e+00, v48  }
0x1b2: {  	v33 =	vadd.s32 $0x3F800000, v33  }
0x1b3: {  	v29 =	vmul.f32 v11, v29;
	v33 =	vmul.f32 v33, v48  }
0x1b4: {  	v36 =	vmul.f32 v11, v36;
	v26 =	vmul.f32 v11, v26  }
0x1b5: {  	v33 =	vmul.f32 $2.666930010e+01, v33;
	v0 =	vmul.f32 v11, v0;
	v22 =	vmul.u32 $0x3, v22  }
0x1b6: {  	v49 =	vmul.f32 v11, v49;
	v3 =	vmul.f32 v11, v3;
	v58 =	vld [tilespmem:s23+$0x0]  }
0x1b7: {  	v45 =	vmul.f32 v11, v45;
	v34 =	vmul.f32 v11, v34;
	v33 =	vnsel vm1, $0x0, v33  }
0x1b8: {  	v42 =	vmul.f32 v11, v42;
	v35 =	vmul.f32 v11, v35;
	v56 =	vshrl.u32 v33, $0x10  }
0x1b9: {  	v41 =	vmul.f32 v11, v41;
	v56 =	vand.u32 $0x1, v56;
	v63 =	vadd.s32 $0x1, v22  }
0x1ba: {  	v43 =	vmul.f32 v11, v43;
	v33 =	vadd.s32 v56, v33;
	v54 =	vmul.f32 v11, v2  }
0x1bb: {  	v48 =	vmul.u32 $0x3, v58;
	v57 =	vadd.s32 $0x2, v22;
	v58 =	vld.idx.msk [tilespmem:v22+s2+$0x0], $0xffff;
	v22 =	vadd.s32 $0x7FFF, v33  }
0x1bc: {  	v2 =	vadd.f32 v47, v38;
	v38 =	vmul.f32 v11, v50;
	v22 =	vand.u32 $0xFFFF0000, v22  }
0x1bd: {  	v55 =	vadd.s32 $0x1, v48;
	v32 =	vmul.f32 v22, v32;
	v1 =	vmul.f32 v22, v1  }
0x1be: {  	v33 =	vld.idx.msk [tilespmem:v63+s2+$0x0], $0xffff;
	v63 =	vmul.f32 v22, v51;
	v27 =	vmul.f32 v22, v27  }
0x1bf: {  	v56 =	vadd.s32 $0x2, v48;
	v51 =	vmul.f32 v22, v52;
	v31 =	vmul.f32 v22, v31  }
0x1c0: {  	v28 =	vmul.f32 v22, v28;
	v25 =	vmul.f32 v22, v25  }
0x1c1: {  	v2 =	vsub.f32 v2, v61;
	v47 =	vld.idx.msk [tilespmem:v48+s2+$0x0], $0xffff;
	v46 =	vmul.f32 v22, v46;
	v44 =	vmul.f32 v22, v44  }
0x1c2: {  	v55 =	vld.idx.msk [tilespmem:v55+s2+$0x0], $0xffff;
	v37 =	vmul.f32 v22, v37;
	v40 =	vmul.f32 v22, v40;
	v29 =	vadd.f32 v29, v32  }
0x1c3: {  	v57 =	vld.idx.msk [tilespmem:v57+s2+$0x0], $0xffff;
	v30 =	vmul.f32 v22, v30;
	v48 =	vadd.f32 v54, v63;
	v1 =	vadd.f32 v38, v1  }
0x1c4: {  	v61 =	vld.idx.msk [tilespmem:v56+s2+$0x0], $0xffff;
	v24 =	vmul.f32 v22, v24;
	v27 =	vadd.f32 v36, v27;
	v36 =	vadd.f32 v49, v51  }
0x1c5: {  	v17 =	vmul.f32 v22, v17;
	v3 =	vadd.f32 v3, v31;
	v0 =	vadd.f32 v0, v25  }
0x1c6: {  	v15 =	vmul.f32 v22, v15;
	v42 =	vadd.f32 v42, v44;
	v49 =	vadd.f32 v41, v40  }
0x1c7: {  	v63 =	vsub.f32 v58, v47;
	v29 =	vmul.f32 $3.162277640e-01, v29;
	v52 =	vmul.f32 $3.162277640e-01, v48  }
0x1c8: {  	v33 =	vsub.f32 v33, v55;
	v1 =	vmul.f32 $3.162277640e-01, v1;
	v27 =	vmul.f32 $3.162277640e-01, v27  }
0x1c9: {  	v32 =	vsub.f32 v57, v61;
	v57 =	vmul.f32 v11, v53;
	v25 =	vmul.f32 $3.162277640e-01, v36  }
0x1ca: {  	v30 =	vadd.f32 v43, v30;
	v3 =	vmul.f32 $3.162277640e-01, v3;
	v11 =	vmul.f32 v11, v39  }
0x1cb: {  	v17 =	vadd.f32 v35, v17;
	v38 =	vmul.f32 v63, v63;
	v33 =	vmul.f32 v33, v33  }
0x1cc: {  	v15 =	vadd.f32 v34, v15;
	v30 =	vmul.f32 $3.162277640e-01, v30;
	v0 =	vmul.f32 $3.162277640e-01, v0  }
0x1cd: {  	v51 =	vmul.f32 $3.162277640e-01, v49;
	v32 =	vmul.f32 v32, v32;
	v33 =	vadd.f32 v33, v38  }
0x1ce: {  	v26 =	vadd.f32 v26, v37;
	v17 =	vmul.f32 $3.162277640e-01, v17;
	v15 =	vmul.f32 $3.162277640e-01, v15  }
0x1cf: {  	v29 =	vmax.f32 v29, $0.0e+00;
	v54 =	vmax.f32 v52, $0.0e+00;
	v31 =	vadd.f32 v32, v33  }
0x1d0: {  	v1 =	vmax.f32 v1, $0.0e+00;
	v27 =	vmax.f32 v27, $0.0e+00;
	v28 =	vadd.f32 v57, v28  }
0x1d1: {  	v25 =	vmax.f32 v25, $0.0e+00;
	v33 =	vshra.s32 v31, $0x1;
	v38 =	vmul.f32 $5.000000000e-01, v31  }
0x1d2: {  	v3 =	vmax.f32 v3, $0.0e+00;
	v29 =	vmul.f32 $1.414213540e+00, v29;
	v33 =	vsub.s32 $0x5F3759DF, v33  }
0x1d3: {  	v11 =	vadd.f32 v11, v24;
	v27 =	vmul.f32 $1.414213540e+00, v27;
	v56 =	vmul.f32 v33, v38  }
0x1d4: {  	v30 =	vmax.f32 v30, $0.0e+00;
	v1 =	vmul.f32 $1.414213540e+00, v1;
	v25 =	vmul.f32 $1.414213540e+00, v25  }
0x1d5: {  	v0 =	vmax.f32 v0, $0.0e+00;
	v3 =	vmul.f32 $1.414213540e+00, v3;
	v58 =	vmul.f32 v33, v56  }
0x1d6: {  	v17 =	vmax.f32 v17, $0.0e+00;
	v30 =	vmul.f32 $1.414213540e+00, v30;
	v0 =	vmul.f32 $1.414213540e+00, v0  }
0x1d7: {  	v17 =	vmul.f32 $1.414213540e+00, v17;
	v28 =	vmul.f32 $3.162277640e-01, v28;
	v36 =	vsub.f32 $1.500000000e+00, v58  }
0x1d8: {  	v11 =	vmul.f32 $3.162277640e-01, v11;
	v55 =	vshrl.u32 v29, $0x10;
	v52 =	vshrl.u32 v1, $0x10  }
0x1d9: {  	v53 =	vshrl.u32 v25, $0x10;
	v57 =	vshrl.u32 v27, $0x10;
	v33 =	vmul.f32 v33, v36  }
0x1da: {  	v47 =	vand.u32 $0x1, v55;
	v32 =	vmul.f32 $1.414213540e+00, v54;
	v48 =	vand.u32 $0x1, v52  }
0x1db: {  	v54 =	vshrl.u32 v3, $0x10;
	v28 =	vmax.f32 v28, $0.0e+00;
	v55 =	vmul.f32 v33, v38  }
0x1dc: {  	v11 =	vmax.f32 v11, $0.0e+00;
	v29 =	vadd.s32 v47, v29;
	v28 =	vmul.f32 $1.414213540e+00, v28  }
0x1dd: {  	v1 =	vadd.s32 v48, v1;
	v48 =	vmul.f32 $3.162277640e-01, v42;
	v58 =	vmul.f32 v55, v33  }
0x1de: {  	v61 =	vshrl.u32 v32, $0x10;
	v29 =	vadd.s32 $0x7FFF, v29;
	v1 =	vadd.s32 $0x7FFF, v1  }
0x1df: {  	v63 =	vand.u32 $0x1, v61;
	v61 =	vadd.f32 v45, v46;
	v47 =	vsub.f32 $1.500000000e+00, v58  }
0x1e0: {  	v37 =	vmax.f32 v48, $0.0e+00;
	v29 =	vand.u32 $0xFFFF0000, v29;
	v1 =	vand.u32 $0xFFFF0000, v1  }
0x1e1: {  	v32 =	vadd.s32 v63, v32;
	v37 =	vmul.f32 $1.414213540e+00, v37;
	v33 =	vmul.f32 v47, v33  }
0x1e2: {  	v63 =	vshrl.u32 v28, $0x10;
	v16 =	vmul.f32 v29, v16;
	v1 =	vmul.f32 v1, v10  }
0x1e3: {  	v10 =	vmax.f32 v15, $0.0e+00;
	v36 =	vand.u32 $0x1, v53;
	v38 =	vmul.f32 v33, v38  }
0x1e4: {  	v56 =	vand.u32 $0x1, v54;
	v25 =	vadd.s32 v36, v25;
	v36 =	vand.u32 $0x1, v57  }
0x1e5: {  	v27 =	vadd.s32 v36, v27;
	v36 =	vmul.f32 $3.162277640e-01, v61;
	v38 =	vmul.f32 v38, v33  }
0x1e6: {  	v24 =	vshrl.u32 v37, $0x10;
	v54 =	vmul.f32 $1.414213540e+00, v11;
	v3 =	vadd.s32 v56, v3  }
0x1e7: {  	v24 =	vand.u32 $0x1, v24;
	v36 =	vmax.f32 v36, $0.0e+00;
	v38 =	vsub.f32 $1.500000000e+00, v38  }
0x1e8: {  	v24 =	vadd.s32 v24, v37;
	v37 =	vmax.f32 v51, $0.0e+00;
	v36 =	vmul.f32 $1.414213540e+00, v36  }
0x1e9: {  	v24 =	vadd.s32 $0x7FFF, v24;
	v52 =	vmul.f32 $1.414213540e+00, v37;
	v33 =	vmul.f32 v38, v33  }
0x1ea: {  	v24 =	vand.u32 $0xFFFF0000, v24;
	v53 =	vshrl.u32 v30, $0x10;
	v50 =	vshrl.u32 v36, $0x10  }
0x1eb: {  	v37 =	vand.u32 $0x1, v53;
	v40 =	vand.u32 $0x1, v50;
	v31 =	vmul.f32 v33, v31  }
0x1ec: {  	v11 =	vshrl.u32 v52, $0x10;
	v21 =	vmul.f32 v24, v21;
	v36 =	vadd.s32 v40, v36  }
0x1ed: {  	v25 =	vadd.s32 $0x7FFF, v25;
	v36 =	vadd.s32 $0x7FFF, v36;
	v31 =	vmul.f32 $5.500000000e+00, v31  }
0x1ee: {  	v30 =	vadd.s32 v37, v30;
	v11 =	vand.u32 $0x1, v11;
	v36 =	vand.u32 $0xFFFF0000, v36  }
0x1ef: {  	v30 =	vadd.s32 $0x7FFF, v30;
	v36 =	vmul.f32 v36, v23;
	v24 =	vtrunc.f32 v31  }
0x1f0: {  	v55 =	vshrl.u32 v54, $0x10;
	v33 =	vadd.s32 v11, v52;
	v11 =	vcvt.f32.s32 v24  }
0x1f1: {  	v36 =	vadd.f32 $0.0e+00, v36;
	v24 =	vand.u32 $0xFFFF0000, v25;
	v25 =	vand.u32 $0x1, v55  }
0x1f2: {  	v30 =	vand.u32 $0xFFFF0000, v30;
	v25 =	vadd.s32 v25, v54;
	v56 =	vcvt.s32.f32 v11  }
0x1f3: {  	v20 =	vmul.f32 v30, v20;
	v21 =	vadd.f32 v36, v21;
	v25 =	vadd.s32 $0x7FFF, v25  }
0x1f4: {  	v15 =	vshrl.u32 v17, $0x10;
	v25 =	vand.u32 $0xFFFF0000, v25;
	v31 =	vsub.f32 v31, v56  }
0x1f5: {  	v20 =	vadd.f32 v21, v20;
	v30 =	vadd.s32 $0x7FFF, v33;
	v19 =	vmul.f32 v25, v19  }
0x1f6: {  	v25 =	vmul.f32 $3.162277640e-01, v26;
	v26 =	vand.u32 $0xFFFF0000, v30;
	v58 =	vmul.f32 v31, v31  }
0x1f7: {  	v18 =	vmul.f32 v26, v18;
	v21 =	vsub.f32 $2.000000000e+00, v31;
	v19 =	vadd.f32 v20, v19  }
0x1f8: {  	v45 =	vand.u32 $0x1, v63;
	v32 =	vadd.s32 $0x7FFF, v32;
	v30 =	vsub.f32 $1.000000000e+00, v58  }
0x1f9: {  	v27 =	vadd.s32 $0x7FFF, v27;
	v20 =	vmul.f32 v21, v31;
	v18 =	vadd.f32 v19, v18  }
0x1fa: {  	v28 =	vadd.s32 v45, v28;
	v27 =	vand.u32 $0xFFFF0000, v27;
	(erf) = vrcp.f32 v30  }
0x1fb: {  	v14 =	vmul.f32 v27, v14;
	v16 =	vadd.f32 v18, v16;
	(erf) = vrcp.f32 v20  }
0x1fc: {  	v10 =	vmul.f32 $1.414213540e+00, v10;
	v32 =	vand.u32 $0xFFFF0000, v32;
	v28 =	vadd.s32 $0x7FFF, v28  }
0x1fd: {  	v13 =	vmul.f32 v32, v13;
	v3 =	vadd.s32 $0x7FFF, v3;
	v14 =	vadd.f32 v16, v14  }
0x1fe: {  	v28 =	vand.u32 $0xFFFF0000, v28;
	v3 =	vand.u32 $0xFFFF0000, v3;
	v19 =	vmax.f32 v25, $0.0e+00  }
0x1ff: {  	v57 =	vshrl.u32 v0, $0x10;
	v18 =	vmul.f32 $1.414213540e+00, v19;
	v13 =	vadd.f32 v14, v13  }
0x200: {  	v3 =	vmul.f32 v3, v12;
	v12 =	vand.u32 $0x1, v15;
	v37 =	vand.u32 $0x1, v57  }
0x201: {  	v9 =	vmul.f32 v24, v9;
	v16 =	vshrl.u32 v18, $0x10;
	v1 =	vadd.f32 v13, v1  }
0x202: {  	v12 =	vadd.s32 v12, v17;
	v0 =	vadd.s32 v37, v0;
	v16 =	vand.u32 $0x1, v16  }
0x203: {  	v0 =	vadd.s32 $0x7FFF, v0;
	v14 =	vadd.s32 v16, v18;
	v1 =	vadd.f32 v1, v9;
	v13 =	vpop (erf)  }
0x204: {  	v0 =	vand.u32 $0xFFFF0000, v0;
	v16 =	vshrl.u32 v10, $0x10;
	v14 =	vadd.s32 $0x7FFF, v14;
	v15 =	vpop (erf)  }
0x205: {  	v1 =	vadd.f32 v1, v3;
	v3 =	vmul.f32 v28, v8;
	v9 =	vmul.f32 $-2.000000000e+00, v15  }
0x206: {  	v0 =	vmul.f32 v0, v7;
	v14 =	vand.u32 $0xFFFF0000, v14;
	v15 =	vand.u32 $0x1, v16  }
0x207: {  	v10 =	vadd.s32 v15, v10;
	v1 =	vadd.f32 v1, v3;
	v8 =	vmax.f32 v9, $-8.700000000e+01  }
0x208: {  	v9 =	vadd.s32 $0x7FFF, v12;
	v10 =	vadd.s32 $0x7FFF, v10;
	v12 =	vmul.f32 $1.442695020e+00, v8  }
0x209: {  	v7 =	vmul.f32 $-2.000000000e+00, v13;
	v3 =	vand.u32 $0xFFFF0000, v10;
	v0 =	vadd.f32 v1, v0  }
0x20a: {  	v1 =	vmul.f32 v14, v5;
	v5 =	vand.u32 $0xFFFF0000, v9;
	v10 =	vadd.f32 $-5.000000000e-01, v12  }
0x20b: {  	v23 =	vadd.f32 v2, v60;
	v5 =	vmul.f32 v5, v6;
	v6 =	vmax.f32 v7, $-8.700000000e+01  }
0x20c: {  	v0 =	vadd.f32 v0, v1;
	v1 =	vmul.f32 $1.442695020e+00, v6;
	v7 =	vtrunc.f32 v10  }
0x20d: {  	v9 =	vsub.f32 v23, v62;
	v7 =	vcvt.f32.s32 v7  }
0x20e: {  	v3 =	vmul.f32 v3, v4;
	v0 =	vadd.f32 v0, v5;
	v1 =	vadd.f32 $-5.000000000e-01, v1  }
0x20f: {  	v4 =	vcvt.s32.f32 v7  }
0x210: {  	v2 =	vsub.f32 v9, v2;
	v0 =	vadd.f32 v0, v3;
	v1 =	vtrunc.f32 v1  }
0x211: {  	v10 =	vcvt.f32.s32 v1;
	v3 =	vmul.f32 $6.931471820e-01, v4  }
0x212: {  	s29 =	sadd.s32 $0x10, s23;
	v0 =	vsub.f32 v0, v2  }
0x213: {  	v16 =	vld [tilespmem:s29+$0x0];
	v2 =	vsub.f32 v8, v3;
	v3 =	vmul.f32 $1.904654210e-09, v4;
	v4 =	vcvt.s32.f32 v10  }
0x214: {  	v1 =	vadd.f32 v0, v23  }
0x215: {  	v8 =	vadd.f32 v3, v2;
	v2 =	vmul.f32 $6.931471820e-01, v4  }
0x216: {  	s28 =	sadd.s32 $0x10, s22;
	vm0 =	vgt.s32 v11, $0x0;
	v3 =	vsub.f32 v1, v23  }
0x217: {  	v12 =	vld [tilespmem:s28+$0x0];
	v4 =	vmul.f32 $1.904654210e-09, v4;
	v5 =	vmul.f32 $8.333333770e-03, v8;
	v6 =	vsub.f32 v6, v2  }
0x218: {  	v18 =	vmul.u32 $0x3, v16;
	v44 =	vsub.f32 v3, v0;
	v0 =	vadd.s32 $0xFFFFFFFF, v11  }
0x219: {  	vm1 =	vgt.s32 v0, $0x0;
	v3 =	vadd.f32 $4.166666790e-02, v5;
	v14 =	vadd.f32 v4, v6  }
0x21a: {  	v61 =	vadd.s32 $0x2, v18;
	v4 =	vnsel vm0, $0x0, v11;
	v5 =	vnsel vm1, $0x0, v0  }
0x21b: {  	v4 =	vmin.u32 v4, $0x9;
	v3 =	vmul.f32 v3, v8;
	v9 =	vmul.f32 $8.333333770e-03, v14  }
0x21c: {  	v12 =	vmul.u32 $0x3, v12;
	v6 =	vmin.u32 v5, $0x9;
	v5 =	vshll.u32 v4, $0x4  }
0x21d: {  	v4 =	vshll.u32 v6, $0x4;
	v6 =	vadd.f32 $1.666666570e-01, v3;
	v9 =	vadd.f32 $4.166666790e-02, v9  }
0x21e: {  	v29 =	vadd.s32 $0x1, v18;
	v7 =	vshll.u32 v7, $0x17  }
0x21f: {  	v27 =	vadd.s32 $0x1, v12;
	v6 =	vmul.f32 v6, v8;
	v9 =	vmul.f32 v9, v14  }
0x220: {  	v7 =	vadd.s32 $0x3F800000, v7;
	v10 =	vshll.u32 v10, $0x17;
	v17 =	vor.u32 $0x6, v4  }
0x221: {  	v13 =	vor.u32 $0x5, v5;
	v6 =	vadd.f32 $5.000000000e-01, v6;
	v9 =	vadd.f32 $1.666666570e-01, v9  }
0x222: {  	v33 =	vld.idx.msk [tilespmem:v61+s2+$0x0], $0xffff;
	vm0 =	vgt.f32 v20, $0.0e+00;
	vm1 =	vlt.s32 v11, $0xA;
	v15 =	vor.u32 $0x5, v4  }
0x223: {  	v62 =	vld.idx.msk [tilespmem:v12+s2+$0x0], $0xffff;
	v40 =	vor.u32 $0xD, v5;
	v6 =	vmul.f32 v6, v8;
	v9 =	vmul.f32 v9, v14  }
0x224: {  	v10 =	vadd.s32 $0x3F800000, v10;
	v27 =	vld.idx.msk [tilespmem:v27+s2+$0x0], $0xffff;
	vm0 =	vmand vm1, vm0;
	v19 =	vor.u32 $0x6, v5  }
0x225: {  	v11 =	vor.u32 $0xC, v5;
	v31 =	vld.idx.msk [tilespmem:v17+s10+$0x0], $0xffff;
	v6 =	vadd.f32 $1.000000000e+00, v6;
	v9 =	vadd.f32 $5.000000000e-01, v9  }
0x226: {  	v21 =	vor.u32 $0x8, v5;
	v22 =	vor.u32 $0xA, v5;
	v20 =	vor.u32 $0x7, v4;
	v60 =	vld.idx.msk [tilespmem:v13+s10+$0x0], $0xffff  }
0x227: {  	v23 =	vor.u32 $0x7, v5;
	v43 =	vld.idx.msk [tilespmem:v15+s10+$0x0], $0xffff;
	v8 =	vmul.f32 v6, v8;
	v9 =	vmul.f32 v9, v14  }
0x228: {  	v24 =	vor.u32 $0x9, v4;
	v25 =	vor.u32 $0x9, v5;
	v17 =	vadd.s32 $0x2, v12;
	v36 =	vld.idx.msk [tilespmem:v40+s10+$0x0], $0xffff  }
0x229: {  	v26 =	vor.u32 $0xA, v4;
	v19 =	vld.idx.msk [tilespmem:v19+s10+$0x0], $0xffff;
	v8 =	vadd.f32 $1.000000000e+00, v8;
	v63 =	vadd.f32 $1.000000000e+00, v9  }
0x22a: {  	v28 =	vor.u32 $0xB, v4;
	v30 =	vor.u32 $0xB, v5;
	v16 =	vor.u32 $0xF, v4;
	v11 =	vld.idx.msk [tilespmem:v11+s10+$0x0], $0xffff  }
0x22b: {  	v42 =	vor.u32 $0xF, v5;
	v7 =	vmul.f32 v7, v8;
	v8 =	vld.idx.msk [tilespmem:v29+s2+$0x0], $0xffff;
	v14 =	vmul.f32 v63, v14  }
0x22c: {  	v51 =	vor.u32 $0xD, v4;
	v3 =	vor.u32 $0x2, v4;
	v12 =	vor.u32 $0x1, v5;
	v29 =	vld.idx.msk [tilespmem:v18+s2+$0x0], $0xffff  }
0x22d: {  	v13 =	vor.u32 $0x3, v4;
	v41 =	vld.idx.msk [tilespmem:v17+s2+$0x0], $0xffff;
	v7 =	vmul.f32 $2.666930010e+01, v7;
	v14 =	vadd.f32 $1.000000000e+00, v14  }
0x22e: {  	v15 =	vor.u32 $0x4, v4;
	v25 =	vld.idx.msk [tilespmem:v25+s10+$0x0], $0xffff;
	v6 =	vor.u32 $0x1, v4;
	v9 =	vor.u32 $0xE, v4  }
0x22f: {  	v22 =	vld.idx.msk [tilespmem:v22+s10+$0x0], $0xffff;
	v18 =	vor.u32 $0xE, v5;
	v7 =	vnsel vm0, $0x0, v7;
	v10 =	vmul.f32 v10, v14  }
0x230: {  	v21 =	vld.idx.msk [tilespmem:v21+s10+$0x0], $0xffff;
	vm0 =	vlt.u32 v0, $0xA;
	v17 =	vshrl.u32 v7, $0x10;
	v8 =	vsub.f32 v27, v8  }
0x231: {  	v27 =	vsub.f32 v62, v29;
	v29 =	vld.idx.msk [tilespmem:v42+s10+$0x0], $0xffff;
	v14 =	vand.u32 $0x1, v17;
	v17 =	vor.u32 $0x4, v5  }
0x232: {  	v47 =	vld.idx.msk [tilespmem:v20+s10+$0x0], $0xffff;
	v10 =	vmul.f32 $2.666930010e+01, v10;
	v7 =	vadd.s32 v14, v7;
	v14 =	vsub.f32 v41, v33  }
0x233: {  	v24 =	vld.idx.msk [tilespmem:v24+s10+$0x0], $0xffff;
	v8 =	vmul.f32 v8, v8;
	v27 =	vmul.f32 v27, v27;
	v0 =	vadd.s32 $0x7FFF, v7  }
0x234: {  	v28 =	vld.idx.msk [tilespmem:v28+s10+$0x0], $0xffff;
	v7 =	vor.u32 $0x8, v4;
	v10 =	vnsel vm0, $0x0, v10;
	v33 =	vmul.f32 v14, v14  }
0x235: {  	v8 =	vadd.f32 v8, v27;
	v14 =	vand.u32 $0xFFFF0000, v0;
	v0 =	vld.idx.msk [tilespmem:v23+s10+$0x0], $0xffff;
	v23 =	vshrl.u32 v10, $0x10  }
0x236: {  	v16 =	vld.idx.msk [tilespmem:v16+s10+$0x0], $0xffff;
	v45 =	vmul.f32 v14, v36;
	v46 =	vand.u32 $0x1, v23;
	v23 =	vmul.f32 v14, v29  }
0x237: {  	v54 =	vld.idx.msk [tilespmem:v3+s10+$0x0], $0xffff;
	v27 =	vor.u32 $0xC, v4;
	v11 =	vmul.f32 v14, v11;
	v25 =	vmul.f32 v14, v25  }
0x238: {  	v57 =	vld.idx.msk [tilespmem:v13+s10+$0x0], $0xffff;
	v48 =	vmul.f32 v14, v22;
	v19 =	vmul.f32 v14, v19;
	v33 =	vadd.f32 v33, v8  }
0x239: {  	v15 =	vld.idx.msk [tilespmem:v15+s10+$0x0], $0xffff;
	v50 =	vmul.f32 v14, v21;
	v22 =	vor.u32 $0x2, v5;
	v10 =	vadd.s32 v46, v10  }
0x23a: {  	v4 =	vld.idx.msk [tilespmem:v4+s10+$0x0], $0xffff;
	v21 =	vor.u32 $0x3, v5;
	v10 =	vadd.s32 $0x7FFF, v10;
	v29 =	vmul.f32 $5.000000000e-01, v33  }
0x23b: {  	v5 =	vld.idx.msk [tilespmem:v5+s10+$0x0], $0xffff;
	v20 =	vand.u32 $0xFFFF0000, v10;
	v10 =	vmul.f32 v14, v60;
	v0 =	vmul.f32 v14, v0  }
0x23c: {  	v8 =	vld.idx.msk [tilespmem:v26+s10+$0x0], $0xffff;
	v38 =	vmul.f32 v20, v43;
	v31 =	vmul.f32 v20, v31  }
0x23d: {  	v6 =	vld.idx.msk [tilespmem:v6+s10+$0x0], $0xffff;
	v35 =	vmul.f32 v20, v47;
	v24 =	vmul.f32 v20, v24  }
0x23e: {  	v17 =	vld.idx.msk [tilespmem:v17+s10+$0x0], $0xffff;
	v26 =	vshra.s32 v33, $0x1;
	v28 =	vmul.f32 v20, v28;
	v16 =	vmul.f32 v20, v16  }
0x23f: {  	v7 =	vld.idx.msk [tilespmem:v7+s10+$0x0], $0xffff;
	v26 =	vsub.s32 $0x5F3759DF, v26;
	v4 =	vmul.f32 v20, v4;
	v32 =	vmul.f32 v20, v54  }
0x240: {  	v15 =	vmul.f32 v20, v15;
	v49 =	vmul.f32 v26, v29  }
0x241: {  	v5 =	vmul.f32 v14, v5;
	v10 =	vadd.f32 v10, v38;
	v8 =	vmul.f32 v20, v8  }
0x242: {  	v27 =	vld.idx.msk [tilespmem:v27+s10+$0x0], $0xffff;
	v0 =	vadd.f32 v0, v35;
	v19 =	vadd.f32 v19, v31;
	v37 =	vmul.f32 v26, v49  }
0x243: {  	v35 =	vmul.f32 v20, v57;
	v17 =	vmul.f32 v14, v17;
	v4 =	vadd.f32 v5, v4  }
0x244: {  	v22 =	vld.idx.msk [tilespmem:v22+s10+$0x0], $0xffff;
	v5 =	vmul.f32 v20, v6;
	v7 =	vmul.f32 v20, v7;
	v37 =	vsub.f32 $1.500000000e+00, v37  }
0x245: {  	v24 =	vadd.f32 v25, v24;
	v10 =	vmul.f32 $3.162277640e-01, v10;
	v0 =	vmul.f32 $3.162277640e-01, v0  }
0x246: {  	v25 =	vadd.f32 v48, v8;
	v8 =	vmul.f32 $3.162277640e-01, v19;
	v26 =	vmul.f32 v26, v37  }
0x247: {  	v24 =	vmul.f32 $3.162277640e-01, v24;
	v15 =	vadd.f32 v17, v15;
	v27 =	vmul.f32 v20, v27  }
0x248: {  	v4 =	vmul.f32 $3.162277640e-01, v4;
	v7 =	vadd.f32 v50, v7;
	v31 =	vmul.f32 v26, v29  }
0x249: {  	v10 =	vmax.f32 v10, $0.0e+00;
	v25 =	vmul.f32 $3.162277640e-01, v25;
	v22 =	vmul.f32 v14, v22  }
0x24a: {  	v19 =	vld.idx.msk [tilespmem:v30+s10+$0x0], $0xffff;
	v8 =	vmax.f32 v8, $0.0e+00;
	v10 =	vmul.f32 $1.414213540e+00, v10;
	v30 =	vmul.f32 v31, v26  }
0x24b: {  	v0 =	vmax.f32 v0, $0.0e+00;
	v15 =	vmul.f32 $3.162277640e-01, v15;
	v52 =	vmul.f32 $1.414213540e+00, v8  }
0x24c: {  	v27 =	vadd.f32 v11, v27;
	v31 =	vshrl.u32 v10, $0x10;
	v30 =	vsub.f32 $1.500000000e+00, v30  }
0x24d: {  	v0 =	vmul.f32 $1.414213540e+00, v0;
	v4 =	vmax.f32 v4, $0.0e+00;
	v31 =	vand.u32 $0x1, v31  }
0x24e: {  	v7 =	vmul.f32 $3.162277640e-01, v7;
	v8 =	vadd.s32 v31, v10;
	v10 =	vmul.f32 v30, v26  }
0x24f: {  	v4 =	vmul.f32 $1.414213540e+00, v4;
	v15 =	vmax.f32 v15, $0.0e+00;
	v11 =	vmul.f32 v14, v19  }
0x250: {  	v27 =	vmul.f32 $3.162277640e-01, v27;
	v7 =	vmax.f32 v7, $0.0e+00;
	v19 =	vmul.f32 v10, v29  }
0x251: {  	v22 =	vadd.f32 v22, v32;
	v15 =	vmul.f32 $1.414213540e+00, v15;
	v7 =	vmul.f32 $1.414213540e+00, v7  }
0x252: {  	v28 =	vadd.f32 v11, v28;
	v29 =	vshrl.u32 v0, $0x10;
	v19 =	vmul.f32 v19, v10  }
0x253: {  	v8 =	vadd.s32 $0x7FFF, v8;
	v30 =	vshrl.u32 v7, $0x10;
	v29 =	vand.u32 $0x1, v29  }
0x254: {  	v11 =	vand.u32 $0x1, v30;
	v0 =	vadd.s32 v29, v0;
	v19 =	vsub.f32 $1.500000000e+00, v19  }
0x255: {  	v7 =	vadd.s32 v11, v7;
	v11 =	vmax.f32 v24, $0.0e+00;
	v0 =	vadd.s32 $0x7FFF, v0  }
0x256: {  	v24 =	vmul.f32 $1.414213540e+00, v11;
	v11 =	vand.u32 $0xFFFF0000, v0;
	v0 =	vmul.f32 v19, v10  }
0x257: {  	v26 =	vshrl.u32 v52, $0x10;
	v10 =	vmax.f32 v25, $0.0e+00;
	v19 =	vmul.f32 $3.162277640e-01, v28  }
0x258: {  	v25 =	vshrl.u32 v24, $0x10;
	v28 =	vmul.f32 $1.414213540e+00, v10;
	v0 =	vmul.f32 v0, v33  }
0x259: {  	v8 =	vand.u32 $0xFFFF0000, v8;
	v10 =	vand.u32 $0x1, v25;
	v19 =	vmax.f32 v19, $0.0e+00  }
0x25a: {  	v10 =	vadd.s32 v10, v24;
	v24 =	vshrl.u32 v28, $0x10;
	v0 =	vmul.f32 $5.500000000e+00, v0  }
0x25b: {  	v55 =	vld.idx.msk [tilespmem:v12+s10+$0x0], $0xffff;
	v25 =	vand.u32 $0x1, v26;
	v26 =	vmul.f32 $1.414213540e+00, v19;
	v24 =	vand.u32 $0x1, v24  }
0x25c: {  	v29 =	vld.idx.msk [tilespmem:v51+s10+$0x0], $0xffff;
	v19 =	vadd.s32 v24, v28;
	v24 =	vadd.s32 v25, v52;
	v25 =	vtrunc.f32 v0  }
0x25d: {  	v30 =	vld.idx.msk [tilespmem:v9+s10+$0x0], $0xffff;
	v7 =	vadd.s32 $0x7FFF, v7;
	v51 =	vshrl.u32 v4, $0x10;
	v9 =	vcvt.f32.s32 v25  }
0x25e: {  	v7 =	vand.u32 $0xFFFF0000, v7;
	v17 =	vand.u32 $0x1, v51;
	v28 =	vshrl.u32 v26, $0x10;
	v25 =	vld.idx.msk [tilespmem:v18+s10+$0x0], $0xffff  }
0x25f: {  	v24 =	vadd.s32 $0x7FFF, v24;
	v18 =	vand.u32 $0x1, v28;
	v28 =	vcvt.s32.f32 v9  }
0x260: {  	v33 =	vmul.f32 v14, v55;
	v26 =	vadd.s32 v18, v26;
	v18 =	vand.u32 $0xFFFF0000, v24  }
0x261: {  	v24 =	vmax.f32 v27, $0.0e+00;
	v27 =	vmul.f32 v20, v29;
	v0 =	vsub.f32 v0, v28  }
0x262: {  	v4 =	vadd.s32 v17, v4;
	v29 =	vmul.f32 v20, v30;
	v24 =	vmul.f32 $1.414213540e+00, v24  }
0x263: {  	v4 =	vadd.s32 $0x7FFF, v4;
	v25 =	vmul.f32 v14, v25;
	v31 =	vmul.f32 v0, v0  }
0x264: {  	v5 =	vadd.f32 v33, v5;
	v30 =	vshrl.u32 v24, $0x10;
	v53 =	vsub.f32 $2.000000000e+00, v0  }
0x265: {  	v30 =	vand.u32 $0x1, v30;
	v25 =	vadd.f32 v25, v29;
	v29 =	vsub.f32 $1.000000000e+00, v31  }
0x266: {  	v24 =	vadd.s32 v30, v24;
	v30 =	vadd.f32 v23, v16;
	v23 =	vmul.f32 v53, v0  }
0x267: {  	v21 =	vld.idx.msk [tilespmem:v21+s10+$0x0], $0xffff;
	v10 =	vadd.s32 $0x7FFF, v10;
	v5 =	vmul.f32 $3.162277640e-01, v5;
	(erf) = vrcp.f32 v29  }
0x268: {  	v4 =	vand.u32 $0xFFFF0000, v4;
	v10 =	vand.u32 $0xFFFF0000, v10;
	(erf) = vrcp.f32 v23  }
0x269: {  	v19 =	vadd.s32 $0x7FFF, v19;
	v5 =	vmax.f32 v5, $0.0e+00;
	v27 =	vadd.f32 v45, v27  }
0x26a: {  	v19 =	vand.u32 $0xFFFF0000, v19;
	v26 =	vadd.s32 $0x7FFF, v26;
	v5 =	vmul.f32 $1.414213540e+00, v5  }
0x26b: {  	s31 =	simm.s32 $0x0;
	vm0 =	vgt.s32 v9, $0x0;
	vm2 =	vlt.s32 v9, $0xA;
	v27 =	vmul.f32 $3.162277640e-01, v27  }
0x26c: {  	v28 =	vmov s31;
	v14 =	vmul.f32 v14, v21;
	v21 =	vmul.f32 $3.162277640e-01, v22  }
0x26d: {  	v16 =	vadd.s32 $0x7FFF, v24;
	v24 =	vand.u32 $0xFFFF0000, v26;
	v26 =	vshll.u32 v28, $0x4  }
0x26e: {  	v17 =	vmax.f32 v21, $0.0e+00;
	v35 =	vadd.f32 v14, v35;
	v0 =	vmax.f32 v27, $0.0e+00  }
0x26f: {  	v16 =	vand.u32 $0xFFFF0000, v16;
	v27 =	vmul.f32 $3.162277640e-01, v30;
	v26 =	vor.u32 v59, v26  }
0x270: {  	v17 =	vmul.f32 $1.414213540e+00, v17;
	v25 =	vmul.f32 $3.162277640e-01, v25;
	v56 =	vor.u32 $0xA, v26;
	v48 =	vpop (erf)  }
0x271: {  	v0 =	vmul.f32 $1.414213540e+00, v0;
	v31 =	vor.u32 $0x7, v26;
	v13 =	vor.u32 $0xC, v26;
	v6 =	vpop (erf)  }
0x272: {  	v58 =	vor.u32 $0x6, v26;
	v49 =	vor.u32 $0x2, v26;
	v6 =	vmul.f32 $-2.000000000e+00, v6  }
0x273: {  	v50 =	vor.u32 $0x3, v26;
	v53 =	vor.u32 $0x4, v26;
	v28 =	vshrl.u32 v0, $0x10  }
0x274: {  	v40 =	vor.u32 $0xD, v26;
	v28 =	vand.u32 $0x1, v28;
	v22 =	vld.idx.msk [tilespmem:v26+s14+$0x0], $0xffff;
	v6 =	vmax.f32 v6, $-8.700000000e+01  }
0x275: {  	v25 =	vmax.f32 v25, $0.0e+00;
	v0 =	vadd.s32 v28, v0;
	v34 =	vld.idx.msk [tilespmem:v56+s14+$0x0], $0xffff;
	v20 =	vmul.f32 $1.442695020e+00, v6  }
0x276: {  	v30 =	vmax.f32 v27, $0.0e+00;
	v25 =	vmul.f32 $1.414213540e+00, v25;
	v0 =	vadd.s32 $0x7FFF, v0;
	v13 =	vld.idx.msk [tilespmem:v13+s14+$0x0], $0xffff  }
0x277: {  	v3 =	vand.u32 $0xFFFF0000, v0;
	v0 =	vor.u32 $0x1, v26;
	v20 =	vadd.f32 $-5.000000000e-01, v20  }
0x278: {  	v27 =	vor.u32 $0xB, v26;
	v29 =	vor.u32 $0x8, v26;
	v12 =	vmul.f32 $1.414213540e+00, v30  }
0x279: {  	v30 =	vor.u32 $0x9, v26;
	v28 =	vshrl.u32 v25, $0x10;
	v20 =	vtrunc.f32 v20  }
0x27a: {  	v4 =	vmul.f32 v4, v22;
	v22 =	vshrl.u32 v17, $0x10;
	v52 =	vcvt.f32.s32 v20  }
0x27b: {  	v34 =	vmul.f32 v19, v34;
	v16 =	vmul.f32 v16, v13;
	v20 =	vshrl.u32 v5, $0x10  }
0x27c: {  	v0 =	vld.idx.msk [tilespmem:v0+s14+$0x0], $0xffff;
	v4 =	vadd.f32 $0.0e+00, v4;
	v14 =	vand.u32 $0x1, v20;
	v21 =	vcvt.s32.f32 v52  }
0x27d: {  	v5 =	vadd.s32 v14, v5;
	v14 =	vand.u32 $0x1, v22;
	v22 =	vmul.f32 $3.162277640e-01, v35  }
0x27e: {  	v54 =	vld.idx.msk [tilespmem:v49+s14+$0x0], $0xffff;
	v35 =	vor.u32 $0xE, v26;
	v17 =	vadd.s32 v14, v17;
	v5 =	vadd.s32 $0x7FFF, v5  }
0x27f: {  	v14 =	vadd.s32 $0xFFFFFFFF, v9;
	v20 =	vmul.f32 $6.931471820e-01, v21;
	v5 =	vand.u32 $0xFFFF0000, v5  }
0x280: {  	vm1 =	vgt.s32 v14, $0x0;
	v22 =	vmax.f32 v22, $0.0e+00;
	v21 =	vmul.f32 $1.904654210e-09, v21  }
0x281: {  	v17 =	vadd.s32 $0x7FFF, v17;
	v0 =	vmul.f32 v5, v0;
	v5 =	vnsel vm0, $0x0, v9  }
0x282: {  	v22 =	vmul.f32 $1.414213540e+00, v22;
	v17 =	vand.u32 $0xFFFF0000, v17;
	vm0 =	vgt.f32 v23, $0.0e+00  }
0x283: {  	v6 =	vsub.f32 v6, v20;
	v20 =	vmul.f32 $-2.000000000e+00, v48;
	v17 =	vmul.f32 v17, v54  }
0x284: {  	v5 =	vmin.u32 v5, $0x9;
	vm0 =	vmand vm2, vm0;
	v0 =	vadd.f32 v4, v0  }
0x285: {  	v4 =	vshrl.u32 v15, $0x10;
	v20 =	vmax.f32 v20, $-8.700000000e+01;
	v55 =	vadd.f32 v21, v6  }
0x286: {  	v6 =	vshrl.u32 v22, $0x10;
	v4 =	vand.u32 $0x1, v4;
	v21 =	vmul.f32 $1.442695020e+00, v20  }
0x287: {  	v6 =	vand.u32 $0x1, v6;
	v4 =	vadd.s32 v4, v15;
	v15 =	vor.u32 $0x5, v26  }
0x288: {  	v33 =	vld.idx.msk [tilespmem:v50+s14+$0x0], $0xffff;
	v0 =	vadd.f32 v0, v17;
	v17 =	vnsel vm1, $0x0, v14;
	vm1 =	vlt.u32 v14, $0xA  }
0x289: {  	v6 =	vadd.s32 v6, v22;
	v17 =	vmin.u32 v17, $0x9;
	v21 =	vadd.f32 $-5.000000000e-01, v21  }
0x28a: {  	v61 =	vmul.f32 $8.333333770e-03, v55;
	v4 =	vadd.s32 $0x7FFF, v4;
	v6 =	vadd.s32 $0x7FFF, v6  }
0x28b: {  	v62 =	vand.u32 $0xFFFF0000, v4;
	v60 =	vand.u32 $0xFFFF0000, v6;
	v21 =	vtrunc.f32 v21  }
0x28c: {  	v22 =	vld.idx.msk [tilespmem:v53+s14+$0x0], $0xffff;
	v6 =	vshll.u32 v5, $0x4;
	v5 =	vshll.u32 v17, $0x4;
	v17 =	vcvt.f32.s32 v21  }
0x28d: {  	v33 =	vmul.f32 v60, v33;
	v47 =	vor.u32 $0x2, v5;
	v15 =	vld.idx.msk [tilespmem:v15+s14+$0x0], $0xffff;
	v21 =	vadd.f32 $4.166666790e-02, v61  }
0x28e: {  	v45 =	vor.u32 $0x5, v5;
	v46 =	vor.u32 $0x5, v6;
	v63 =	vcvt.s32.f32 v17  }
0x28f: {  	v56 =	vor.u32 $0x6, v5;
	v57 =	vor.u32 $0x6, v6;
	v21 =	vmul.f32 v21, v55  }
0x290: {  	v23 =	vld.idx.msk [tilespmem:v58+s14+$0x0], $0xffff;
	v60 =	vor.u32 $0xB, v5;
	v53 =	vor.u32 $0x1, v5;
	v19 =	vmul.f32 $6.931471820e-01, v63  }
0x291: {  	v0 =	vadd.f32 v0, v33;
	v22 =	vmul.f32 v62, v22;
	v21 =	vadd.f32 $1.666666570e-01, v21  }
0x292: {  	v31 =	vld.idx.msk [tilespmem:v31+s14+$0x0], $0xffff;
	v8 =	vmul.f32 v8, v15;
	v15 =	vsub.f32 v20, v19;
	v19 =	vmul.f32 $1.904654210e-09, v63  }
0x293: {  	v50 =	vor.u32 $0x3, v5;
	v13 =	vor.u32 $0xE, v6;
	v0 =	vadd.f32 v0, v22  }
0x294: {  	v9 =	vor.u32 $0x4, v5;
	v21 =	vmul.f32 v21, v55;
	v58 =	vadd.f32 v19, v15;
	v15 =	vld.idx.msk [tilespmem:v29+s14+$0x0], $0xffff  }
0x295: {  	v14 =	vor.u32 $0x4, v6;
	v0 =	vadd.f32 v0, v8;
	v8 =	vmul.f32 v18, v23  }
0x296: {  	v38 =	vor.u32 $0xC, v6;
	v39 =	vor.u32 $0xF, v6;
	v18 =	vadd.f32 $5.000000000e-01, v21;
	v29 =	vld.idx.msk [tilespmem:v30+s14+$0x0], $0xffff  }
0x297: {  	v0 =	vadd.f32 v0, v8;
	v8 =	vmul.f32 v11, v31;
	v11 =	vand.u32 $0x1, v28  }
0x298: {  	v61 =	vor.u32 $0xC, v5;
	v18 =	vmul.f32 v18, v55;
	v28 =	vadd.s32 v11, v25  }
0x299: {  	v11 =	vshrl.u32 v12, $0x10;
	v0 =	vadd.f32 v0, v8;
	v7 =	vmul.f32 v7, v15  }
0x29a: {  	v62 =	vor.u32 $0xD, v6;
	v22 =	vor.u32 $0xA, v6;
	v8 =	vand.u32 $0x1, v11  }
0x29b: {  	v11 =	vadd.f32 $1.000000000e+00, v18;
	v0 =	vadd.f32 v0, v7;
	v7 =	vmul.f32 v10, v29  }
0x29c: {  	v30 =	vadd.s32 v8, v12;
	v12 =	vld.idx.msk [tilespmem:v27+s14+$0x0], $0xffff;
	v15 =	vshll.u32 v52, $0x17;
	v10 =	vmul.f32 $8.333333770e-03, v58  }
0x29d: {  	v0 =	vadd.f32 v0, v7;
	v7 =	vadd.s32 $0x3F800000, v15;
	v15 =	vor.u32 $0xF, v26  }
0x29e: {  	v20 =	vor.u32 $0x8, v6;
	v23 =	vor.u32 $0x7, v6;
	v26 =	vadd.f32 $4.166666790e-02, v10  }
0x29f: {  	v19 =	vor.u32 $0x7, v5;
	v21 =	vor.u32 $0x9, v5;
	v8 =	vmul.f32 v11, v55;
	v29 =	vld.idx.msk [tilespmem:v40+s14+$0x0], $0xffff  }
0x2a0: {  	v31 =	vor.u32 $0xA, v5;
	v25 =	vor.u32 $0x9, v6;
	v26 =	vmul.f32 v26, v58  }
0x2a1: {  	v35 =	vld.idx.msk [tilespmem:v35+s14+$0x0], $0xffff;
	v27 =	vadd.f32 $1.000000000e+00, v8;
	v24 =	vmul.f32 v24, v12;
	v0 =	vadd.f32 v0, v34  }
0x2a2: {  	v28 =	vadd.s32 $0x7FFF, v28;
	v34 =	vshll.u32 v17, $0x17;
	v26 =	vadd.f32 $1.666666570e-01, v26;
	v17 =	vld.idx.msk [tilespmem:v15+s14+$0x0], $0xffff  }
0x2a3: {  	v18 =	vor.u32 $0xB, v6;
	v27 =	vmul.f32 v7, v27;
	v0 =	vadd.f32 v0, v24  }
0x2a4: {  	v28 =	vand.u32 $0xFFFF0000, v28;
	v3 =	vmul.f32 v3, v29;
	v24 =	vmul.f32 v26, v58  }
0x2a5: {  	v32 =	vld.idx.msk [tilespmem:v62+s10+$0x0], $0xffff;
	v29 =	vmul.f32 $2.666930010e+01, v27;
	v0 =	vadd.f32 v0, v16;
	v16 =	vadd.s32 $0x7FFF, v30  }
0x2a6: {  	v35 =	vmul.f32 v28, v35;
	v28 =	vld.idx.msk [tilespmem:v60+s10+$0x0], $0xffff;
	v16 =	vand.u32 $0xFFFF0000, v16;
	v24 =	vadd.f32 $5.000000000e-01, v24  }
0x2a7: {  	v11 =	vor.u32 $0xF, v5;
	v31 =	vld.idx.msk [tilespmem:v31+s10+$0x0], $0xffff;
	v33 =	vmul.f32 v16, v17;
	v17 =	vnsel vm0, $0x0, v29  }
0x2a8: {  	v10 =	vor.u32 $0x1, v6;
	v27 =	vld.idx.msk [tilespmem:v56+s10+$0x0], $0xffff;
	v63 =	vmul.f32 v24, v58;
	v24 =	vshrl.u32 v17, $0x10  }
0x2a9: {  	v12 =	vor.u32 $0xE, v5;
	v26 =	vld.idx.msk [tilespmem:v61+s10+$0x0], $0xffff;
	v0 =	vadd.f32 v0, v3;
	v3 =	vand.u32 $0x1, v24  }
0x2aa: {  	v15 =	vor.u32 $0x2, v6;
	v30 =	vld.idx.msk [tilespmem:v45+s10+$0x0], $0xffff;
	v36 =	vadd.f32 $1.000000000e+00, v63;
	v3 =	vadd.s32 v3, v17  }
0x2ab: {  	s26 =	simm.s32 $0x20;
	v29 =	vld.idx.msk [tilespmem:v46+s10+$0x0], $0xffff;
	v16 =	vor.u32 $0x3, v6;
	v37 =	vadd.f32 v0, v35;
	v3 =	vadd.s32 $0x7FFF, v3  }
0x2ac: {  	s25 =	simm.s32 $0x10;
	s29 =	sadd.s32 $0x10, s29;
	s28 =	sadd.s32 $0x10, s28;
	v45 =	vmovc v1;
	v35 =	vld.idx.msk [tilespmem:v57+s10+$0x0], $0xffff;
	v24 =	vor.u32 $0xD, v5;
	v40 =	vmul.f32 v36, v58;
	v17 =	vand.u32 $0xFFFF0000, v3  }
.LBB2_5:
0x2ad: {  	_ = 	snop  }
0x2ae: {  	v0 =	vld [tilespmem:s28+$0x0]  }
0x2af: {  	v36 =	vld [tilespmem:s29+$0x0]  }
0x2b0: {  	v38 =	vld.idx.msk [tilespmem:v38+s10+$0x0], $0xffff  }
0x2b1: {  	v39 =	vld.idx.msk [tilespmem:v39+s10+$0x0], $0xffff;
	v40 =	vadd.f32 $1.000000000e+00, v40  }
0x2b2: {  	v34 =	vadd.s32 $0x3F800000, v34;
	v22 =	vld.idx.msk [tilespmem:v22+s10+$0x0], $0xffff  }
0x2b3: {  	v56 =	vor.u32 $0x8, v5;
	v25 =	vld.idx.msk [tilespmem:v25+s10+$0x0], $0xffff;
	v34 =	vmul.f32 v34, v40  }
0x2b4: {  	v23 =	vld.idx.msk [tilespmem:v23+s10+$0x0], $0xffff;
	v33 =	vadd.f32 v37, v33;
	v0 =	vmul.u32 $0x3, v0  }
0x2b5: {  	v41 =	vld.idx.msk [tilespmem:v20+s10+$0x0], $0xffff;
	v20 =	vmul.f32 v17, v32;
	v57 =	vmul.f32 $2.666930010e+01, v34;
	v36 =	vmul.u32 $0x3, v36  }
0x2b6: {  	v46 =	vld.idx.msk [tilespmem:v19+s10+$0x0], $0xffff;
	v2 =	vsub.f32 v33, v44;
	v35 =	vmul.f32 v17, v35;
	v29 =	vmul.f32 v17, v29  }
0x2b7: {  	v18 =	vld.idx.msk [tilespmem:v18+s10+$0x0], $0xffff;
	v19 =	vmul.f32 v17, v39;
	v58 =	vadd.s32 $0x1, v0;
	v33 =	vnsel vm1, $0x0, v57  }
0x2b8: {  	v37 =	vld.idx.msk [tilespmem:v56+s10+$0x0], $0xffff;
	v38 =	vmul.f32 v17, v38;
	v42 =	vadd.s32 $0x1, v36;
	v62 =	vshrl.u32 v33, $0x10  }
0x2b9: {  	v21 =	vld.idx.msk [tilespmem:v21+s10+$0x0], $0xffff;
	v25 =	vmul.f32 v17, v25;
	v60 =	vadd.s32 $0x2, v0;
	v63 =	vand.u32 $0x1, v62  }
0x2ba: {  	v22 =	vmul.f32 v17, v22;
	v43 =	vadd.s32 $0x2, v36;
	v32 =	vadd.s32 v63, v33;
	v0 =	vld.idx.msk [tilespmem:v0+s2+$0x0], $0xffff  }
0x2bb: {  	v23 =	vmul.f32 v17, v23;
	v49 =	vmul.f32 v17, v41;
	v32 =	vadd.s32 $0x7FFF, v32;
	v36 =	vld.idx.msk [tilespmem:v36+s2+$0x0], $0xffff  }
0x2bc: {  	v18 =	vmul.f32 v17, v18;
	v1 =	vadd.f32 v2, v1;
	v48 =	vld.idx.msk [tilespmem:v58+s2+$0x0], $0xffff;
	v34 =	vand.u32 $0xFFFF0000, v32  }
0x2bd: {  	v52 =	vld.idx.msk [tilespmem:v42+s2+$0x0], $0xffff;
	v30 =	vmul.f32 v34, v30;
	v37 =	vmul.f32 v34, v37  }
0x2be: {  	v61 =	vsub.f32 v1, v45;
	v45 =	vld.idx.msk [tilespmem:v60+s2+$0x0], $0xffff;
	v27 =	vmul.f32 v34, v27;
	v54 =	vmul.f32 v34, v46  }
0x2bf: {  	v51 =	vld.idx.msk [tilespmem:v43+s2+$0x0], $0xffff;
	v21 =	vmul.f32 v34, v21;
	v28 =	vmul.f32 v34, v28  }
0x2c0: {  	v29 =	vadd.f32 v29, v30;
	v30 =	vmul.f32 v34, v31;
	v31 =	vadd.f32 v49, v37  }
0x2c1: {  	v26 =	vmul.f32 v34, v26;
	v27 =	vadd.f32 v35, v27;
	v21 =	vadd.f32 v25, v21  }
0x2c2: {  	v0 =	vsub.f32 v0, v36;
	v25 =	vmul.f32 $3.162277640e-01, v31;
	v31 =	vsub.f32 v48, v52  }
0x2c3: {  	v23 =	vadd.f32 v23, v54;
	v22 =	vadd.f32 v22, v30;
	v27 =	vmul.f32 $3.162277640e-01, v27  }
0x2c4: {  	v30 =	vsub.f32 v45, v51;
	v0 =	vmul.f32 v0, v0;
	v31 =	vmul.f32 v31, v31  }
0x2c5: {  	v18 =	vadd.f32 v18, v28;
	v23 =	vmul.f32 $3.162277640e-01, v23;
	v27 =	vmax.f32 v27, $0.0e+00  }
0x2c6: {  	v56 =	vmul.f32 $1.414213540e+00, v27;
	v27 =	vmul.f32 v30, v30;
	v0 =	vadd.f32 v31, v0  }
0x2c7: {  	v29 =	vmul.f32 $3.162277640e-01, v29;
	v21 =	vmul.f32 $3.162277640e-01, v21;
	v23 =	vmax.f32 v23, $0.0e+00  }
0x2c8: {  	v25 =	vmax.f32 v25, $0.0e+00;
	v23 =	vmul.f32 $1.414213540e+00, v23;
	v0 =	vadd.f32 v27, v0  }
0x2c9: {  	v18 =	vmul.f32 $3.162277640e-01, v18;
	v29 =	vmax.f32 v29, $0.0e+00;
	v25 =	vmul.f32 $1.414213540e+00, v25  }
0x2ca: {  	v27 =	vshrl.u32 v23, $0x10;
	v28 =	vshra.s32 v0, $0x1;
	v31 =	vmul.f32 $5.000000000e-01, v0  }
0x2cb: {  	v22 =	vmul.f32 $3.162277640e-01, v22;
	v27 =	vand.u32 $0x1, v27;
	v57 =	vsub.s32 $0x5F3759DF, v28  }
0x2cc: {  	v23 =	vadd.s32 v27, v23;
	v27 =	vshrl.u32 v25, $0x10;
	v28 =	vmul.f32 v57, v31  }
0x2cd: {  	v21 =	vmax.f32 v21, $0.0e+00;
	v23 =	vadd.s32 $0x7FFF, v23;
	v58 =	vand.u32 $0x1, v27  }
0x2ce: {  	v27 =	vand.u32 $0xFFFF0000, v23;
	v23 =	vadd.s32 v58, v25;
	v25 =	vmul.f32 v57, v28  }
0x2cf: {  	v18 =	vmax.f32 v18, $0.0e+00;
	v29 =	vmul.f32 $1.414213540e+00, v29;
	v23 =	vadd.s32 $0x7FFF, v23  }
0x2d0: {  	v30 =	vadd.f32 v38, v26;
	v28 =	vand.u32 $0xFFFF0000, v23;
	v23 =	vsub.f32 $1.500000000e+00, v25  }
0x2d1: {  	v21 =	vmul.f32 $1.414213540e+00, v21;
	v18 =	vmul.f32 $1.414213540e+00, v18;
	v55 =	vshrl.u32 v29, $0x10  }
0x2d2: {  	v22 =	vmax.f32 v22, $0.0e+00;
	v32 =	vand.u32 $0x1, v55;
	v23 =	vmul.f32 v57, v23  }
0x2d3: {  	v22 =	vmul.f32 $1.414213540e+00, v22;
	v29 =	vadd.s32 v32, v29;
	v25 =	vshrl.u32 v21, $0x10  }
0x2d4: {  	v13 =	vld.idx.msk [tilespmem:v13+s10+$0x0], $0xffff;
	v26 =	vadd.s32 $0x7FFF, v29;
	v25 =	vand.u32 $0x1, v25;
	v32 =	vmul.f32 v23, v31  }
0x2d5: {  	v24 =	vld.idx.msk [tilespmem:v24+s10+$0x0], $0xffff;
	v29 =	vshrl.u32 v56, $0x10;
	v21 =	vadd.s32 v25, v21;
	v25 =	vshrl.u32 v22, $0x10  }
0x2d6: {  	v12 =	vld.idx.msk [tilespmem:v12+s10+$0x0], $0xffff;
	v21 =	vadd.s32 $0x7FFF, v21;
	v25 =	vand.u32 $0x1, v25;
	v32 =	vmul.f32 v32, v23  }
0x2d7: {  	v60 =	vand.u32 $0x1, v29;
	v29 =	vand.u32 $0xFFFF0000, v21;
	v21 =	vadd.s32 v25, v22  }
0x2d8: {  	v11 =	vld.idx.msk [tilespmem:v11+s10+$0x0], $0xffff;
	v22 =	vadd.s32 v60, v56;
	v25 =	vshrl.u32 v18, $0x10;
	v32 =	vsub.f32 $1.500000000e+00, v32  }
0x2d9: {  	v14 =	vld.idx.msk [tilespmem:v14+s10+$0x0], $0xffff;
	v13 =	vmul.f32 v17, v13;
	v25 =	vand.u32 $0x1, v25;
	v22 =	vadd.s32 $0x7FFF, v22  }
0x2da: {  	v16 =	vld.idx.msk [tilespmem:v16+s10+$0x0], $0xffff;
	v33 =	vand.u32 $0xFFFF0000, v22;
	v22 =	vmul.f32 v34, v24;
	v23 =	vmul.f32 v32, v23  }
0x2db: {  	v3 =	vmovc v1;
	v2 =	vsub.f32 v61, v2;
	v12 =	vmul.f32 v34, v12;
	v18 =	vadd.s32 v25, v18  }
0x2dc: {  	[tilespmem:$0x1FFA0] =	vst v3;
	v3 =	vld.idx.msk [tilespmem:v50+s10+$0x0], $0xffff;
	v25 =	vmul.f32 $3.162277640e-01, v30;
	v20 =	vadd.f32 v20, v22;
	v22 =	vmul.f32 v23, v31  }
0x2dd: {  	v11 =	vmul.f32 v34, v11;
	v12 =	vadd.f32 v13, v12;
	v18 =	vadd.s32 $0x7FFF, v18  }
0x2de: {  	[tilespmem:$0x1FF70] =	vst v2;
	v2 =	vand.u32 $0xFFFF0000, v18;
	v18 =	vmax.f32 v25, $0.0e+00;
	v13 =	vmul.f32 v22, v23  }
0x2df: {  	v18 =	vmul.f32 $1.414213540e+00, v18  }
0x2e0: {  	v14 =	vmul.f32 v17, v14;
	v11 =	vadd.f32 v19, v11;
	v13 =	vsub.f32 $1.500000000e+00, v13  }
0x2e1: {  	v16 =	vmul.f32 v17, v16;
	v3 =	vmul.f32 v34, v3;
	v25 =	vshrl.u32 v18, $0x10  }
0x2e2: {  	v11 =	vmul.f32 $3.162277640e-01, v11;
	v25 =	vand.u32 $0x1, v25;
	v13 =	vmul.f32 v13, v23  }
0x2e3: {  	v12 =	vmul.f32 $3.162277640e-01, v12;
	v20 =	vmul.f32 $3.162277640e-01, v20;
	v18 =	vadd.s32 v25, v18  }
0x2e4: {  	v15 =	vld.idx.msk [tilespmem:v15+s10+$0x0], $0xffff;
	v11 =	vmax.f32 v11, $0.0e+00;
	v18 =	vadd.s32 $0x7FFF, v18;
	v0 =	vmul.f32 v13, v0  }
0x2e5: {  	v61 =	vld.idx.msk [tilespmem:v47+s10+$0x0], $0xffff;
	v24 =	vmov s25;
	[tilespmem:$0x1FF80] =	vst v2;
	v19 =	vmax.f32 v20, $0.0e+00;
	v2 =	vand.u32 $0xFFFF0000, v18  }
0x2e6: {  	v18 =	vmul.f32 $1.414213540e+00, v19;
	v19 =	vshll.u32 v24, $0x4;
	v0 =	vmul.f32 $5.500000000e+00, v0  }
0x2e7: {  	v12 =	vmax.f32 v12, $0.0e+00;
	v44 =	vmul.f32 $1.414213540e+00, v11;
	v46 =	vor.u32 v59, v19  }
0x2e8: {  	v20 =	vshrl.u32 v18, $0x10;
	v13 =	vor.u32 $0xA, v46;
	v11 =	vtrunc.f32 v0  }
0x2e9: {  	v38 =	vmul.f32 $1.414213540e+00, v12;
	v12 =	vand.u32 $0x1, v20;
	v35 =	vcvt.f32.s32 v11  }
0x2ea: {  	v15 =	vmul.f32 v17, v15;
	v61 =	vmul.f32 v34, v61;
	v12 =	vadd.s32 v12, v18  }
0x2eb: {  	v3 =	vadd.f32 v16, v3;
	v12 =	vadd.s32 $0x7FFF, v12;
	v11 =	vcvt.s32.f32 v35  }
0x2ec: {  	v32 =	vand.u32 $0xFFFF0000, v12;
	v37 =	vadd.s32 $0xFFFFFFFF, v35;
	vm0 =	vgt.s32 v35, $0x0  }
0x2ed: {  	v12 =	vld.idx.msk [tilespmem:v13+s14+$0x0], $0xffff;
	vm1 =	vgt.s32 v37, $0x0;
	v13 =	vnsel vm0, $0x0, v35;
	v0 =	vsub.f32 v0, v11  }
0x2ee: {  	v63 =	vld.idx.msk [tilespmem:v10+s10+$0x0], $0xffff;
	v15 =	vadd.f32 v15, v61;
	v11 =	vnsel vm1, $0x0, v37;
	v13 =	vmin.u32 v13, $0x9  }
0x2ef: {  	v60 =	vld.idx.msk [tilespmem:v6+s10+$0x0], $0xffff;
	v11 =	vmin.u32 v11, $0x9;
	v6 =	vshll.u32 v13, $0x4;
	v13 =	vmul.f32 v0, v0  }
0x2f0: {  	v3 =	vmul.f32 $3.162277640e-01, v3;
	v18 =	vsub.f32 $2.000000000e+00, v0;
	v11 =	vshll.u32 v11, $0x4  }
0x2f1: {  	v62 =	vld.idx.msk [tilespmem:v5+s10+$0x0], $0xffff;
	v30 =	vor.u32 $0x2, v11;
	v39 =	vor.u32 $0x5, v11;
	v5 =	vmovc v11;
	v11 =	vsub.f32 $1.000000000e+00, v13  }
0x2f2: {  	v15 =	vmul.f32 $3.162277640e-01, v15;
	v0 =	vmul.f32 v18, v0  }
0x2f3: {  	v4 =	vmul.f32 v17, v63;
	v3 =	vmax.f32 v3, $0.0e+00;
	[tilespmem:$0x1FF90] =	vst v2;
	v2 =	vld.idx.msk [tilespmem:v53+s10+$0x0], $0xffff;
	(erf) = vrcp.f32 v11  }
0x2f4: {  	v15 =	vmax.f32 v15, $0.0e+00;
	v3 =	vmul.f32 $1.414213540e+00, v3;
	(erf) = vrcp.f32 v0  }
0x2f5: {  	v49 =	vshrl.u32 v38, $0x10;
	v15 =	vmul.f32 $1.414213540e+00, v15;
	v21 =	vadd.s32 $0x7FFF, v21  }
0x2f6: {  	v49 =	vand.u32 $0x1, v49;
	v26 =	vand.u32 $0xFFFF0000, v26;
	v21 =	vand.u32 $0xFFFF0000, v21  }
0x2f7: {  	v60 =	vmul.f32 v17, v60;
	v40 =	vor.u32 $0xB, v46;
	vm0 =	vgt.f32 v0, $0.0e+00;
	v0 =	vld.idx.msk [tilespmem:v9+s10+$0x0], $0xffff  }
0x2f8: {  	v24 =	vor.u32 $0x7, v46;
	v58 =	vor.u32 $0x1, v46;
	v2 =	vmul.f32 v34, v2  }
0x2f9: {  	v52 =	vor.u32 $0x8, v46;
	v54 =	vor.u32 $0x6, v46;
	v51 =	vor.u32 $0x9, v46  }
0x2fa: {  	v59 =	vor.u32 $0x2, v46;
	v48 =	vor.u32 $0xC, v46;
	v2 =	vadd.f32 v4, v2  }
0x2fb: {  	v56 =	vor.u32 $0x3, v46;
	v55 =	vor.u32 $0x4, v46;
	v9 =	vmul.f32 v34, v62  }
0x2fc: {  	v43 =	vor.u32 $0xD, v46;
	v2 =	vmul.f32 $3.162277640e-01, v2;
	v0 =	vmul.f32 v34, v0;
	v34 =	vpop (erf)  }
0x2fd: {  	v41 =	vor.u32 $0xE, v46;
	v57 =	vor.u32 $0x5, v46;
	v60 =	vadd.f32 v60, v9;
	v62 =	vpop (erf)  }
0x2fe: {  	v2 =	vmax.f32 v2, $0.0e+00;
	v0 =	vadd.f32 v14, v0;
	v14 =	vmul.f32 $-2.000000000e+00, v62  }
0x2ff: {  	vm2 =	vlt.s32 v35, $0xA;
	v2 =	vmul.f32 $1.414213540e+00, v2;
	v60 =	vmul.f32 $3.162277640e-01, v60  }
0x300: {  	vm1 =	vlt.u32 v37, $0xA;
	v8 =	vmul.f32 v21, v12;
	v14 =	vmax.f32 v14, $-8.700000000e+01  }
0x301: {  	v42 =	vor.u32 $0x5, v6;
	v17 =	vmax.f32 v60, $0.0e+00;
	v61 =	vmul.f32 $1.442695020e+00, v14  }
0x302: {  	v36 =	vor.u32 $0x6, v6;
	v20 =	vor.u32 $0x8, v6;
	v17 =	vmul.f32 $1.414213540e+00, v17  }
0x303: {  	v22 =	vor.u32 $0xA, v6;
	v23 =	vor.u32 $0x7, v6;
	v61 =	vadd.f32 $-5.000000000e-01, v61  }
0x304: {  	v25 =	vor.u32 $0x9, v6;
	v10 =	vor.u32 $0x1, v6;
	v63 =	vshrl.u32 v17, $0x10  }
0x305: {  	v34 =	vmul.f32 $-2.000000000e+00, v34;
	v63 =	vand.u32 $0x1, v63;
	v16 =	vtrunc.f32 v61  }
0x306: {  	v47 =	vor.u32 $0x6, v5;
	v17 =	vadd.s32 v63, v17;
	v4 =	vcvt.f32.s32 v16  }
0x307: {  	v0 =	vmul.f32 $3.162277640e-01, v0;
	v60 =	vmax.f32 v34, $-8.700000000e+01;
	v17 =	vadd.s32 $0x7FFF, v17  }
0x308: {  	v63 =	vshrl.u32 v2, $0x10;
	v16 =	vand.u32 $0xFFFF0000, v17;
	v17 =	vcvt.s32.f32 v4  }
0x309: {  	v62 =	vld.idx.msk [tilespmem:v46+s14+$0x0], $0xffff;
	v0 =	vmax.f32 v0, $0.0e+00;
	v34 =	vmul.f32 $1.442695020e+00, v60;
	v61 =	vand.u32 $0x1, v63  }
0x30a: {  	v0 =	vmul.f32 $1.414213540e+00, v0;
	v2 =	vadd.s32 v61, v2;
	v61 =	vmul.f32 $6.931471820e-01, v17  }
0x30b: {  	v19 =	vor.u32 $0x7, v5;
	v21 =	vor.u32 $0x9, v5;
	v34 =	vadd.f32 $-5.000000000e-01, v34  }
0x30c: {  	v58 =	vld.idx.msk [tilespmem:v58+s14+$0x0], $0xffff;
	v7 =	vshrl.u32 v0, $0x10;
	v17 =	vmul.f32 $1.904654210e-09, v17;
	v14 =	vsub.f32 v14, v61  }
0x30d: {  	v45 =	vor.u32 $0xA, v5;
	v7 =	vand.u32 $0x1, v7;
	v34 =	vtrunc.f32 v34  }
0x30e: {  	v0 =	vadd.s32 v7, v0;
	v16 =	vmul.f32 v16, v62;
	v17 =	vadd.f32 v17, v14  }
0x30f: {  	v59 =	vld.idx.msk [tilespmem:v59+s14+$0x0], $0xffff;
	v2 =	vadd.s32 $0x7FFF, v2;
	v62 =	vshrl.u32 v3, $0x10;
	v61 =	vshrl.u32 v15, $0x10  }
0x310: {  	v2 =	vand.u32 $0xFFFF0000, v2;
	v61 =	vand.u32 $0x1, v61;
	v7 =	vmul.f32 $8.333333770e-03, v17  }
0x311: {  	v16 =	vadd.f32 $0.0e+00, v16;
	v2 =	vmul.f32 v2, v58;
	v14 =	vadd.s32 v61, v15;
	v15 =	vld.idx.msk [tilespmem:v56+s14+$0x0], $0xffff  }
0x312: {  	v61 =	vand.u32 $0x1, v62;
	v14 =	vadd.s32 $0x7FFF, v14;
	v7 =	vadd.f32 $4.166666790e-02, v7  }
0x313: {  	v55 =	vld.idx.msk [tilespmem:v55+s14+$0x0], $0xffff;
	v2 =	vadd.f32 v16, v2;
	v3 =	vadd.s32 v61, v3;
	v14 =	vand.u32 $0xFFFF0000, v14  }
0x314: {  	v3 =	vadd.s32 $0x7FFF, v3;
	v14 =	vmul.f32 v14, v59;
	v7 =	vmul.f32 v7, v17  }
0x315: {  	v63 =	vcvt.f32.s32 v34;
	v0 =	vadd.s32 $0x7FFF, v0;
	v62 =	vld.idx.msk [tilespmem:v57+s14+$0x0], $0xffff;
	v3 =	vand.u32 $0xFFFF0000, v3  }
0x316: {  	v2 =	vadd.f32 v2, v14;
	v3 =	vmul.f32 v3, v15;
	v7 =	vadd.f32 $1.666666570e-01, v7  }
0x317: {  	v54 =	vld.idx.msk [tilespmem:v54+s14+$0x0], $0xffff;
	v0 =	vand.u32 $0xFFFF0000, v0;
	v34 =	vshll.u32 v63, $0x17;
	v63 =	vcvt.s32.f32 v63  }
0x318: {  	v0 =	vmul.f32 v0, v55;
	v2 =	vadd.f32 v2, v3;
	v7 =	vmul.f32 v7, v17  }
0x319: {  	v31 =	vor.u32 $0xB, v5;
	v18 =	vor.u32 $0xB, v6;
	v61 =	vmul.f32 $6.931471820e-01, v63;
	v3 =	vld.idx.msk [tilespmem:v24+s14+$0x0], $0xffff  }
0x31a: {  	v0 =	vadd.f32 v2, v0;
	v2 =	vmul.f32 v26, v62;
	v7 =	vadd.f32 $5.000000000e-01, v7  }
0x31b: {  	v53 =	vor.u32 $0x1, v5;
	v63 =	vmul.f32 $1.904654210e-09, v63;
	v26 =	vld.idx.msk [tilespmem:v52+s14+$0x0], $0xffff;
	v62 =	vsub.f32 v60, v61  }
0x31c: {  	v0 =	vadd.f32 v0, v2;
	v2 =	vmul.f32 v33, v54;
	v7 =	vmul.f32 v7, v17  }
0x31d: {  	v50 =	vor.u32 $0x3, v5;
	v12 =	vor.u32 $0xE, v5;
	v56 =	vld.idx.msk [tilespmem:v51+s14+$0x0], $0xffff;
	v57 =	vadd.f32 v63, v62  }
0x31e: {  	v0 =	vadd.f32 v0, v2;
	v2 =	vmul.f32 v27, v3;
	v7 =	vadd.f32 $1.000000000e+00, v7  }
0x31f: {  	v13 =	vor.u32 $0xE, v6;
	v11 =	vor.u32 $0xF, v5;
	v3 =	vmul.f32 $8.333333770e-03, v57  }
0x320: {  	v41 =	vld.idx.msk [tilespmem:v41+s14+$0x0], $0xffff;
	v0 =	vadd.f32 v0, v2;
	v2 =	vmul.f32 v28, v26;
	v7 =	vmul.f32 v7, v17  }
0x321: {  	v35 =	vld.idx.msk [tilespmem:v36+s10+$0x0], $0xffff;
	v46 =	vor.u32 $0xF, v46;
	v4 =	vshll.u32 v4, $0x17;
	v3 =	vadd.f32 $4.166666790e-02, v3  }
0x322: {  	v59 =	vld [tilespmem:$0x1FFF0];
	v0 =	vadd.f32 v0, v2;
	v2 =	vmul.f32 v29, v56;
	v7 =	vadd.f32 $1.000000000e+00, v7  }
0x323: {  	vm0 =	vmand vm2, vm0;
	v9 =	vor.u32 $0x4, v5;
	v4 =	vadd.s32 $0x3F800000, v4;
	v26 =	vld.idx.msk [tilespmem:v40+s14+$0x0], $0xffff  }
0x324: {  	v3 =	vmul.f32 v3, v57;
	v0 =	vadd.f32 v0, v2;
	v4 =	vmul.f32 v4, v7;
	v7 =	vld [tilespmem:$0x1FF80]  }
0x325: {  	v58 =	vor.u32 $0xC, v5;
	v16 =	vor.u32 $0x3, v6;
	v14 =	vor.u32 $0x4, v6;
	v28 =	vld.idx.msk [tilespmem:v48+s14+$0x0], $0xffff  }
0x326: {  	v60 =	vshrl.u32 v44, $0x10;
	v3 =	vadd.f32 $1.666666570e-01, v3;
	v0 =	vadd.f32 v0, v8;
	v8 =	vld [tilespmem:$0x1FF90]  }
0x327: {  	v61 =	vand.u32 $0x1, v60;
	v63 =	vor.u32 $0xD, v6;
	v27 =	vadd.s32 v49, v38;
	v17 =	vld.idx.msk [tilespmem:v46+s14+$0x0], $0xffff  }
0x328: {  	v62 =	vadd.s32 $0x7FFF, v27;
	v27 =	vadd.s32 v61, v44;
	v2 =	vld.idx.msk [tilespmem:v43+s14+$0x0], $0xffff;
	v3 =	vmul.f32 v3, v57  }
0x329: {  	v15 =	vor.u32 $0x2, v6;
	v44 =	vld [tilespmem:$0x1FF70];
	v27 =	vadd.s32 $0x7FFF, v27;
	v7 =	vmul.f32 v7, v26  }
0x32a: {  	v29 =	vand.u32 $0xFFFF0000, v27;
	v27 =	vld.idx.msk [tilespmem:v47+s10+$0x0], $0xffff;
	v3 =	vadd.f32 $5.000000000e-01, v3;
	v4 =	vmul.f32 $2.666930010e+01, v4  }
0x32b: {  	v24 =	vor.u32 $0xD, v5;
	v47 =	vmovc v30;
	v30 =	vld.idx.msk [tilespmem:v39+s10+$0x0], $0xffff;
	v28 =	vmul.f32 v8, v28;
	v0 =	vadd.f32 v0, v7  }
0x32c: {  	p0 =	sne.s32 s26, $0x70;
	v33 =	vmul.f32 v29, v17;
	v29 =	vld.idx.msk [tilespmem:v42+s10+$0x0], $0xffff;
	v3 =	vmul.f32 v3, v57;
	v4 =	vnsel vm0, $0x0, v4  }
.Ltmp1:
0x32d: {  	v2 =	vmul.f32 v32, v2;
	v32 =	vld.idx.msk [tilespmem:v63+s10+$0x0], $0xffff;
	v7 =	vshrl.u32 v4, $0x10;
	v0 =	vadd.f32 v0, v28;
	(pc) =	sbr.rel @p0 .LBB2_5-.Ltmp1, $4  }
0x32e: {  	v17 =	vand.u32 $0xFFFF0000, v62;
	v26 =	vld.idx.msk [tilespmem:v58+s10+$0x0], $0xffff;
	v3 =	vadd.f32 $1.000000000e+00, v3;
	v7 =	vand.u32 $0x1, v7  }
0x32f: {  	v4 =	vadd.s32 v7, v4;
	v28 =	vld.idx.msk [tilespmem:v31+s10+$0x0], $0xffff;
	v0 =	vadd.f32 v0, v2;
	v2 =	vmul.f32 v17, v41  }
0x330: {  	s30 =	smov.u32 s26;
	s26 =	sadd.s32 $0x10, s26;
	v38 =	vor.u32 $0xC, v6;
	v39 =	vor.u32 $0xF, v6;
	v31 =	vld.idx.msk [tilespmem:v45+s10+$0x0], $0xffff;
	v4 =	vadd.s32 $0x7FFF, v4  }
0x331: {  	s28 =	sadd.s32 $0x10, s28;
	s29 =	sadd.s32 $0x10, s29;
	s25 =	smov.u32 s30;
	v40 =	vmul.f32 v3, v57;
	v45 =	vld [tilespmem:$0x1FFA0];
	v17 =	vand.u32 $0xFFFF0000, v4;
	v37 =	vadd.f32 v0, v2  }
0x332: {  	_ =	sdelay $0x3  }
0x333: {  	v52 =	vld.idx.msk [tilespmem:v38+s10+$0x0], $0xffff  }
0x334: {  	v4 =	vld.idx.msk [tilespmem:v39+s10+$0x0], $0xffff  }
0x335: {  	v7 =	vld.idx.msk [tilespmem:v22+s10+$0x0], $0xffff  }
0x336: {  	v25 =	vld.idx.msk [tilespmem:v25+s10+$0x0], $0xffff  }
0x337: {  	v23 =	vld.idx.msk [tilespmem:v23+s10+$0x0], $0xffff;
	v0 =	vadd.f32 $1.000000000e+00, v40  }
0x338: {  	v2 =	vadd.s32 $0x3F800000, v34;
	v55 =	vld.idx.msk [tilespmem:v20+s10+$0x0], $0xffff  }
0x339: {  	v3 =	vor.u32 $0x8, v5;
	v57 =	vld.idx.msk [tilespmem:v19+s10+$0x0], $0xffff;
	v0 =	vmul.f32 v2, v0  }
0x33a: {  	v18 =	vld.idx.msk [tilespmem:v18+s10+$0x0], $0xffff  }
0x33b: {  	v15 =	vld.idx.msk [tilespmem:v15+s10+$0x0], $0xffff;
	v0 =	vmul.f32 $2.666930010e+01, v0  }
0x33c: {  	v22 =	vmul.f32 v17, v32;
	v14 =	vld.idx.msk [tilespmem:v14+s10+$0x0], $0xffff  }
0x33d: {  	v60 =	vmul.f32 v17, v29;
	v63 =	vmul.f32 v17, v35;
	v16 =	vld.idx.msk [tilespmem:v16+s10+$0x0], $0xffff;
	v0 =	vnsel vm1, $0x0, v0  }
0x33e: {  	v3 =	vld.idx.msk [tilespmem:v3+s10+$0x0], $0xffff;
	v19 =	vmul.f32 v17, v4;
	v58 =	vmul.f32 v17, v52;
	v54 =	vshrl.u32 v0, $0x10  }
0x33f: {  	v25 =	vmul.f32 v17, v25;
	v7 =	vmul.f32 v17, v7;
	v56 =	vand.u32 $0x1, v54  }
0x340: {  	v21 =	vld.idx.msk [tilespmem:v21+s10+$0x0], $0xffff;
	v23 =	vmul.f32 v17, v23;
	v8 =	vmul.f32 v17, v55;
	v0 =	vadd.s32 v56, v0  }
0x341: {  	v41 =	vmul.f32 v17, v18;
	v15 =	vmul.f32 v17, v15;
	v0 =	vadd.s32 $0x7FFF, v0  }
0x342: {  	v24 =	vld.idx.msk [tilespmem:v24+s10+$0x0], $0xffff;
	v14 =	vmul.f32 v17, v14;
	v16 =	vmul.f32 v17, v16;
	v20 =	vand.u32 $0xFFFF0000, v0  }
0x343: {  	v9 =	vld.idx.msk [tilespmem:v9+s10+$0x0], $0xffff;
	v62 =	vadd.f32 v37, v33;
	v61 =	vmul.f32 v20, v30;
	v3 =	vmul.f32 v20, v3  }
0x344: {  	v12 =	vld.idx.msk [tilespmem:v12+s10+$0x0], $0xffff;
	v27 =	vmul.f32 v20, v27;
	v32 =	vmul.f32 v20, v57  }
0x345: {  	v2 =	vsub.f32 v62, v44;
	v21 =	vmul.f32 v20, v21;
	v36 =	vmul.f32 v20, v31  }
0x346: {  	v28 =	vmul.f32 v20, v28;
	v26 =	vmul.f32 v20, v26;
	v0 =	vadd.f32 v60, v61  }
0x347: {  	v24 =	vmul.f32 v20, v24;
	v23 =	vadd.f32 v23, v32;
	v27 =	vadd.f32 v63, v27  }
0x348: {  	v9 =	vmul.f32 v20, v9;
	v3 =	vadd.f32 v8, v3;
	v25 =	vadd.f32 v25, v21  }
0x349: {  	v30 =	vmul.f32 v20, v12;
	v7 =	vadd.f32 v7, v36;
	v4 =	vadd.f32 v58, v26  }
0x34a: {  	v60 =	vmov s25;
	v0 =	vmul.f32 $3.162277640e-01, v0;
	v37 =	vmul.f32 $3.162277640e-01, v27  }
0x34b: {  	v9 =	vadd.f32 v14, v9;
	v23 =	vmul.f32 $3.162277640e-01, v23;
	v3 =	vmul.f32 $3.162277640e-01, v3  }
0x34c: {  	v61 =	vshll.u32 v60, $0x4;
	v25 =	vmul.f32 $3.162277640e-01, v25;
	v7 =	vmul.f32 $3.162277640e-01, v7  }
0x34d: {  	v8 =	vmul.f32 $3.162277640e-01, v4;
	v4 =	vor.u32 v59, v61;
	v9 =	vmul.f32 $3.162277640e-01, v9  }
0x34e: {  	v36 =	vor.u32 $0x7, v4;
	v34 =	vor.u32 $0xA, v4;
	v0 =	vmax.f32 v0, $0.0e+00  }
0x34f: {  	v21 =	vmax.f32 v37, $0.0e+00;
	v23 =	vmax.f32 v23, $0.0e+00;
	v3 =	vmax.f32 v3, $0.0e+00  }
0x350: {  	v25 =	vmax.f32 v25, $0.0e+00;
	v7 =	vmax.f32 v7, $0.0e+00;
	v0 =	vmul.f32 $1.414213540e+00, v0  }
0x351: {  	v37 =	vor.u32 $0x1, v4;
	v39 =	vmul.f32 $1.414213540e+00, v21;
	v23 =	vmul.f32 $1.414213540e+00, v23  }
0x352: {  	v9 =	vmax.f32 v9, $0.0e+00;
	v3 =	vmul.f32 $1.414213540e+00, v3;
	v25 =	vmul.f32 $1.414213540e+00, v25  }
0x353: {  	v7 =	vmul.f32 $1.414213540e+00, v7;
	v9 =	vmul.f32 $1.414213540e+00, v9;
	v38 =	vshrl.u32 v0, $0x10  }
0x354: {  	v40 =	vshrl.u32 v39, $0x10;
	v42 =	vshrl.u32 v23, $0x10;
	v43 =	vshrl.u32 v3, $0x10  }
0x355: {  	v49 =	vld.idx.msk [tilespmem:v6+s10+$0x0], $0xffff;
	v44 =	vshrl.u32 v25, $0x10;
	v48 =	vshrl.u32 v7, $0x10;
	v27 =	vand.u32 $0x1, v38  }
0x356: {  	v56 =	vld.idx.msk [tilespmem:v10+s10+$0x0], $0xffff;
	v18 =	vand.u32 $0x1, v42;
	v46 =	vand.u32 $0x1, v44;
	v0 =	vadd.s32 v27, v0  }
0x357: {  	v26 =	vand.u32 $0x1, v40;
	v38 =	vor.u32 $0x6, v4;
	v0 =	vadd.s32 $0x7FFF, v0  }
0x358: {  	v40 =	vor.u32 $0x3, v4;
	v21 =	vand.u32 $0xFFFF0000, v0;
	v0 =	vadd.f32 v41, v28  }
0x359: {  	v54 =	vld.idx.msk [tilespmem:v5+s10+$0x0], $0xffff;
	v42 =	vor.u32 $0x5, v4;
	v18 =	vadd.s32 v18, v23;
	v23 =	vand.u32 $0x1, v43  }
0x35a: {  	v62 =	vld.idx.msk [tilespmem:v47+s10+$0x0], $0xffff;
	v55 =	vadd.s32 v26, v39;
	v3 =	vadd.s32 v23, v3;
	v0 =	vmul.f32 $3.162277640e-01, v0  }
0x35b: {  	v27 =	vmul.f32 v17, v49;
	v26 =	vmul.f32 v17, v56;
	v3 =	vadd.s32 $0x7FFF, v3  }
0x35c: {  	v58 =	vld.idx.msk [tilespmem:v53+s10+$0x0], $0xffff;
	v39 =	vor.u32 $0x2, v4;
	v23 =	vand.u32 $0xFFFF0000, v3;
	v0 =	vmax.f32 v0, $0.0e+00  }
0x35d: {  	v3 =	vadd.s32 v46, v25;
	v25 =	vand.u32 $0x1, v48;
	v0 =	vmul.f32 $1.414213540e+00, v0  }
0x35e: {  	v57 =	vadd.s32 $0x7FFF, v55;
	v51 =	vadd.s32 v25, v7;
	v25 =	vmul.f32 v20, v54  }
0x35f: {  	v41 =	vor.u32 $0x4, v4;
	v28 =	vmul.f32 v20, v62;
	v52 =	vshrl.u32 v0, $0x10  }
0x360: {  	v63 =	vld.idx.msk [tilespmem:v50+s10+$0x0], $0xffff;
	v3 =	vadd.s32 $0x7FFF, v3;
	v25 =	vadd.f32 v27, v25;
	v7 =	vand.u32 $0x1, v52  }
0x361: {  	v15 =	vadd.f32 v15, v28;
	v0 =	vadd.s32 v7, v0;
	v7 =	vmul.f32 v20, v58  }
0x362: {  	v6 =	vand.u32 $0xFFFF0000, v3;
	v3 =	vadd.s32 $0x7FFF, v51;
	v25 =	vmul.f32 $3.162277640e-01, v25  }
0x363: {  	v54 =	vshrl.u32 v9, $0x10;
	v10 =	vand.u32 $0xFFFF0000, v3;
	v7 =	vadd.f32 v26, v7  }
0x364: {  	v46 =	vmul.f32 $3.162277640e-01, v15;
	v25 =	vmax.f32 v25, $0.0e+00;
	v0 =	vadd.s32 $0x7FFF, v0  }
0x365: {  	v5 =	vand.u32 $0xFFFF0000, v0;
	v0 =	vmul.f32 v20, v63;
	v7 =	vmul.f32 $3.162277640e-01, v7  }
0x366: {  	v3 =	vand.u32 $0xFFFF0000, v57;
	v14 =	vmax.f32 v46, $0.0e+00;
	v25 =	vmul.f32 $1.414213540e+00, v25  }
0x367: {  	v14 =	vmul.f32 $1.414213540e+00, v14;
	v0 =	vadd.f32 v16, v0;
	v7 =	vmax.f32 v7, $0.0e+00  }
0x368: {  	v43 =	vld.idx.msk [tilespmem:v4+s14+$0x0], $0xffff;
	v57 =	vand.u32 $0x1, v54;
	v44 =	vshrl.u32 v25, $0x10;
	v7 =	vmul.f32 $1.414213540e+00, v7  }
0x369: {  	v52 =	vshrl.u32 v14, $0x10;
	v47 =	vand.u32 $0x1, v44;
	v0 =	vmul.f32 $3.162277640e-01, v0  }
0x36a: {  	v50 =	vld.idx.msk [tilespmem:v37+s14+$0x0], $0xffff;
	v27 =	vand.u32 $0x1, v52;
	v15 =	vadd.s32 v47, v25;
	v48 =	vshrl.u32 v7, $0x10  }
0x36b: {  	v15 =	vadd.s32 $0x7FFF, v15;
	v0 =	vmax.f32 v0, $0.0e+00;
	v49 =	vand.u32 $0x1, v48  }
0x36c: {  	v51 =	vld.idx.msk [tilespmem:v39+s14+$0x0], $0xffff;
	v15 =	vand.u32 $0xFFFF0000, v15;
	v0 =	vmul.f32 $1.414213540e+00, v0;
	v7 =	vadd.s32 v49, v7  }
0x36d: {  	v14 =	vadd.s32 v27, v14;
	v15 =	vmul.f32 v15, v43;
	v7 =	vadd.s32 $0x7FFF, v7  }
0x36e: {  	v55 =	vld.idx.msk [tilespmem:v40+s14+$0x0], $0xffff;
	v14 =	vadd.s32 $0x7FFF, v14;
	v53 =	vshrl.u32 v0, $0x10;
	v7 =	vand.u32 $0xFFFF0000, v7  }
0x36f: {  	v11 =	vld.idx.msk [tilespmem:v11+s10+$0x0], $0xffff;
	v15 =	vadd.f32 $0.0e+00, v15;
	v56 =	vand.u32 $0x1, v53;
	v7 =	vmul.f32 v7, v50  }
0x370: {  	v9 =	vadd.s32 v57, v9;
	v26 =	vld.idx.msk [tilespmem:v41+s14+$0x0], $0xffff;
	v14 =	vand.u32 $0xFFFF0000, v14;
	v0 =	vadd.s32 v56, v0  }
0x371: {  	v13 =	vld.idx.msk [tilespmem:v13+s10+$0x0], $0xffff;
	v14 =	vmul.f32 v14, v51;
	v0 =	vadd.s32 $0x7FFF, v0;
	v7 =	vadd.f32 v15, v7  }
0x372: {  	v8 =	vmax.f32 v8, $0.0e+00;
	v60 =	vld.idx.msk [tilespmem:v42+s14+$0x0], $0xffff;
	v9 =	vadd.s32 $0x7FFF, v9;
	v0 =	vand.u32 $0xFFFF0000, v0  }
0x373: {  	v58 =	vor.u32 $0x8, v4;
	v0 =	vmul.f32 v0, v55;
	v7 =	vadd.f32 v7, v14  }
0x374: {  	v11 =	vmul.f32 v20, v11;
	v8 =	vmul.f32 $1.414213540e+00, v8;
	v62 =	vld.idx.msk [tilespmem:v38+s14+$0x0], $0xffff;
	v9 =	vand.u32 $0xFFFF0000, v9  }
0x375: {  	v63 =	vor.u32 $0x9, v4;
	v28 =	vmul.f32 v9, v26;
	v0 =	vadd.f32 v7, v0  }
0x376: {  	v31 =	vmul.f32 v17, v13;
	v11 =	vadd.f32 v19, v11;
	v32 =	vshrl.u32 v8, $0x10;
	v33 =	vld.idx.msk [tilespmem:v36+s14+$0x0], $0xffff  }
0x377: {  	v36 =	vor.u32 $0xB, v4;
	v42 =	vld.idx.msk [tilespmem:v34+s14+$0x0], $0xffff;
	v35 =	vmul.f32 v21, v60;
	v0 =	vadd.f32 v0, v28  }
0x378: {  	v61 =	vadd.f32 v22, v24;
	v13 =	vand.u32 $0x1, v32;
	v40 =	vor.u32 $0xC, v4;
	v15 =	vld.idx.msk [tilespmem:v58+s14+$0x0], $0xffff  }
0x379: {  	v18 =	vadd.s32 $0x7FFF, v18;
	v3 =	vmul.f32 v3, v62;
	v0 =	vadd.f32 v0, v35  }
0x37a: {  	v37 =	vadd.f32 v31, v30;
	v8 =	vadd.s32 v13, v8;
	v18 =	vand.u32 $0xFFFF0000, v18;
	v39 =	vld.idx.msk [tilespmem:v63+s14+$0x0], $0xffff  }
0x37b: {  	v8 =	vadd.s32 $0x7FFF, v8;
	v41 =	vmul.f32 v18, v33;
	v0 =	vadd.f32 v0, v3  }
0x37c: {  	v8 =	vand.u32 $0xFFFF0000, v8;
	v10 =	vmul.f32 v10, v42;
	v16 =	vld.idx.msk [tilespmem:v36+s14+$0x0], $0xffff;
	v43 =	vor.u32 $0xD, v4  }
0x37d: {  	v51 =	vld.idx.msk [tilespmem:v40+s14+$0x0], $0xffff;
	v14 =	vmul.f32 $3.162277640e-01, v61;
	v44 =	vmul.f32 v23, v15;
	v0 =	vadd.f32 v0, v41  }
0x37e: {  	v47 =	vor.u32 $0xE, v4;
	v4 =	vor.u32 $0xF, v4;
	v7 =	vmul.f32 $3.162277640e-01, v37  }
0x37f: {  	v48 =	vmul.f32 v6, v39;
	v38 =	vmax.f32 v14, $0.0e+00;
	v0 =	vadd.f32 v0, v44  }
0x380: {  	v49 =	vmul.f32 $3.162277640e-01, v11;
	v9 =	vmul.f32 $1.414213540e+00, v38;
	v7 =	vmax.f32 v7, $0.0e+00  }
0x381: {  	v5 =	vmul.f32 v5, v16;
	v7 =	vmul.f32 $1.414213540e+00, v7;
	v0 =	vadd.f32 v0, v48  }
0x382: {  	v8 =	vmul.f32 v8, v51;
	v52 =	vmax.f32 v49, $0.0e+00;
	v55 =	vld.idx.msk [tilespmem:v43+s14+$0x0], $0xffff;
	v46 =	vshrl.u32 v9, $0x10  }
0x383: {  	v50 =	vand.u32 $0x1, v46;
	v54 =	vshrl.u32 v7, $0x10;
	v0 =	vadd.f32 v0, v10  }
0x384: {  	v56 =	vld.idx.msk [tilespmem:v47+s14+$0x0], $0xffff;
	v53 =	vadd.s32 v50, v9;
	v3 =	vmul.f32 $1.414213540e+00, v52;
	v9 =	vand.u32 $0x1, v54  }
0x385: {  	v6 =	vadd.s32 $0x7FFF, v53;
	v60 =	vadd.s32 v9, v7;
	v0 =	vadd.f32 v0, v5  }
0x386: {  	v4 =	vld.idx.msk [tilespmem:v4+s14+$0x0], $0xffff;
	v58 =	vand.u32 $0xFFFF0000, v6;
	v57 =	vshrl.u32 v3, $0x10;
	v6 =	vadd.s32 $0x7FFF, v60  }
0x387: {  	v61 =	vand.u32 $0x1, v57;
	v5 =	vmul.f32 v58, v55;
	v0 =	vadd.f32 v0, v8  }
0x388: {  	v1 =	vadd.f32 v2, v1;
	v6 =	vand.u32 $0xFFFF0000, v6;
	v3 =	vadd.s32 v61, v3  }
0x389: {  	v62 =	vmul.f32 v6, v56;
	v3 =	vadd.s32 $0x7FFF, v3;
	v0 =	vadd.f32 v0, v5  }
0x38a: {  	v3 =	vand.u32 $0xFFFF0000, v3  }
0x38b: {  	v63 =	vsub.f32 v1, v45;
	v3 =	vmul.f32 v3, v4;
	v0 =	vadd.f32 v0, v62;
	_ =	sdelay $0x1  }
0x38c: {  	v2 =	vsub.f32 v63, v2;
	v0 =	vadd.f32 v0, v3;
	_ =	sdelay $0x1  }
0x38d: {  	s24 =	sadd.s32 $0x1, s24;
	v0 =	vsub.f32 v0, v2  }
0x38e: {  	p0 =	sne.s32 s24, $0x14  }
.Ltmp2:
0x38f: {  	v60 =	vadd.f32 v0, v1;
	(pc) =	sbr.rel @p0 .LBB2_2-.Ltmp2, $4  }
0x390: {  	_ = 	snop  }
0x391: {  	v1 =	vsub.f32 v60, v1  }
0x392: {  	s21 =	sadd.s32 $0x100, s21  }
0x393: {  	s20 =	sadd.s32 $0x100, s20;
	s22 =	sadd.s32 $0x100, s22;
	s23 =	sadd.s32 $0x100, s23;
	v61 =	vsub.f32 v1, v0  }
0x394: {  	_ =	swait.ge [sflag:s15], $0x800  }
0x395: {  	s19 =	sadd.s32 $0x1, s19;
	[sflag:s15] =	ssyncset.done $0x0  }
0x396: {  	p0 =	sne.s32 s19, s9;
	[sflag:s15] =	ssyncadd.s32 $0xFFFFF800  }
.Ltmp3:
0x397: {  	[tilespmem:$0xADD0] =	vst v60;
	(pc) =	sbr.rel @p0 .LBB2_1-.Ltmp3, $4  }
0x398: {  	[hbm4b:s8+s2] =	stream.linear.scatter [tilespmem:s17], [sflag:$0x4], $0x10, $0x38;
	[tilespmem:$0xADE0] =	vst v63  }
0x399: {  	_ =	swait.ge [sflag:s18], $0x10  }
0x39a: {  	[sflag:s18] =	ssyncset.done $0x0  }
0x39b: {  	[sflag:s18] =	ssyncadd.s32 $0xFFFFFFF0  }
0x39c: {  	_ =	sfence.sel $0x180000  }
0x39d: {  	[bflag:$0x0] =	sbarrier.arrive $0xFFFF  }
0x39e: {  	p0 =	sne.s32 s1, $0x0;
	_ =	strace $0x90000047  }
0x39f: {  	s0 =	sadd.s32 @!p0 $0x100000, s0;
	[bflag:$0x2] =	sbarrier.arrive $0xFFFF  }
0x3a0: {  	[sflag:s0] =	ssyncadd.tile.s32 @!p0 $0x1;
	_ =	shalt  }
.Lfunc_end2:
_tile_overlayer_lowered:
.L_overlay_start_2:
0x3a1: {  	(tag) =	ssettag $0x2  }
0x3a2: {  	s0 =	rddreg [dreg:$0x0];
	s2 =	stileid.u32  }
0x3a3: {  	s1 =	rddreg [dreg:$0x1];
	p0 =	sne.s32 s2, $0x0  }
0x3a4: {  	s3 =	rddreg [dreg:$0x2];
	[bflag:$0x3] =	sbarrier.arrive $0xFFFF;
	s2 =	simm.s32 @!p0 $0x1C04  }
0x3a5: {  	[timem:s3], [sflag:s2] =	dma.local @!p0 [hbm:s0], s1  }
0x3a6: {  	s0 =	simm.s32 @!p0 $0x4  }
0x3a7: {  	_ =	swait.ge @!p0 [sflag:s0], s1  }
0x3a8: {  	s1 =	ssub.s32 @!p0 $0x0, s1;
	[sflag:s0] =	ssyncset.done @!p0 $0x0  }
0x3a9: {  	[sflag:s0] =	ssyncadd.s32 @!p0 s1  }
0x3aa: {  	[bflag:$0x3] =	sbarrier.arrive $0xFFFF  }
0x3ab: {  	_ =	shalt  }

</sc_bundles>
